<compile_context>
chip_gen: v7x
topology: tpu7x:2x2x1
jax: 0.10.2.dev20260603
libtpu: 0.0.44.dev20260713+nightly
codegen_flags: <defaults>
</compile_context>

<pallas_src>
import functools

import jax
import jax.numpy as jnp
from jax import lax
from jax.experimental import pallas as pl
from jax.experimental.pallas import tpu as pltpu
from jax.experimental.pallas import tpu_sc as plsc

_B, _T, _N = 4, 12, 2000
_D, _DFF, _E = 16, 64, 8
_PRED = 12
_EMB, _H = 3000, 3
_BETA, _CW = 0.01, 0.001
_HD = _EMB // _H




def _lin_body(a_ref, w_ref, o_ref):
    o_ref[...] = lax.dot_general(
        w_ref[...], a_ref[...], (((1,), (1,)), ((), ())),
        preferred_element_type=jnp.float32)


def _lin(a, w):
    m, k = a.shape
    n, _ = w.shape
    bn = n if n <= 256 else 200
    out_t = pl.pallas_call(
        _lin_body,
        grid=(n // bn,),
        in_specs=[
            pl.BlockSpec((m, k), lambda i: (0, 0)),
            pl.BlockSpec((bn, k), lambda i: (i, 0)),
        ],
        out_specs=pl.BlockSpec((bn, m), lambda i: (i, 0)),
        out_shape=jax.ShapeDtypeStruct((n, m), jnp.float32),
    )(a, w)
    return out_t.T



_MOE_BLK = 2000


def _moe_body(x_ref, gates_ref, wst_ref, bst_ref, w1t_ref, b1_ref, w2t_ref,
              b2_ref, out_ref, imp_ref, load_ref):
    tok = wst_ref[...] * x_ref[0] + bst_ref[...]
    gates = gates_ref[0]

    y = jnp.zeros_like(tok)
    for e in range(_E):
        h = jnp.maximum(
            jnp.dot(w1t_ref[e], tok, preferred_element_type=jnp.float32)
            + b1_ref[e], 0.0)
        eo = jnp.dot(w2t_ref[e], h,
                     preferred_element_type=jnp.float32) + b2_ref[e]
        y = y + gates[e:e + 1, :] * eo
    out_ref[0] = tok + y

    @pl.when(pl.program_id(0) == 0)
    def _():
        imp_ref[...] = jnp.zeros_like(imp_ref)
        load_ref[...] = jnp.zeros_like(load_ref)

    imp_ref[...] += jnp.sum(gates, axis=1, keepdims=True)
    load_ref[...] += jnp.sum((gates > 0.0).astype(jnp.float32),
                             axis=1, keepdims=True)


def _moe(x_bt, gates3, w_start, b_start, w1, b1, w2, b2):
    nbt = x_bt.shape[0]
    wst = w_start.reshape(_D, 1)
    bst = b_start.reshape(_D, 1)
    w1t = w1.transpose(0, 2, 1)
    w2t = w2.transpose(0, 2, 1)
    b1r = b1.reshape(_E, _DFF, 1)
    b2r = b2.reshape(_E, _D, 1)
    zero2 = lambda i: (0, 0)
    zero3 = lambda i: (0, 0, 0)
    return pl.pallas_call(
        _moe_body,
        grid=(nbt,),
        in_specs=[
            pl.BlockSpec((1, 1, _N), lambda i: (i, 0, 0)),
            pl.BlockSpec((1, _E, _N), lambda i: (i, 0, 0)),
            pl.BlockSpec((_D, 1), zero2),
            pl.BlockSpec((_D, 1), zero2),
            pl.BlockSpec((_E, _DFF, _D), zero3),
            pl.BlockSpec((_E, _DFF, 1), zero3),
            pl.BlockSpec((_E, _D, _DFF), zero3),
            pl.BlockSpec((_E, _D, 1), zero3),
        ],
        out_specs=[
            pl.BlockSpec((1, _D, _N), lambda i: (i, 0, 0)),
            pl.BlockSpec((_E, 1), zero2),
            pl.BlockSpec((_E, 1), zero2),
        ],
        out_shape=[
            jax.ShapeDtypeStruct((nbt, _D, _N), jnp.float32),
            jax.ShapeDtypeStruct((_E, 1), jnp.float32),
            jax.ShapeDtypeStruct((_E, 1), jnp.float32),
        ],
    )(x_bt.reshape(nbt, 1, _N), gates3, wst, bst, w1t, b1r, w2t, b2r)



_NV = _N // 16


def _sc_gates(logits3):
    nbt = logits3.shape[0]
    info = plsc.get_sparse_core_info()
    nc, ns = info.num_cores, info.num_subcores
    nw = nc * ns

    @functools.partial(
        pl.kernel,
        mesh=plsc.VectorSubcoreMesh(core_axis_name="c", subcore_axis_name="s"),
        out_type=jax.ShapeDtypeStruct((nbt, _E, _N), jnp.float32),
        scratch_types=[
            pltpu.VMEM((_E, _N), jnp.float32),
            pltpu.VMEM((_E, _N), jnp.float32),
        ],
    )
    def k(lg_hbm, out_hbm, lg_v, gt_v):
        wid = lax.axis_index("s") * nc + lax.axis_index("c")

        def do_row(r):
            pltpu.sync_copy(lg_hbm.at[r], lg_v)

            def body(i, carry):
                sl = pl.ds(i * 16, 16)
                v = [lg_v[e, sl] for e in range(_E)]
                m1 = v[0]
                for e in range(1, _E):
                    m1 = jnp.maximum(m1, v[e])
                i1 = jnp.full((16,), _E, jnp.int32)
                for e in range(_E):
                    i1 = jnp.where((v[e] == m1) & (i1 == _E), e, i1)
                m2 = jnp.full((16,), -1e30, jnp.float32)
                for e in range(_E):
                    m2 = jnp.maximum(m2, jnp.where(i1 == e, -1e30, v[e]))
                i2 = jnp.full((16,), _E, jnp.int32)
                for e in range(_E):
                    keep = (v[e] == m2) & (i2 == _E) & (i1 != e)
                    i2 = jnp.where(keep, e, i2)
                e2 = jnp.exp(m2 - m1)
                den = 1.0 + e2
                g1 = 1.0 / den
                g2 = e2 / den
                for e in range(_E):
                    gt_v[e, sl] = jnp.where(
                        i1 == e, g1, jnp.where(i2 == e, g2, 0.0))
                return carry

            lax.fori_loop(0, _NV, body, 0)
            pltpu.sync_copy(gt_v, out_hbm.at[r])

        do_row(wid)

        @pl.when(wid < nbt - nw)
        def _():
            do_row(wid + nw)

    return k(logits3)


def _logits_body(x_ref, wst_ref, bst_ref, wgt_ref, lg_ref):
    tok = wst_ref[...] * x_ref[0] + bst_ref[...]
    lg_ref[0] = jnp.dot(wgt_ref[...], tok,
                        preferred_element_type=jnp.float32)


def _logits(x_bt, w_start, b_start, wg):
    nbt = x_bt.shape[0]
    zero2 = lambda i: (0, 0)
    return pl.pallas_call(
        _logits_body,
        grid=(nbt,),
        in_specs=[
            pl.BlockSpec((1, 1, _N), lambda i: (i, 0, 0)),
            pl.BlockSpec((_D, 1), zero2),
            pl.BlockSpec((_D, 1), zero2),
            pl.BlockSpec((_E, _D), zero2),
        ],
        out_specs=pl.BlockSpec((1, _E, _N), lambda i: (i, 0, 0)),
        out_shape=jax.ShapeDtypeStruct((nbt, _E, _N), jnp.float32),
    )(x_bt.reshape(nbt, 1, _N), w_start.reshape(_D, 1),
      b_start.reshape(_D, 1), wg.T)



_ST_BLK = 200


def _stats_body(v0_ref, adj_ref, ld_ref, lh_ref, lt_ref, hv_ref,
                p1_ref, p2_ref, p3_ref, acc_ref):
    i = pl.program_id(0)
    g = jnp.maximum(v0_ref[...] / adj_ref[...], 0.0)
    g = jnp.where(jnp.isinf(g), 0.0, g)
    rs = jnp.sum(g, axis=1, keepdims=True)
    rows = lax.broadcasted_iota(jnp.int32, g.shape, 0) + i * _ST_BLK
    cols = lax.broadcasted_iota(jnp.int32, g.shape, 1)
    ln = jnp.where(rows == cols, rs - g, -g)

    @pl.when(i == 0)
    def _():
        acc_ref[...] = jnp.zeros_like(acc_ref)
        p1_ref[...] = jnp.zeros_like(p1_ref)
        p2_ref[...] = jnp.zeros_like(p2_ref)
        p3_ref[...] = jnp.zeros_like(p3_ref)

    ld = ld_ref[...]
    lh = lh_ref[...]
    lt = lt_ref[...]
    hv = hv_ref[...]
    dims = (((0,), (0,)), ((), ()))
    p1_ref[...] += lax.dot_general(lt, ld, dims,
                                   preferred_element_type=jnp.float32)
    p2_ref[...] += lax.dot_general(hv, ln, dims,
                                   preferred_element_type=jnp.float32)
    p3_ref[...] += lax.dot_general(lt, lh, dims,
                                   preferred_element_type=jnp.float32)
    lane = lax.broadcasted_iota(jnp.int32, (1, 8), 1)
    contrib = (jnp.sum(ld).reshape(1, 1) * (lane == 0)
               + jnp.sum(ld * ld).reshape(1, 1) * (lane == 1)
               + jnp.sum(lh).reshape(1, 1) * (lane == 2)
               + jnp.sum(lh * lh).reshape(1, 1) * (lane == 3)
               + jnp.sum(ln).reshape(1, 1) * (lane == 4)
               + jnp.sum(ln * ln).reshape(1, 1) * (lane == 5))
    acc_ref[...] += contrib


def _lap_stats(v0, adj, ld, lh, lowT_t, highV_t):
    grid = (_N // _ST_BLK,)
    nbt = lowT_t.shape[1]
    row = lambda i: (i, 0)
    zero = lambda i: (0, 0)
    return pl.pallas_call(
        _stats_body,
        grid=grid,
        in_specs=[
            pl.BlockSpec((_ST_BLK, 1), row),
            pl.BlockSpec((_ST_BLK, _N), row),
            pl.BlockSpec((_ST_BLK, _N), row),
            pl.BlockSpec((_ST_BLK, _N), row),
            pl.BlockSpec((_ST_BLK, nbt), row),
            pl.BlockSpec((_ST_BLK, nbt), row),
        ],
        out_specs=[
            pl.BlockSpec((nbt, _N), zero),
            pl.BlockSpec((nbt, _N), zero),
            pl.BlockSpec((nbt, _N), zero),
            pl.BlockSpec((1, 8), zero),
        ],
        out_shape=[
            jax.ShapeDtypeStruct((nbt, _N), jnp.float32),
            jax.ShapeDtypeStruct((nbt, _N), jnp.float32),
            jax.ShapeDtypeStruct((nbt, _N), jnp.float32),
            jax.ShapeDtypeStruct((1, 8), jnp.float32),
        ],
    )(v0.reshape(_N, 1), adj, ld, lh, lowT_t, highV_t)



def _attn_body(q_ref, k_ref, v_ref, o_ref):
    q = q_ref[0]
    k = k_ref[0]
    v = v_ref[0]
    s = lax.dot_general(q, k, (((1,), (1,)), ((), ())),
                        preferred_element_type=jnp.float32)
    s = s * (1.0 / jnp.sqrt(jnp.float32(_HD)))
    m = jnp.max(s, axis=1, keepdims=True)
    p = jnp.exp(s - m)
    a = p / jnp.sum(p, axis=1, keepdims=True)
    o_ref[0] = jnp.dot(a, v, preferred_element_type=jnp.float32)


def _attn(qs, ks, vs):
    nb = qs.shape[0]
    spec = pl.BlockSpec((1, _T, _HD), lambda i: (i, 0, 0))
    return pl.pallas_call(
        _attn_body,
        grid=(nb,),
        in_specs=[spec, spec, spec],
        out_specs=spec,
        out_shape=jax.ShapeDtypeStruct((nb, _T, _HD), jnp.float32),
    )(qs, ks, vs)



_CTR_BLK = 200


def _ctr_body(a_ref, b_ref, acc_ref):
    i = pl.program_id(0)

    @pl.when(i == 0)
    def _():
        acc_ref[...] = jnp.zeros_like(acc_ref)

    a = a_ref[...]
    b = b_ref[...]
    s = lax.dot_general(a, b, (((1,), (1,)), ((), ())),
                        preferred_element_type=jnp.float32) / 0.1
    lse = jnp.log(jnp.sum(jnp.exp(s), axis=1))
    bs = b_ref[pl.ds(i * _CTR_BLK, _CTR_BLK), :]
    diag = jnp.sum(a * bs, axis=1) / 0.1
    acc_ref[...] += jnp.sum(lse - diag).reshape(1, 1)


def _contrastive(ofn, o2fn):
    nr = ofn.shape[0]
    grid = (nr // _CTR_BLK,)
    acc = pl.pallas_call(
        _ctr_body,
        grid=grid,
        in_specs=[
            pl.BlockSpec((_CTR_BLK, _PRED), lambda i: (i, 0)),
            pl.BlockSpec((nr, _PRED), lambda i: (0, 0)),
        ],
        out_specs=pl.BlockSpec((1, 1), lambda i: (0, 0)),
        out_shape=jax.ShapeDtypeStruct((1, 1), jnp.float32),
    )(ofn, o2fn)
    return acc[0, 0] / nr



def _wavelet(x):
    prev = jnp.concatenate([x[:, :1, :], x[:, :-1, :]], axis=1)
    low = 0.5 * (x + prev)
    return low, x - low


def _norm_range(t):
    tmin = jnp.min(t)
    tmax = jnp.max(t)
    rng = tmax - tmin
    safe = jnp.where(rng < 1e-8, 1.0, rng)
    out = (t - tmin) / safe
    return jnp.where(rng < 1e-8, jnp.zeros_like(t), out)


def _cv(z):
    return jnp.var(z) / (jnp.mean(z) ** 2 + 1e-10)



def kernel(x, velo, adj_haversine, laplacian_diff, laplacian_heat,
           W_start, b_start, Wg, W1, b1, W2, b2, W_proj, b_proj,
           W_lt, b_lt, W_ll, b_ll, Wq, bq, Wk, bk, Wv, bv, Wo, bo,
           W_p2, b_p2):
    x_bt = x.reshape(_B * _T, _N)
    gates3 = _sc_gates(_logits(x_bt, W_start, b_start, Wg))
    out_tok, imp, load = _moe(x_bt, gates3, W_start, b_start,
                              W1, b1, W2, b2)
    balance_loss = _cv(imp[:, 0]) + _cv(load[:, 0])

    outp = (out_tok.reshape(_B, _T, _D, _N)
            .transpose(0, 3, 1, 2).reshape(_B * _N, _T * _D))
    out_main = (_lin(outp, W_proj) + b_proj).reshape(_B, _N, _PRED)
    out_main = out_main.transpose(0, 2, 1)

    low_T, _high_T = _wavelet(x)
    _low_V, high_V = _wavelet(velo)
    lowT = low_T.reshape(_B * _T, _N)
    highV = high_V.reshape(_B * _T, _N)
    rs_low = jnp.sum(lowT, axis=1, keepdims=True)
    rs_high = jnp.sum(highV, axis=1, keepdims=True)

    v0 = velo[0, 0]
    p1r, p2r, p3r, acc = _lap_stats(v0, adj_haversine, laplacian_diff,
                                    laplacian_heat, lowT.T, highV.T)
    nn = jnp.float32(_N * _N)

    def _mustd(s, ss):
        mu = s / nn
        sd = jnp.sqrt((ss - nn * mu * mu) / (nn - 1.0))
        return mu, sd

    mu_ld, sd_ld = _mustd(acc[0, 0], acc[0, 1])
    mu_lh, sd_lh = _mustd(acc[0, 2], acc[0, 3])
    mu_ln, sd_ln = _mustd(acc[0, 4], acc[0, 5])

    p1 = (p1r - mu_ld * rs_low) / sd_ld
    p2 = (p2r - mu_ln * rs_high) / sd_ln
    p3 = (p3r - mu_lh * rs_low) / sd_lh

    a_cat = jnp.concatenate(
        [_norm_range(p1), _norm_range(p2), _norm_range(p3)], axis=0)

    r_all = _lin(a_cat, W_lt) + b_lt
    r_all = (r_all.reshape(3, _B, _T, _EMB)
             .transpose(0, 2, 1, 3).reshape(3 * _T * _B, _EMB))

    pq = _lin(r_all, Wq) + bq
    pk = _lin(r_all, Wk) + bk
    pv = _lin(r_all, Wv) + bv

    def _to_bh(p):
        return (p.reshape(3, _T, _B, _H, _HD)
                .transpose(0, 2, 3, 1, 4))

    pq5, pk5, pv5 = _to_bh(pq), _to_bh(pk), _to_bh(pv)
    qs = pq5.reshape(3 * _B * _H, _T, _HD)
    ks = jnp.concatenate([pk5[1:2], pk5[2:3], pk5[0:1]],
                         axis=0).reshape(3 * _B * _H, _T, _HD)
    vs = jnp.concatenate([pv5[2:3], pv5[0:1], pv5[1:2]],
                         axis=0).reshape(3 * _B * _H, _T, _HD)

    o = _attn(qs, ks, vs)
    o = (o.reshape(3, _B, _H, _T, _HD)
         .transpose(0, 3, 1, 2, 4).reshape(3 * _T * _B, _EMB))
    o = _lin(o, Wo) + bo

    o_sum = (o.reshape(3, _T * _B, _EMB)[0]
             + o.reshape(3, _T * _B, _EMB)[1]
             + o.reshape(3, _T * _B, _EMB)[2])
    r_sum = _lin(o_sum, W_ll) + 3.0 * b_ll
    out2 = _BETA * (r_sum.reshape(_T, _B, _N)
                    .transpose(1, 0, 2))

    out2 = (_lin(out2.reshape(-1, 12), W_p2) + b_p2)
    out2 = out2.reshape(_B, _N, 12).transpose(0, 2, 1)

    out_3 = out_main + out2

    of = out_main.transpose(0, 2, 1).reshape(_B * _N, -1)
    o2f = out2.transpose(0, 2, 1).reshape(_B * _N, -1)
    of = of / jnp.maximum(jnp.linalg.norm(of, axis=1, keepdims=True), 1e-12)
    o2f = o2f / jnp.maximum(jnp.linalg.norm(o2f, axis=1, keepdims=True), 1e-12)
    ce = _contrastive(of, o2f)

    return (out_3, balance_loss, _CW * ce)

# --- scband reference (transcript-rebuilt; emitter-appended) ---
"""Pipeline reference for scband-model-69707319214495 (READ-ONLY COPY).

The authoritative reference and input builder live on the scoring server;
editing this copy changes nothing except your own understanding.
"""

import jax, jax.numpy as jnp
import numpy as np

B, T, N = 4, 12, 2000
D, DFF, E, TOPK = 16, 64, 8, 2
PRED = 12
EMB, H = 3000, 3
BETA, CW = 0.01, 0.001


def linear(x, W, b):
    return x @ W.T + b


def wavelet(x):
    prev = jnp.concatenate([x[:, :1, :], x[:, :-1, :]], axis=1)
    low = 0.5 * (x + prev)
    return low, x - low


def std_norm(m):
    return (m - jnp.mean(m)) / jnp.std(m, ddof=1)


def norm_range(t, mn=0.0, mx=1.0):
    tmin = jnp.min(t)
    tmax = jnp.max(t)
    rng = tmax - tmin
    safe = jnp.where(rng < 1e-8, 1.0, rng)
    out = (t - tmin) / safe * (mx - mn) + mn
    return jnp.where(rng < 1e-8, jnp.full_like(t, mn), out)


def mha(q, k, v, Wq, bq, Wk, bk, Wv, bv, Wo, bo):
    L, Bt, Em = q.shape
    d = Em // H
    Q = linear(q, Wq, bq).reshape(L, Bt, H, d).transpose(1, 2, 0, 3)
    K = linear(k, Wk, bk).reshape(L, Bt, H, d).transpose(1, 2, 0, 3)
    V = linear(v, Wv, bv).reshape(L, Bt, H, d).transpose(1, 2, 0, 3)
    A = jax.nn.softmax(Q @ K.transpose(0, 1, 3, 2) / jnp.sqrt(d), axis=-1)
    O = (A @ V).transpose(2, 0, 1, 3).reshape(L, Bt, Em)
    return linear(O, Wo, bo)


def moe(tokens, Wg, W1, b1, W2, b2):
    logits = tokens @ Wg
    topv, topi = jax.lax.top_k(logits, TOPK)
    gk = jax.nn.softmax(topv, axis=-1)
    n = tokens.shape[0]
    gates = jnp.zeros((n, E), tokens.dtype).at[jnp.arange(n)[:, None], topi].set(gk)
    h = jax.nn.relu(jnp.einsum('td,edf->etf', tokens, W1) + b1[:, None, :])
    eo = jnp.einsum('etf,efd->etd', h, W2) + b2[:, None, :]
    y = jnp.einsum('te,etd->td', gates, eo)
    imp = gates.sum(0)
    load = (gates > 0).astype(tokens.dtype).sum(0)
    cv = lambda z: jnp.var(z) / (jnp.mean(z) ** 2 + 1e-10)
    return y, cv(imp) + cv(load)


def setup_inputs():
    ks = jax.random.split(jax.random.key(0), 20)
    s = lambda i, shape, sc=0.02: jax.random.normal(ks[i], shape, jnp.float32) * sc
    return {
        'x': jax.random.normal(ks[0], (B, T, N), jnp.float32),
        'velo': jax.random.uniform(ks[1], (B, T, N), jnp.float32, 0.01, 1.0),
        'adj_haversine': jax.random.uniform(ks[2], (N, N), jnp.float32, 0.01, 1.0),
        'laplacian_diff': jax.random.normal(ks[3], (N, N), jnp.float32),
        'laplacian_heat': jax.random.normal(ks[4], (N, N), jnp.float32),
        'W_start': s(5, (D, 1), 0.1), 'b_start': jnp.zeros((D,), jnp.float32),
        'Wg': s(6, (D, E), 0.1),
        'W1': s(7, (E, D, DFF), 0.05), 'b1': jnp.zeros((E, DFF), jnp.float32),
        'W2': s(8, (E, DFF, D), 0.05), 'b2': jnp.zeros((E, D), jnp.float32),
        'W_proj': s(9, (PRED, T * D), 0.05), 'b_proj': jnp.zeros((PRED,), jnp.float32),
        'W_lt': s(10, (EMB, N), 0.01), 'b_lt': jnp.zeros((EMB,), jnp.float32),
        'W_ll': s(11, (N, EMB), 0.01), 'b_ll': jnp.zeros((N,), jnp.float32),
        'Wq': s(12, (EMB, EMB), 0.005), 'bq': jnp.zeros((EMB,), jnp.float32),
        'Wk': s(13, (EMB, EMB), 0.005), 'bk': jnp.zeros((EMB,), jnp.float32),
        'Wv': s(14, (EMB, EMB), 0.005), 'bv': jnp.zeros((EMB,), jnp.float32),
        'Wo': s(15, (EMB, EMB), 0.005), 'bo': jnp.zeros((EMB,), jnp.float32),
        'W_p2': s(16, (12, 12), 0.1), 'b_p2': jnp.zeros((12,), jnp.float32),
    }


def reference(x, velo, adj_haversine, laplacian_diff, laplacian_heat, W_start, b_start, Wg, W1, b1, W2, b2, W_proj, b_proj, W_lt, b_lt, W_ll, b_ll, Wq, bq, Wk, bk, Wv, bv, Wo, bo, W_p2, b_p2):
    out = linear(x[..., None], W_start, b_start)
    y, balance_loss = moe(out.reshape(-1, D), Wg, W1, b1, W2, b2)
    out = out + y.reshape(B, T, N, D)
    low_T, high_T = wavelet(x)
    low_V, high_V = wavelet(velo)
    v0 = velo[0, 0]
    G = jnp.maximum(0.0, v0[:, None] / adj_haversine)
    G = jnp.where(jnp.isinf(G), 0.0, G)
    lap_ns = jnp.diag(jnp.sum(G, axis=1)) - G
    ld = std_norm(laplacian_diff)
    lh = std_norm(laplacian_heat)
    ln = jnp.nan_to_num(std_norm(lap_ns), nan=0.0)
    out = out.transpose(0, 2, 1, 3).reshape(B, N, T * D)
    out = linear(out, W_proj, b_proj).transpose(0, 2, 1)
    lowT = low_T.reshape(B, 12, N)
    highV = high_V.reshape(B, 12, N)
    r1 = linear(norm_range(lowT @ ld), W_lt, b_lt).transpose(1, 0, 2)
    r2 = linear(norm_range(highV @ ln), W_lt, b_lt).transpose(1, 0, 2)
    r3 = linear(norm_range(lowT @ lh), W_lt, b_lt).transpose(1, 0, 2)
    o1 = mha(r1, r2, r3, Wq, bq, Wk, bk, Wv, bv, Wo, bo)
    o2 = mha(r2, r3, r1, Wq, bq, Wk, bk, Wv, bv, Wo, bo)
    o3 = mha(r3, r1, r2, Wq, bq, Wk, bk, Wv, bv, Wo, bo)
    r1 = linear(o1, W_ll, b_ll).transpose(1, 0, 2)
    r2 = linear(o2, W_ll, b_ll).transpose(1, 0, 2)
    r3 = linear(o3, W_ll, b_ll).transpose(1, 0, 2)
    out2 = BETA * (r1 + r2 + r3)
    out2 = linear(out2.reshape(-1, 12), W_p2, b_p2).reshape(4, 2000, 12).transpose(0, 2, 1)
    out_3 = out + out2
    of = out.transpose(0, 2, 1).reshape(B * N, -1)
    o2f = out2.transpose(0, 2, 1).reshape(B * N, -1)
    of = of / jnp.maximum(jnp.linalg.norm(of, axis=1, keepdims=True), 1e-12)
    o2f = o2f / jnp.maximum(jnp.linalg.norm(o2f, axis=1, keepdims=True), 1e-12)
    sim = (of @ o2f.T) / 0.1
    idx = jnp.arange(B * N)
    ce = jnp.mean(jax.nn.logsumexp(sim, axis=1) - sim[idx, idx])
    return (out_3, balance_loss, CW * ce)

if __name__ == "__main__":
    import jax
    _d = setup_inputs()
    print(jax.jit(kernel)(*tuple(_d.values())))

</pallas_src>

<mosaic_0001>
#map = affine_map<(d0, d1) -> (0, 0, 0)>
module attributes {stable_mosaic.version = 14 : i64} {
  func.func @k(%arg0: i32, %arg1: i32, %arg2: memref<48x8x2000xf32, #tpu.memory_space<hbm>>, %arg3: memref<48x8x2000xf32, #tpu.memory_space<hbm>>, %arg4: memref<8x2000xf32, #tpu.memory_space<vmem>>, %arg5: memref<8x2000xf32, #tpu.memory_space<vmem>>) attributes {dimension_semantics = [#tpu.dimension_semantics<core_parallel>, #tpu.dimension_semantics<subcore_parallel>], iteration_bounds = array<i64: 2, 16>, scalar_prefetch = 0 : i64, scratch_operands = 2 : i64, tpu.core_type = #tpu.core_type<sc_vector_subcore>, window_params = [{transform_indices = #map}, {transform_indices = #map}]} {
    %mul3A = arith.constant 2 : i32
    %mul3A_0 = arith.muli %arg1, %mul3A : i32
    %add3A = arith.addi %mul3A_0, %arg0 : i32
    "tpu.region"() ({
      %run_scoped3A = tpu.sem_alloc : memref<!tpu.dma_semaphore, #tpu.memory_space<semaphore_mem>>
      %dma_start3A = arith.constant 0 : i32
      %dma_start3A_8 = arith.constant 0 : i32
      %dma_start3A_9 = tpu.memref_slice %arg2[%add3A, %dma_start3A, %dma_start3A_8] : memref<48x8x2000xf32, #tpu.memory_space<hbm>> -> memref<1x8x2000xf32, #tpu.memory_space<hbm>>
      %dma_start3A_10 = tpu.memref_squeeze %dma_start3A_9 : memref<1x8x2000xf32, #tpu.memory_space<hbm>> -> memref<8x2000xf32, #tpu.memory_space<hbm>>
      %dma_start3A_11 = arith.constant 0 : i32
      %dma_start3A_12 = arith.constant 0 : i32
      %dma_start3A_13 = tpu.memref_slice %arg2[%add3A, %dma_start3A_11, %dma_start3A_12] : memref<48x8x2000xf32, #tpu.memory_space<hbm>> -> memref<1x8x2000xf32, #tpu.memory_space<hbm>>
      %dma_start3A_14 = tpu.memref_squeeze %dma_start3A_13 : memref<1x8x2000xf32, #tpu.memory_space<hbm>> -> memref<8x2000xf32, #tpu.memory_space<hbm>>
      tpu.enqueue_dma source(%dma_start3A_14 : memref<8x2000xf32, #tpu.memory_space<hbm>>) target(%arg4 : memref<8x2000xf32, #tpu.memory_space<vmem>>) target_semaphore(%run_scoped3A : memref<!tpu.dma_semaphore, #tpu.memory_space<semaphore_mem>>)
      %dma_wait3A = arith.constant 0 : i32
      %dma_wait3A_15 = arith.constant 0 : i32
      %dma_wait3A_16 = tpu.memref_slice %arg2[%add3A, %dma_wait3A, %dma_wait3A_15] : memref<48x8x2000xf32, #tpu.memory_space<hbm>> -> memref<1x8x2000xf32, #tpu.memory_space<hbm>>
      %dma_wait3A_17 = tpu.memref_squeeze %dma_wait3A_16 : memref<1x8x2000xf32, #tpu.memory_space<hbm>> -> memref<8x2000xf32, #tpu.memory_space<hbm>>
      %dma_wait3A_18 = arith.constant 0 : i32
      %dma_wait3A_19 = arith.constant 0 : i32
      %dma_wait3A_20 = tpu.memref_slice %arg2[%add3A, %dma_wait3A_18, %dma_wait3A_19] : memref<48x8x2000xf32, #tpu.memory_space<hbm>> -> memref<1x8x2000xf32, #tpu.memory_space<hbm>>
      %dma_wait3A_21 = tpu.memref_squeeze %dma_wait3A_20 : memref<1x8x2000xf32, #tpu.memory_space<hbm>> -> memref<8x2000xf32, #tpu.memory_space<hbm>>
      tpu.wait_dma2 semaphore(%run_scoped3A : memref<!tpu.dma_semaphore, #tpu.memory_space<semaphore_mem>>) src(%dma_wait3A_21 : memref<8x2000xf32, #tpu.memory_space<hbm>>) dst(%arg4 : memref<8x2000xf32, #tpu.memory_space<vmem>>)
      tpu.yield
    }) : () -> ()
    %scan3A = arith.constant 0 : i32
    %scan3A_1 = arith.constant 0 : i32
    %scan3A_2 = arith.constant 125 : i32
    %scan3A_3 = arith.addi %scan3A_1, %scan3A_2 : i32
    %scan3A_4 = arith.constant 1 : i32
    scf.for %scan3A_8 = %scan3A_1 to %scan3A_3 step %scan3A_4  : i32 {
      %mul3A_9 = arith.constant 16 : i32
      %mul3A_10 = arith.muli %scan3A_8, %mul3A_9 : i32
      %get3A = arith.constant 0 : i32
      %get3A_11 = arith.index_cast %get3A : i32 to index
      %get3A_12 = arith.index_cast %mul3A_10 : i32 to index
      %get3A_13 = tpu.vector_load %arg4[%get3A_11, %get3A_12] {strides = array<i32>} : memref<8x2000xf32, #tpu.memory_space<vmem>>, vector<1x16xf32>,
      %get3A_14 = vector.shape_cast %get3A_13 : vector<1x16xf32> to vector<16xf32>
      %get3A_15 = arith.constant 1 : i32
      %get3A_16 = arith.index_cast %get3A_15 : i32 to index
      %get3A_17 = arith.index_cast %mul3A_10 : i32 to index
      %get3A_18 = tpu.vector_load %arg4[%get3A_16, %get3A_17] {strides = array<i32>} : memref<8x2000xf32, #tpu.memory_space<vmem>>, vector<1x16xf32>,
      %get3A_19 = vector.shape_cast %get3A_18 : vector<1x16xf32> to vector<16xf32>
      %get3A_20 = arith.constant 2 : i32
      %get3A_21 = arith.index_cast %get3A_20 : i32 to index
      %get3A_22 = arith.index_cast %mul3A_10 : i32 to index
      %get3A_23 = tpu.vector_load %arg4[%get3A_21, %get3A_22] {strides = array<i32>} : memref<8x2000xf32, #tpu.memory_space<vmem>>, vector<1x16xf32>,
      %get3A_24 = vector.shape_cast %get3A_23 : vector<1x16xf32> to vector<16xf32>
      %get3A_25 = arith.constant 3 : i32
      %get3A_26 = arith.index_cast %get3A_25 : i32 to index
      %get3A_27 = arith.index_cast %mul3A_10 : i32 to index
      %get3A_28 = tpu.vector_load %arg4[%get3A_26, %get3A_27] {strides = array<i32>} : memref<8x2000xf32, #tpu.memory_space<vmem>>, vector<1x16xf32>,
      %get3A_29 = vector.shape_cast %get3A_28 : vector<1x16xf32> to vector<16xf32>
      %get3A_30 = arith.constant 4 : i32
      %get3A_31 = arith.index_cast %get3A_30 : i32 to index
      %get3A_32 = arith.index_cast %mul3A_10 : i32 to index
      %get3A_33 = tpu.vector_load %arg4[%get3A_31, %get3A_32] {strides = array<i32>} : memref<8x2000xf32, #tpu.memory_space<vmem>>, vector<1x16xf32>,
      %get3A_34 = vector.shape_cast %get3A_33 : vector<1x16xf32> to vector<16xf32>
      %get3A_35 = arith.constant 5 : i32
      %get3A_36 = arith.index_cast %get3A_35 : i32 to index
      %get3A_37 = arith.index_cast %mul3A_10 : i32 to index
      %get3A_38 = tpu.vector_load %arg4[%get3A_36, %get3A_37] {strides = array<i32>} : memref<8x2000xf32, #tpu.memory_space<vmem>>, vector<1x16xf32>,
      %get3A_39 = vector.shape_cast %get3A_38 : vector<1x16xf32> to vector<16xf32>
      %get3A_40 = arith.constant 6 : i32
      %get3A_41 = arith.index_cast %get3A_40 : i32 to index
      %get3A_42 = arith.index_cast %mul3A_10 : i32 to index
      %get3A_43 = tpu.vector_load %arg4[%get3A_41, %get3A_42] {strides = array<i32>} : memref<8x2000xf32, #tpu.memory_space<vmem>>, vector<1x16xf32>,
      %get3A_44 = vector.shape_cast %get3A_43 : vector<1x16xf32> to vector<16xf32>
      %get3A_45 = arith.constant 7 : i32
      %get3A_46 = arith.index_cast %get3A_45 : i32 to index
      %get3A_47 = arith.index_cast %mul3A_10 : i32 to index
      %get3A_48 = tpu.vector_load %arg4[%get3A_46, %get3A_47] {strides = array<i32>} : memref<8x2000xf32, #tpu.memory_space<vmem>>, vector<1x16xf32>,
      %get3A_49 = vector.shape_cast %get3A_48 : vector<1x16xf32> to vector<16xf32>
      %max3A = arith.maximumf %get3A_14, %get3A_19 : vector<16xf32>
      %max3A_50 = arith.maximumf %max3A, %get3A_24 : vector<16xf32>
      %max3A_51 = arith.maximumf %max3A_50, %get3A_29 : vector<16xf32>
      %max3A_52 = arith.maximumf %max3A_51, %get3A_34 : vector<16xf32>
      %max3A_53 = arith.maximumf %max3A_52, %get3A_39 : vector<16xf32>
      %max3A_54 = arith.maximumf %max3A_53, %get3A_44 : vector<16xf32>
      %max3A_55 = arith.maximumf %max3A_54, %get3A_49 : vector<16xf32>
      %broadcast_in_dim3A = arith.constant 8 : i32
      %broadcast_in_dim3A_56 = vector.broadcast %broadcast_in_dim3A : i32 to vector<16xi32>
      %eq3A = arith.cmpf oeq, %get3A_14, %max3A_55 : vector<16xf32>
      %eq3A_57 = arith.constant 8 : i32
      %eq3A_58 = vector.broadcast %eq3A_57 : i32 to vector<16xi32>
      %eq3A_59 = arith.cmpi eq, %broadcast_in_dim3A_56, %eq3A_58 : vector<16xi32>
      %and3A = arith.andi %eq3A, %eq3A_59 : vector<16xi1>
      %jit3A = arith.constant 0 : i32
      %broadcast_in_dim3A_60 = vector.broadcast %jit3A : i32 to vector<16xi32>
      %select_n3A = arith.select %and3A, %broadcast_in_dim3A_60, %broadcast_in_dim3A_56 : vector<16xi1>, vector<16xi32>
      %eq3A_61 = arith.cmpf oeq, %get3A_19, %max3A_55 : vector<16xf32>
      %eq3A_62 = arith.constant 8 : i32
      %eq3A_63 = vector.broadcast %eq3A_62 : i32 to vector<16xi32>
      %eq3A_64 = arith.cmpi eq, %select_n3A, %eq3A_63 : vector<16xi32>
      %and3A_65 = arith.andi %eq3A_61, %eq3A_64 : vector<16xi1>
      %jit3A_66 = arith.constant 1 : i32
      %broadcast_in_dim3A_67 = vector.broadcast %jit3A_66 : i32 to vector<16xi32>
      %select_n3A_68 = arith.select %and3A_65, %broadcast_in_dim3A_67, %select_n3A : vector<16xi1>, vector<16xi32>
      %eq3A_69 = arith.cmpf oeq, %get3A_24, %max3A_55 : vector<16xf32>
      %eq3A_70 = arith.constant 8 : i32
      %eq3A_71 = vector.broadcast %eq3A_70 : i32 to vector<16xi32>
      %eq3A_72 = arith.cmpi eq, %select_n3A_68, %eq3A_71 : vector<16xi32>
      %and3A_73 = arith.andi %eq3A_69, %eq3A_72 : vector<16xi1>
      %jit3A_74 = arith.constant 2 : i32
      %broadcast_in_dim3A_75 = vector.broadcast %jit3A_74 : i32 to vector<16xi32>
      %select_n3A_76 = arith.select %and3A_73, %broadcast_in_dim3A_75, %select_n3A_68 : vector<16xi1>, vector<16xi32>
      %eq3A_77 = arith.cmpf oeq, %get3A_29, %max3A_55 : vector<16xf32>
      %eq3A_78 = arith.constant 8 : i32
      %eq3A_79 = vector.broadcast %eq3A_78 : i32 to vector<16xi32>
      %eq3A_80 = arith.cmpi eq, %select_n3A_76, %eq3A_79 : vector<16xi32>
      %and3A_81 = arith.andi %eq3A_77, %eq3A_80 : vector<16xi1>
      %jit3A_82 = arith.constant 3 : i32
      %broadcast_in_dim3A_83 = vector.broadcast %jit3A_82 : i32 to vector<16xi32>
      %select_n3A_84 = arith.select %and3A_81, %broadcast_in_dim3A_83, %select_n3A_76 : vector<16xi1>, vector<16xi32>
      %eq3A_85 = arith.cmpf oeq, %get3A_34, %max3A_55 : vector<16xf32>
      %eq3A_86 = arith.constant 8 : i32
      %eq3A_87 = vector.broadcast %eq3A_86 : i32 to vector<16xi32>
      %eq3A_88 = arith.cmpi eq, %select_n3A_84, %eq3A_87 : vector<16xi32>
      %and3A_89 = arith.andi %eq3A_85, %eq3A_88 : vector<16xi1>
      %jit3A_90 = arith.constant 4 : i32
      %broadcast_in_dim3A_91 = vector.broadcast %jit3A_90 : i32 to vector<16xi32>
      %select_n3A_92 = arith.select %and3A_89, %broadcast_in_dim3A_91, %select_n3A_84 : vector<16xi1>, vector<16xi32>
      %eq3A_93 = arith.cmpf oeq, %get3A_39, %max3A_55 : vector<16xf32>
      %eq3A_94 = arith.constant 8 : i32
      %eq3A_95 = vector.broadcast %eq3A_94 : i32 to vector<16xi32>
      %eq3A_96 = arith.cmpi eq, %select_n3A_92, %eq3A_95 : vector<16xi32>
      %and3A_97 = arith.andi %eq3A_93, %eq3A_96 : vector<16xi1>
      %jit3A_98 = arith.constant 5 : i32
      %broadcast_in_dim3A_99 = vector.broadcast %jit3A_98 : i32 to vector<16xi32>
      %select_n3A_100 = arith.select %and3A_97, %broadcast_in_dim3A_99, %select_n3A_92 : vector<16xi1>, vector<16xi32>
      %eq3A_101 = arith.cmpf oeq, %get3A_44, %max3A_55 : vector<16xf32>
      %eq3A_102 = arith.constant 8 : i32
      %eq3A_103 = vector.broadcast %eq3A_102 : i32 to vector<16xi32>
      %eq3A_104 = arith.cmpi eq, %select_n3A_100, %eq3A_103 : vector<16xi32>
      %and3A_105 = arith.andi %eq3A_101, %eq3A_104 : vector<16xi1>
      %jit3A_106 = arith.constant 6 : i32
      %broadcast_in_dim3A_107 = vector.broadcast %jit3A_106 : i32 to vector<16xi32>
      %select_n3A_108 = arith.select %and3A_105, %broadcast_in_dim3A_107, %select_n3A_100 : vector<16xi1>, vector<16xi32>
      %eq3A_109 = arith.cmpf oeq, %get3A_49, %max3A_55 : vector<16xf32>
      %eq3A_110 = arith.constant 8 : i32
      %eq3A_111 = vector.broadcast %eq3A_110 : i32 to vector<16xi32>
      %eq3A_112 = arith.cmpi eq, %select_n3A_108, %eq3A_111 : vector<16xi32>
      %and3A_113 = arith.andi %eq3A_109, %eq3A_112 : vector<16xi1>
      %jit3A_114 = arith.constant 7 : i32
      %broadcast_in_dim3A_115 = vector.broadcast %jit3A_114 : i32 to vector<16xi32>
      %select_n3A_116 = arith.select %and3A_113, %broadcast_in_dim3A_115, %select_n3A_108 : vector<16xi1>, vector<16xi32>
      %broadcast_in_dim3A_117 = arith.constant -1.000000e+30 : f32
      %broadcast_in_dim3A_118 = vector.broadcast %broadcast_in_dim3A_117 : f32 to vector<16xf32>
      %eq3A_119 = arith.constant 0 : i32
      %eq3A_120 = vector.broadcast %eq3A_119 : i32 to vector<16xi32>
      %eq3A_121 = arith.cmpi eq, %select_n3A_116, %eq3A_120 : vector<16xi32>
      %jit3A_122 = arith.constant -1.000000e+30 : f32
      %broadcast_in_dim3A_123 = vector.broadcast %jit3A_122 : f32 to vector<16xf32>
      %select_n3A_124 = arith.select %eq3A_121, %broadcast_in_dim3A_123, %get3A_14 : vector<16xi1>, vector<16xf32>
      %max3A_125 = arith.maximumf %broadcast_in_dim3A_118, %select_n3A_124 : vector<16xf32>
      %eq3A_126 = arith.constant 1 : i32
      %eq3A_127 = vector.broadcast %eq3A_126 : i32 to vector<16xi32>
      %eq3A_128 = arith.cmpi eq, %select_n3A_116, %eq3A_127 : vector<16xi32>
      %jit3A_129 = arith.constant -1.000000e+30 : f32
      %broadcast_in_dim3A_130 = vector.broadcast %jit3A_129 : f32 to vector<16xf32>
      %select_n3A_131 = arith.select %eq3A_128, %broadcast_in_dim3A_130, %get3A_19 : vector<16xi1>, vector<16xf32>
      %max3A_132 = arith.maximumf %max3A_125, %select_n3A_131 : vector<16xf32>
      %eq3A_133 = arith.constant 2 : i32
      %eq3A_134 = vector.broadcast %eq3A_133 : i32 to vector<16xi32>
      %eq3A_135 = arith.cmpi eq, %select_n3A_116, %eq3A_134 : vector<16xi32>
      %jit3A_136 = arith.constant -1.000000e+30 : f32
      %broadcast_in_dim3A_137 = vector.broadcast %jit3A_136 : f32 to vector<16xf32>
      %select_n3A_138 = arith.select %eq3A_135, %broadcast_in_dim3A_137, %get3A_24 : vector<16xi1>, vector<16xf32>
      %max3A_139 = arith.maximumf %max3A_132, %select_n3A_138 : vector<16xf32>
      %eq3A_140 = arith.constant 3 : i32
      %eq3A_141 = vector.broadcast %eq3A_140 : i32 to vector<16xi32>
      %eq3A_142 = arith.cmpi eq, %select_n3A_116, %eq3A_141 : vector<16xi32>
      %jit3A_143 = arith.constant -1.000000e+30 : f32
      %broadcast_in_dim3A_144 = vector.broadcast %jit3A_143 : f32 to vector<16xf32>
      %select_n3A_145 = arith.select %eq3A_142, %broadcast_in_dim3A_144, %get3A_29 : vector<16xi1>, vector<16xf32>
      %max3A_146 = arith.maximumf %max3A_139, %select_n3A_145 : vector<16xf32>
      %eq3A_147 = arith.constant 4 : i32
      %eq3A_148 = vector.broadcast %eq3A_147 : i32 to vector<16xi32>
      %eq3A_149 = arith.cmpi eq, %select_n3A_116, %eq3A_148 : vector<16xi32>
      %jit3A_150 = arith.constant -1.000000e+30 : f32
      %broadcast_in_dim3A_151 = vector.broadcast %jit3A_150 : f32 to vector<16xf32>
      %select_n3A_152 = arith.select %eq3A_149, %broadcast_in_dim3A_151, %get3A_34 : vector<16xi1>, vector<16xf32>
      %max3A_153 = arith.maximumf %max3A_146, %select_n3A_152 : vector<16xf32>
      %eq3A_154 = arith.constant 5 : i32
      %eq3A_155 = vector.broadcast %eq3A_154 : i32 to vector<16xi32>
      %eq3A_156 = arith.cmpi eq, %select_n3A_116, %eq3A_155 : vector<16xi32>
      %jit3A_157 = arith.constant -1.000000e+30 : f32
      %broadcast_in_dim3A_158 = vector.broadcast %jit3A_157 : f32 to vector<16xf32>
      %select_n3A_159 = arith.select %eq3A_156, %broadcast_in_dim3A_158, %get3A_39 : vector<16xi1>, vector<16xf32>
      %max3A_160 = arith.maximumf %max3A_153, %select_n3A_159 : vector<16xf32>
      %eq3A_161 = arith.constant 6 : i32
      %eq3A_162 = vector.broadcast %eq3A_161 : i32 to vector<16xi32>
      %eq3A_163 = arith.cmpi eq, %select_n3A_116, %eq3A_162 : vector<16xi32>
      %jit3A_164 = arith.constant -1.000000e+30 : f32
      %broadcast_in_dim3A_165 = vector.broadcast %jit3A_164 : f32 to vector<16xf32>
      %select_n3A_166 = arith.select %eq3A_163, %broadcast_in_dim3A_165, %get3A_44 : vector<16xi1>, vector<16xf32>
      %max3A_167 = arith.maximumf %max3A_160, %select_n3A_166 : vector<16xf32>
      %eq3A_168 = arith.constant 7 : i32
      %eq3A_169 = vector.broadcast %eq3A_168 : i32 to vector<16xi32>
      %eq3A_170 = arith.cmpi eq, %select_n3A_116, %eq3A_169 : vector<16xi32>
      %jit3A_171 = arith.constant -1.000000e+30 : f32
      %broadcast_in_dim3A_172 = vector.broadcast %jit3A_171 : f32 to vector<16xf32>
      %select_n3A_173 = arith.select %eq3A_170, %broadcast_in_dim3A_172, %get3A_49 : vector<16xi1>, vector<16xf32>
      %max3A_174 = arith.maximumf %max3A_167, %select_n3A_173 : vector<16xf32>
      %broadcast_in_dim3A_175 = arith.constant 8 : i32
      %broadcast_in_dim3A_176 = vector.broadcast %broadcast_in_dim3A_175 : i32 to vector<16xi32>
      %eq3A_177 = arith.cmpf oeq, %get3A_14, %max3A_174 : vector<16xf32>
      %eq3A_178 = arith.constant 8 : i32
      %eq3A_179 = vector.broadcast %eq3A_178 : i32 to vector<16xi32>
      %eq3A_180 = arith.cmpi eq, %broadcast_in_dim3A_176, %eq3A_179 : vector<16xi32>
      %and3A_181 = arith.andi %eq3A_177, %eq3A_180 : vector<16xi1>
      %ne3A = arith.constant 0 : i32
      %ne3A_182 = vector.broadcast %ne3A : i32 to vector<16xi32>
      %ne3A_183 = arith.cmpi ne, %select_n3A_116, %ne3A_182 : vector<16xi32>
      %and3A_184 = arith.andi %and3A_181, %ne3A_183 : vector<16xi1>
      %jit3A_185 = arith.constant 0 : i32
      %broadcast_in_dim3A_186 = vector.broadcast %jit3A_185 : i32 to vector<16xi32>
      %select_n3A_187 = arith.select %and3A_184, %broadcast_in_dim3A_186, %broadcast_in_dim3A_176 : vector<16xi1>, vector<16xi32>
      %eq3A_188 = arith.cmpf oeq, %get3A_19, %max3A_174 : vector<16xf32>
      %eq3A_189 = arith.constant 8 : i32
      %eq3A_190 = vector.broadcast %eq3A_189 : i32 to vector<16xi32>
      %eq3A_191 = arith.cmpi eq, %select_n3A_187, %eq3A_190 : vector<16xi32>
      %and3A_192 = arith.andi %eq3A_188, %eq3A_191 : vector<16xi1>
      %ne3A_193 = arith.constant 1 : i32
      %ne3A_194 = vector.broadcast %ne3A_193 : i32 to vector<16xi32>
      %ne3A_195 = arith.cmpi ne, %select_n3A_116, %ne3A_194 : vector<16xi32>
      %and3A_196 = arith.andi %and3A_192, %ne3A_195 : vector<16xi1>
      %jit3A_197 = arith.constant 1 : i32
      %broadcast_in_dim3A_198 = vector.broadcast %jit3A_197 : i32 to vector<16xi32>
      %select_n3A_199 = arith.select %and3A_196, %broadcast_in_dim3A_198, %select_n3A_187 : vector<16xi1>, vector<16xi32>
      %eq3A_200 = arith.cmpf oeq, %get3A_24, %max3A_174 : vector<16xf32>
      %eq3A_201 = arith.constant 8 : i32
      %eq3A_202 = vector.broadcast %eq3A_201 : i32 to vector<16xi32>
      %eq3A_203 = arith.cmpi eq, %select_n3A_199, %eq3A_202 : vector<16xi32>
      %and3A_204 = arith.andi %eq3A_200, %eq3A_203 : vector<16xi1>
      %ne3A_205 = arith.constant 2 : i32
      %ne3A_206 = vector.broadcast %ne3A_205 : i32 to vector<16xi32>
      %ne3A_207 = arith.cmpi ne, %select_n3A_116, %ne3A_206 : vector<16xi32>
      %and3A_208 = arith.andi %and3A_204, %ne3A_207 : vector<16xi1>
      %jit3A_209 = arith.constant 2 : i32
      %broadcast_in_dim3A_210 = vector.broadcast %jit3A_209 : i32 to vector<16xi32>
      %select_n3A_211 = arith.select %and3A_208, %broadcast_in_dim3A_210, %select_n3A_199 : vector<16xi1>, vector<16xi32>
      %eq3A_212 = arith.cmpf oeq, %get3A_29, %max3A_174 : vector<16xf32>
      %eq3A_213 = arith.constant 8 : i32
      %eq3A_214 = vector.broadcast %eq3A_213 : i32 to vector<16xi32>
      %eq3A_215 = arith.cmpi eq, %select_n3A_211, %eq3A_214 : vector<16xi32>
      %and3A_216 = arith.andi %eq3A_212, %eq3A_215 : vector<16xi1>
      %ne3A_217 = arith.constant 3 : i32
      %ne3A_218 = vector.broadcast %ne3A_217 : i32 to vector<16xi32>
      %ne3A_219 = arith.cmpi ne, %select_n3A_116, %ne3A_218 : vector<16xi32>
      %and3A_220 = arith.andi %and3A_216, %ne3A_219 : vector<16xi1>
      %jit3A_221 = arith.constant 3 : i32
      %broadcast_in_dim3A_222 = vector.broadcast %jit3A_221 : i32 to vector<16xi32>
      %select_n3A_223 = arith.select %and3A_220, %broadcast_in_dim3A_222, %select_n3A_211 : vector<16xi1>, vector<16xi32>
      %eq3A_224 = arith.cmpf oeq, %get3A_34, %max3A_174 : vector<16xf32>
      %eq3A_225 = arith.constant 8 : i32
      %eq3A_226 = vector.broadcast %eq3A_225 : i32 to vector<16xi32>
      %eq3A_227 = arith.cmpi eq, %select_n3A_223, %eq3A_226 : vector<16xi32>
      %and3A_228 = arith.andi %eq3A_224, %eq3A_227 : vector<16xi1>
      %ne3A_229 = arith.constant 4 : i32
      %ne3A_230 = vector.broadcast %ne3A_229 : i32 to vector<16xi32>
      %ne3A_231 = arith.cmpi ne, %select_n3A_116, %ne3A_230 : vector<16xi32>
      %and3A_232 = arith.andi %and3A_228, %ne3A_231 : vector<16xi1>
      %jit3A_233 = arith.constant 4 : i32
      %broadcast_in_dim3A_234 = vector.broadcast %jit3A_233 : i32 to vector<16xi32>
      %select_n3A_235 = arith.select %and3A_232, %broadcast_in_dim3A_234, %select_n3A_223 : vector<16xi1>, vector<16xi32>
      %eq3A_236 = arith.cmpf oeq, %get3A_39, %max3A_174 : vector<16xf32>
      %eq3A_237 = arith.constant 8 : i32
      %eq3A_238 = vector.broadcast %eq3A_237 : i32 to vector<16xi32>
      %eq3A_239 = arith.cmpi eq, %select_n3A_235, %eq3A_238 : vector<16xi32>
      %and3A_240 = arith.andi %eq3A_236, %eq3A_239 : vector<16xi1>
      %ne3A_241 = arith.constant 5 : i32
      %ne3A_242 = vector.broadcast %ne3A_241 : i32 to vector<16xi32>
      %ne3A_243 = arith.cmpi ne, %select_n3A_116, %ne3A_242 : vector<16xi32>
      %and3A_244 = arith.andi %and3A_240, %ne3A_243 : vector<16xi1>
      %jit3A_245 = arith.constant 5 : i32
      %broadcast_in_dim3A_246 = vector.broadcast %jit3A_245 : i32 to vector<16xi32>
      %select_n3A_247 = arith.select %and3A_244, %broadcast_in_dim3A_246, %select_n3A_235 : vector<16xi1>, vector<16xi32>
      %eq3A_248 = arith.cmpf oeq, %get3A_44, %max3A_174 : vector<16xf32>
      %eq3A_249 = arith.constant 8 : i32
      %eq3A_250 = vector.broadcast %eq3A_249 : i32 to vector<16xi32>
      %eq3A_251 = arith.cmpi eq, %select_n3A_247, %eq3A_250 : vector<16xi32>
      %and3A_252 = arith.andi %eq3A_248, %eq3A_251 : vector<16xi1>
      %ne3A_253 = arith.constant 6 : i32
      %ne3A_254 = vector.broadcast %ne3A_253 : i32 to vector<16xi32>
      %ne3A_255 = arith.cmpi ne, %select_n3A_116, %ne3A_254 : vector<16xi32>
      %and3A_256 = arith.andi %and3A_252, %ne3A_255 : vector<16xi1>
      %jit3A_257 = arith.constant 6 : i32
      %broadcast_in_dim3A_258 = vector.broadcast %jit3A_257 : i32 to vector<16xi32>
      %select_n3A_259 = arith.select %and3A_256, %broadcast_in_dim3A_258, %select_n3A_247 : vector<16xi1>, vector<16xi32>
      %eq3A_260 = arith.cmpf oeq, %get3A_49, %max3A_174 : vector<16xf32>
      %eq3A_261 = arith.constant 8 : i32
      %eq3A_262 = vector.broadcast %eq3A_261 : i32 to vector<16xi32>
      %eq3A_263 = arith.cmpi eq, %select_n3A_259, %eq3A_262 : vector<16xi32>
      %and3A_264 = arith.andi %eq3A_260, %eq3A_263 : vector<16xi1>
      %ne3A_265 = arith.constant 7 : i32
      %ne3A_266 = vector.broadcast %ne3A_265 : i32 to vector<16xi32>
      %ne3A_267 = arith.cmpi ne, %select_n3A_116, %ne3A_266 : vector<16xi32>
      %and3A_268 = arith.andi %and3A_264, %ne3A_267 : vector<16xi1>
      %jit3A_269 = arith.constant 7 : i32
      %broadcast_in_dim3A_270 = vector.broadcast %jit3A_269 : i32 to vector<16xi32>
      %select_n3A_271 = arith.select %and3A_268, %broadcast_in_dim3A_270, %select_n3A_259 : vector<16xi1>, vector<16xi32>
      %sub3A = arith.subf %max3A_174, %max3A_55 : vector<16xf32>
      %exp3A = math.exp %sub3A : vector<16xf32>
      %add3A_272 = arith.constant 1.000000e+00 : f32
      %add3A_273 = vector.broadcast %add3A_272 : f32 to vector<16xf32>
      %add3A_274 = arith.addf %add3A_273, %exp3A : vector<16xf32>
      %div3A = arith.constant 1.000000e+00 : f32
      %div3A_275 = vector.broadcast %div3A : f32 to vector<16xf32>
      %div3A_276 = arith.divf %div3A_275, %add3A_274 : vector<16xf32>
      %div3A_277 = arith.divf %exp3A, %add3A_274 : vector<16xf32>
      %eq3A_278 = arith.constant 0 : i32
      %eq3A_279 = vector.broadcast %eq3A_278 : i32 to vector<16xi32>
      %eq3A_280 = arith.cmpi eq, %select_n3A_116, %eq3A_279 : vector<16xi32>
      %eq3A_281 = arith.constant 0 : i32
      %eq3A_282 = vector.broadcast %eq3A_281 : i32 to vector<16xi32>
      %eq3A_283 = arith.cmpi eq, %select_n3A_271, %eq3A_282 : vector<16xi32>
      %jit3A_284 = arith.constant 0.000000e+00 : f32
      %broadcast_in_dim3A_285 = vector.broadcast %jit3A_284 : f32 to vector<16xf32>
      %select_n3A_286 = arith.select %eq3A_283, %div3A_277, %broadcast_in_dim3A_285 : vector<16xi1>, vector<16xf32>
      %select_n3A_287 = arith.select %eq3A_280, %div3A_276, %select_n3A_286 : vector<16xi1>, vector<16xf32>
      %swap3A = arith.constant 0 : i32
      %swap3A_288 = arith.index_cast %swap3A : i32 to index
      %swap3A_289 = arith.index_cast %mul3A_10 : i32 to index
      %swap3A_290 = tpu.vector_load %arg5[%swap3A_288, %swap3A_289] {strides = array<i32>} : memref<8x2000xf32, #tpu.memory_space<vmem>>, vector<1x16xf32>,
      %swap3A_291 = vector.shape_cast %swap3A_290 : vector<1x16xf32> to vector<16xf32>
      %swap3A_292 = vector.shape_cast %select_n3A_287 : vector<16xf32> to vector<1x16xf32>
      tpu.vector_store %arg5[%swap3A_288, %swap3A_289], %swap3A_292 {strides = array<i32>} : memref<8x2000xf32, #tpu.memory_space<vmem>>, vector<1x16xf32>,
      %eq3A_293 = arith.constant 1 : i32
      %eq3A_294 = vector.broadcast %eq3A_293 : i32 to vector<16xi32>
      %eq3A_295 = arith.cmpi eq, %select_n3A_116, %eq3A_294 : vector<16xi32>
      %eq3A_296 = arith.constant 1 : i32
      %eq3A_297 = vector.broadcast %eq3A_296 : i32 to vector<16xi32>
      %eq3A_298 = arith.cmpi eq, %select_n3A_271, %eq3A_297 : vector<16xi32>
      %jit3A_299 = arith.constant 0.000000e+00 : f32
      %broadcast_in_dim3A_300 = vector.broadcast %jit3A_299 : f32 to vector<16xf32>
      %select_n3A_301 = arith.select %eq3A_298, %div3A_277, %broadcast_in_dim3A_300 : vector<16xi1>, vector<16xf32>
      %select_n3A_302 = arith.select %eq3A_295, %div3A_276, %select_n3A_301 : vector<16xi1>, vector<16xf32>
      %swap3A_303 = arith.constant 1 : i32
      %swap3A_304 = arith.index_cast %swap3A_303 : i32 to index
      %swap3A_305 = arith.index_cast %mul3A_10 : i32 to index
      %swap3A_306 = tpu.vector_load %arg5[%swap3A_304, %swap3A_305] {strides = array<i32>} : memref<8x2000xf32, #tpu.memory_space<vmem>>, vector<1x16xf32>,
      %swap3A_307 = vector.shape_cast %swap3A_306 : vector<1x16xf32> to vector<16xf32>
      %swap3A_308 = vector.shape_cast %select_n3A_302 : vector<16xf32> to vector<1x16xf32>
      tpu.vector_store %arg5[%swap3A_304, %swap3A_305], %swap3A_308 {strides = array<i32>} : memref<8x2000xf32, #tpu.memory_space<vmem>>, vector<1x16xf32>,
      %eq3A_309 = arith.constant 2 : i32
      %eq3A_310 = vector.broadcast %eq3A_309 : i32 to vector<16xi32>
      %eq3A_311 = arith.cmpi eq, %select_n3A_116, %eq3A_310 : vector<16xi32>
      %eq3A_312 = arith.constant 2 : i32
      %eq3A_313 = vector.broadcast %eq3A_312 : i32 to vector<16xi32>
      %eq3A_314 = arith.cmpi eq, %select_n3A_271, %eq3A_313 : vector<16xi32>
      %jit3A_315 = arith.constant 0.000000e+00 : f32
      %broadcast_in_dim3A_316 = vector.broadcast %jit3A_315 : f32 to vector<16xf32>
      %select_n3A_317 = arith.select %eq3A_314, %div3A_277, %broadcast_in_dim3A_316 : vector<16xi1>, vector<16xf32>
      %select_n3A_318 = arith.select %eq3A_311, %div3A_276, %select_n3A_317 : vector<16xi1>, vector<16xf32>
      %swap3A_319 = arith.constant 2 : i32
      %swap3A_320 = arith.index_cast %swap3A_319 : i32 to index
      %swap3A_321 = arith.index_cast %mul3A_10 : i32 to index
      %swap3A_322 = tpu.vector_load %arg5[%swap3A_320, %swap3A_321] {strides = array<i32>} : memref<8x2000xf32, #tpu.memory_space<vmem>>, vector<1x16xf32>,
      %swap3A_323 = vector.shape_cast %swap3A_322 : vector<1x16xf32> to vector<16xf32>
      %swap3A_324 = vector.shape_cast %select_n3A_318 : vector<16xf32> to vector<1x16xf32>
      tpu.vector_store %arg5[%swap3A_320, %swap3A_321], %swap3A_324 {strides = array<i32>} : memref<8x2000xf32, #tpu.memory_space<vmem>>, vector<1x16xf32>,
      %eq3A_325 = arith.constant 3 : i32
      %eq3A_326 = vector.broadcast %eq3A_325 : i32 to vector<16xi32>
      %eq3A_327 = arith.cmpi eq, %select_n3A_116, %eq3A_326 : vector<16xi32>
      %eq3A_328 = arith.constant 3 : i32
      %eq3A_329 = vector.broadcast %eq3A_328 : i32 to vector<16xi32>
      %eq3A_330 = arith.cmpi eq, %select_n3A_271, %eq3A_329 : vector<16xi32>
      %jit3A_331 = arith.constant 0.000000e+00 : f32
      %broadcast_in_dim3A_332 = vector.broadcast %jit3A_331 : f32 to vector<16xf32>
      %select_n3A_333 = arith.select %eq3A_330, %div3A_277, %broadcast_in_dim3A_332 : vector<16xi1>, vector<16xf32>
      %select_n3A_334 = arith.select %eq3A_327, %div3A_276, %select_n3A_333 : vector<16xi1>, vector<16xf32>
      %swap3A_335 = arith.constant 3 : i32
      %swap3A_336 = arith.index_cast %swap3A_335 : i32 to index
      %swap3A_337 = arith.index_cast %mul3A_10 : i32 to index
      %swap3A_338 = tpu.vector_load %arg5[%swap3A_336, %swap3A_337] {strides = array<i32>} : memref<8x2000xf32, #tpu.memory_space<vmem>>, vector<1x16xf32>,
      %swap3A_339 = vector.shape_cast %swap3A_338 : vector<1x16xf32> to vector<16xf32>
      %swap3A_340 = vector.shape_cast %select_n3A_334 : vector<16xf32> to vector<1x16xf32>
      tpu.vector_store %arg5[%swap3A_336, %swap3A_337], %swap3A_340 {strides = array<i32>} : memref<8x2000xf32, #tpu.memory_space<vmem>>, vector<1x16xf32>,
      %eq3A_341 = arith.constant 4 : i32
      %eq3A_342 = vector.broadcast %eq3A_341 : i32 to vector<16xi32>
      %eq3A_343 = arith.cmpi eq, %select_n3A_116, %eq3A_342 : vector<16xi32>
      %eq3A_344 = arith.constant 4 : i32
      %eq3A_345 = vector.broadcast %eq3A_344 : i32 to vector<16xi32>
      %eq3A_346 = arith.cmpi eq, %select_n3A_271, %eq3A_345 : vector<16xi32>
      %jit3A_347 = arith.constant 0.000000e+00 : f32
      %broadcast_in_dim3A_348 = vector.broadcast %jit3A_347 : f32 to vector<16xf32>
      %select_n3A_349 = arith.select %eq3A_346, %div3A_277, %broadcast_in_dim3A_348 : vector<16xi1>, vector<16xf32>
      %select_n3A_350 = arith.select %eq3A_343, %div3A_276, %select_n3A_349 : vector<16xi1>, vector<16xf32>
      %swap3A_351 = arith.constant 4 : i32
      %swap3A_352 = arith.index_cast %swap3A_351 : i32 to index
      %swap3A_353 = arith.index_cast %mul3A_10 : i32 to index
      %swap3A_354 = tpu.vector_load %arg5[%swap3A_352, %swap3A_353] {strides = array<i32>} : memref<8x2000xf32, #tpu.memory_space<vmem>>, vector<1x16xf32>,
      %swap3A_355 = vector.shape_cast %swap3A_354 : vector<1x16xf32> to vector<16xf32>
      %swap3A_356 = vector.shape_cast %select_n3A_350 : vector<16xf32> to vector<1x16xf32>
      tpu.vector_store %arg5[%swap3A_352, %swap3A_353], %swap3A_356 {strides = array<i32>} : memref<8x2000xf32, #tpu.memory_space<vmem>>, vector<1x16xf32>,
      %eq3A_357 = arith.constant 5 : i32
      %eq3A_358 = vector.broadcast %eq3A_357 : i32 to vector<16xi32>
      %eq3A_359 = arith.cmpi eq, %select_n3A_116, %eq3A_358 : vector<16xi32>
      %eq3A_360 = arith.constant 5 : i32
      %eq3A_361 = vector.broadcast %eq3A_360 : i32 to vector<16xi32>
      %eq3A_362 = arith.cmpi eq, %select_n3A_271, %eq3A_361 : vector<16xi32>
      %jit3A_363 = arith.constant 0.000000e+00 : f32
      %broadcast_in_dim3A_364 = vector.broadcast %jit3A_363 : f32 to vector<16xf32>
      %select_n3A_365 = arith.select %eq3A_362, %div3A_277, %broadcast_in_dim3A_364 : vector<16xi1>, vector<16xf32>
      %select_n3A_366 = arith.select %eq3A_359, %div3A_276, %select_n3A_365 : vector<16xi1>, vector<16xf32>
      %swap3A_367 = arith.constant 5 : i32
      %swap3A_368 = arith.index_cast %swap3A_367 : i32 to index
      %swap3A_369 = arith.index_cast %mul3A_10 : i32 to index
      %swap3A_370 = tpu.vector_load %arg5[%swap3A_368, %swap3A_369] {strides = array<i32>} : memref<8x2000xf32, #tpu.memory_space<vmem>>, vector<1x16xf32>,
      %swap3A_371 = vector.shape_cast %swap3A_370 : vector<1x16xf32> to vector<16xf32>
      %swap3A_372 = vector.shape_cast %select_n3A_366 : vector<16xf32> to vector<1x16xf32>
      tpu.vector_store %arg5[%swap3A_368, %swap3A_369], %swap3A_372 {strides = array<i32>} : memref<8x2000xf32, #tpu.memory_space<vmem>>, vector<1x16xf32>,
      %eq3A_373 = arith.constant 6 : i32
      %eq3A_374 = vector.broadcast %eq3A_373 : i32 to vector<16xi32>
      %eq3A_375 = arith.cmpi eq, %select_n3A_116, %eq3A_374 : vector<16xi32>
      %eq3A_376 = arith.constant 6 : i32
      %eq3A_377 = vector.broadcast %eq3A_376 : i32 to vector<16xi32>
      %eq3A_378 = arith.cmpi eq, %select_n3A_271, %eq3A_377 : vector<16xi32>
      %jit3A_379 = arith.constant 0.000000e+00 : f32
      %broadcast_in_dim3A_380 = vector.broadcast %jit3A_379 : f32 to vector<16xf32>
      %select_n3A_381 = arith.select %eq3A_378, %div3A_277, %broadcast_in_dim3A_380 : vector<16xi1>, vector<16xf32>
      %select_n3A_382 = arith.select %eq3A_375, %div3A_276, %select_n3A_381 : vector<16xi1>, vector<16xf32>
      %swap3A_383 = arith.constant 6 : i32
      %swap3A_384 = arith.index_cast %swap3A_383 : i32 to index
      %swap3A_385 = arith.index_cast %mul3A_10 : i32 to index
      %swap3A_386 = tpu.vector_load %arg5[%swap3A_384, %swap3A_385] {strides = array<i32>} : memref<8x2000xf32, #tpu.memory_space<vmem>>, vector<1x16xf32>,
      %swap3A_387 = vector.shape_cast %swap3A_386 : vector<1x16xf32> to vector<16xf32>
      %swap3A_388 = vector.shape_cast %select_n3A_382 : vector<16xf32> to vector<1x16xf32>
      tpu.vector_store %arg5[%swap3A_384, %swap3A_385], %swap3A_388 {strides = array<i32>} : memref<8x2000xf32, #tpu.memory_space<vmem>>, vector<1x16xf32>,
      %eq3A_389 = arith.constant 7 : i32
      %eq3A_390 = vector.broadcast %eq3A_389 : i32 to vector<16xi32>
      %eq3A_391 = arith.cmpi eq, %select_n3A_116, %eq3A_390 : vector<16xi32>
      %eq3A_392 = arith.constant 7 : i32
      %eq3A_393 = vector.broadcast %eq3A_392 : i32 to vector<16xi32>
      %eq3A_394 = arith.cmpi eq, %select_n3A_271, %eq3A_393 : vector<16xi32>
      %jit3A_395 = arith.constant 0.000000e+00 : f32
      %broadcast_in_dim3A_396 = vector.broadcast %jit3A_395 : f32 to vector<16xf32>
      %select_n3A_397 = arith.select %eq3A_394, %div3A_277, %broadcast_in_dim3A_396 : vector<16xi1>, vector<16xf32>
      %select_n3A_398 = arith.select %eq3A_391, %div3A_276, %select_n3A_397 : vector<16xi1>, vector<16xf32>
      %swap3A_399 = arith.constant 7 : i32
      %swap3A_400 = arith.index_cast %swap3A_399 : i32 to index
      %swap3A_401 = arith.index_cast %mul3A_10 : i32 to index
      %swap3A_402 = tpu.vector_load %arg5[%swap3A_400, %swap3A_401] {strides = array<i32>} : memref<8x2000xf32, #tpu.memory_space<vmem>>, vector<1x16xf32>,
      %swap3A_403 = vector.shape_cast %swap3A_402 : vector<1x16xf32> to vector<16xf32>
      %swap3A_404 = vector.shape_cast %select_n3A_398 : vector<16xf32> to vector<1x16xf32>
      tpu.vector_store %arg5[%swap3A_400, %swap3A_401], %swap3A_404 {strides = array<i32>} : memref<8x2000xf32, #tpu.memory_space<vmem>>, vector<1x16xf32>,
    }
    %scan3A_5 = arith.constant 125 : i32
    "tpu.region"() ({
      %run_scoped3A = tpu.sem_alloc : memref<!tpu.dma_semaphore, #tpu.memory_space<semaphore_mem>>
      %dma_start3A = arith.constant 0 : i32
      %dma_start3A_8 = arith.constant 0 : i32
      %dma_start3A_9 = tpu.memref_slice %arg3[%add3A, %dma_start3A, %dma_start3A_8] : memref<48x8x2000xf32, #tpu.memory_space<hbm>> -> memref<1x8x2000xf32, #tpu.memory_space<hbm>>
      %dma_start3A_10 = tpu.memref_squeeze %dma_start3A_9 : memref<1x8x2000xf32, #tpu.memory_space<hbm>> -> memref<8x2000xf32, #tpu.memory_space<hbm>>
      %dma_start3A_11 = arith.constant 0 : i32
      %dma_start3A_12 = arith.constant 0 : i32
      %dma_start3A_13 = tpu.memref_slice %arg3[%add3A, %dma_start3A_11, %dma_start3A_12] : memref<48x8x2000xf32, #tpu.memory_space<hbm>> -> memref<1x8x2000xf32, #tpu.memory_space<hbm>>
      %dma_start3A_14 = tpu.memref_squeeze %dma_start3A_13 : memref<1x8x2000xf32, #tpu.memory_space<hbm>> -> memref<8x2000xf32, #tpu.memory_space<hbm>>
      tpu.enqueue_dma source(%arg5 : memref<8x2000xf32, #tpu.memory_space<vmem>>) target(%dma_start3A_14 : memref<8x2000xf32, #tpu.memory_space<hbm>>) target_semaphore(%run_scoped3A : memref<!tpu.dma_semaphore, #tpu.memory_space<semaphore_mem>>)
      %dma_wait3A = arith.constant 0 : i32
      %dma_wait3A_15 = arith.constant 0 : i32
      %dma_wait3A_16 = tpu.memref_slice %arg3[%add3A, %dma_wait3A, %dma_wait3A_15] : memref<48x8x2000xf32, #tpu.memory_space<hbm>> -> memref<1x8x2000xf32, #tpu.memory_space<hbm>>
      %dma_wait3A_17 = tpu.memref_squeeze %dma_wait3A_16 : memref<1x8x2000xf32, #tpu.memory_space<hbm>> -> memref<8x2000xf32, #tpu.memory_space<hbm>>
      %dma_wait3A_18 = arith.constant 0 : i32
      %dma_wait3A_19 = arith.constant 0 : i32
      %dma_wait3A_20 = tpu.memref_slice %arg3[%add3A, %dma_wait3A_18, %dma_wait3A_19] : memref<48x8x2000xf32, #tpu.memory_space<hbm>> -> memref<1x8x2000xf32, #tpu.memory_space<hbm>>
      %dma_wait3A_21 = tpu.memref_squeeze %dma_wait3A_20 : memref<1x8x2000xf32, #tpu.memory_space<hbm>> -> memref<8x2000xf32, #tpu.memory_space<hbm>>
      tpu.wait_dma2 semaphore(%run_scoped3A : memref<!tpu.dma_semaphore, #tpu.memory_space<semaphore_mem>>) src(%arg5 : memref<8x2000xf32, #tpu.memory_space<vmem>>) dst(%dma_wait3A_21 : memref<8x2000xf32, #tpu.memory_space<hbm>>)
      tpu.yield
    }) : () -> ()
    %lt3A = arith.constant 16 : i32
    %lt3A_6 = arith.cmpi slt, %add3A, %lt3A : i32
    %convert_element_type3A = arith.extui %lt3A_6 : i1 to i32
    %cond3A = arith.constant 0 : i32
    %cond3A_7 = arith.cmpi ne, %convert_element_type3A, %cond3A : i32
    scf.if %cond3A_7 {
      %add3A_8 = arith.constant 32 : i32
      %add3A_9 = arith.addi %add3A, %add3A_8 : i32
      "tpu.region"() ({
        %run_scoped3A = tpu.sem_alloc : memref<!tpu.dma_semaphore, #tpu.memory_space<semaphore_mem>>
        %dma_start3A = arith.constant 0 : i32
        %dma_start3A_16 = arith.constant 0 : i32
        %dma_start3A_17 = tpu.memref_slice %arg2[%add3A_9, %dma_start3A, %dma_start3A_16] : memref<48x8x2000xf32, #tpu.memory_space<hbm>> -> memref<1x8x2000xf32, #tpu.memory_space<hbm>>
        %dma_start3A_18 = tpu.memref_squeeze %dma_start3A_17 : memref<1x8x2000xf32, #tpu.memory_space<hbm>> -> memref<8x2000xf32, #tpu.memory_space<hbm>>
        %dma_start3A_19 = arith.constant 0 : i32
        %dma_start3A_20 = arith.constant 0 : i32
        %dma_start3A_21 = tpu.memref_slice %arg2[%add3A_9, %dma_start3A_19, %dma_start3A_20] : memref<48x8x2000xf32, #tpu.memory_space<hbm>> -> memref<1x8x2000xf32, #tpu.memory_space<hbm>>
        %dma_start3A_22 = tpu.memref_squeeze %dma_start3A_21 : memref<1x8x2000xf32, #tpu.memory_space<hbm>> -> memref<8x2000xf32, #tpu.memory_space<hbm>>
        tpu.enqueue_dma source(%dma_start3A_22 : memref<8x2000xf32, #tpu.memory_space<hbm>>) target(%arg4 : memref<8x2000xf32, #tpu.memory_space<vmem>>) target_semaphore(%run_scoped3A : memref<!tpu.dma_semaphore, #tpu.memory_space<semaphore_mem>>)
        %dma_wait3A = arith.constant 0 : i32
        %dma_wait3A_23 = arith.constant 0 : i32
        %dma_wait3A_24 = tpu.memref_slice %arg2[%add3A_9, %dma_wait3A, %dma_wait3A_23] : memref<48x8x2000xf32, #tpu.memory_space<hbm>> -> memref<1x8x2000xf32, #tpu.memory_space<hbm>>
        %dma_wait3A_25 = tpu.memref_squeeze %dma_wait3A_24 : memref<1x8x2000xf32, #tpu.memory_space<hbm>> -> memref<8x2000xf32, #tpu.memory_space<hbm>>
        %dma_wait3A_26 = arith.constant 0 : i32
        %dma_wait3A_27 = arith.constant 0 : i32
        %dma_wait3A_28 = tpu.memref_slice %arg2[%add3A_9, %dma_wait3A_26, %dma_wait3A_27] : memref<48x8x2000xf32, #tpu.memory_space<hbm>> -> memref<1x8x2000xf32, #tpu.memory_space<hbm>>
        %dma_wait3A_29 = tpu.memref_squeeze %dma_wait3A_28 : memref<1x8x2000xf32, #tpu.memory_space<hbm>> -> memref<8x2000xf32, #tpu.memory_space<hbm>>
        tpu.wait_dma2 semaphore(%run_scoped3A : memref<!tpu.dma_semaphore, #tpu.memory_space<semaphore_mem>>) src(%dma_wait3A_29 : memref<8x2000xf32, #tpu.memory_space<hbm>>) dst(%arg4 : memref<8x2000xf32, #tpu.memory_space<vmem>>)
        tpu.yield
      }) : () -> ()
      %scan3A_10 = arith.constant 0 : i32
      %scan3A_11 = arith.constant 0 : i32
      %scan3A_12 = arith.constant 125 : i32
      %scan3A_13 = arith.addi %scan3A_11, %scan3A_12 : i32
      %scan3A_14 = arith.constant 1 : i32
      scf.for %scan3A_16 = %scan3A_11 to %scan3A_13 step %scan3A_14  : i32 {
        %mul3A_17 = arith.constant 16 : i32
        %mul3A_18 = arith.muli %scan3A_16, %mul3A_17 : i32
        %get3A = arith.constant 0 : i32
        %get3A_19 = arith.index_cast %get3A : i32 to index
        %get3A_20 = arith.index_cast %mul3A_18 : i32 to index
        %get3A_21 = tpu.vector_load %arg4[%get3A_19, %get3A_20] {strides = array<i32>} : memref<8x2000xf32, #tpu.memory_space<vmem>>, vector<1x16xf32>,
        %get3A_22 = vector.shape_cast %get3A_21 : vector<1x16xf32> to vector<16xf32>
        %get3A_23 = arith.constant 1 : i32
        %get3A_24 = arith.index_cast %get3A_23 : i32 to index
        %get3A_25 = arith.index_cast %mul3A_18 : i32 to index
        %get3A_26 = tpu.vector_load %arg4[%get3A_24, %get3A_25] {strides = array<i32>} : memref<8x2000xf32, #tpu.memory_space<vmem>>, vector<1x16xf32>,
        %get3A_27 = vector.shape_cast %get3A_26 : vector<1x16xf32> to vector<16xf32>
        %get3A_28 = arith.constant 2 : i32
        %get3A_29 = arith.index_cast %get3A_28 : i32 to index
        %get3A_30 = arith.index_cast %mul3A_18 : i32 to index
        %get3A_31 = tpu.vector_load %arg4[%get3A_29, %get3A_30] {strides = array<i32>} : memref<8x2000xf32, #tpu.memory_space<vmem>>, vector<1x16xf32>,
        %get3A_32 = vector.shape_cast %get3A_31 : vector<1x16xf32> to vector<16xf32>
        %get3A_33 = arith.constant 3 : i32
        %get3A_34 = arith.index_cast %get3A_33 : i32 to index
        %get3A_35 = arith.index_cast %mul3A_18 : i32 to index
        %get3A_36 = tpu.vector_load %arg4[%get3A_34, %get3A_35] {strides = array<i32>} : memref<8x2000xf32, #tpu.memory_space<vmem>>, vector<1x16xf32>,
        %get3A_37 = vector.shape_cast %get3A_36 : vector<1x16xf32> to vector<16xf32>
        %get3A_38 = arith.constant 4 : i32
        %get3A_39 = arith.index_cast %get3A_38 : i32 to index
        %get3A_40 = arith.index_cast %mul3A_18 : i32 to index
        %get3A_41 = tpu.vector_load %arg4[%get3A_39, %get3A_40] {strides = array<i32>} : memref<8x2000xf32, #tpu.memory_space<vmem>>, vector<1x16xf32>,
        %get3A_42 = vector.shape_cast %get3A_41 : vector<1x16xf32> to vector<16xf32>
        %get3A_43 = arith.constant 5 : i32
        %get3A_44 = arith.index_cast %get3A_43 : i32 to index
        %get3A_45 = arith.index_cast %mul3A_18 : i32 to index
        %get3A_46 = tpu.vector_load %arg4[%get3A_44, %get3A_45] {strides = array<i32>} : memref<8x2000xf32, #tpu.memory_space<vmem>>, vector<1x16xf32>,
        %get3A_47 = vector.shape_cast %get3A_46 : vector<1x16xf32> to vector<16xf32>
        %get3A_48 = arith.constant 6 : i32
        %get3A_49 = arith.index_cast %get3A_48 : i32 to index
        %get3A_50 = arith.index_cast %mul3A_18 : i32 to index
        %get3A_51 = tpu.vector_load %arg4[%get3A_49, %get3A_50] {strides = array<i32>} : memref<8x2000xf32, #tpu.memory_space<vmem>>, vector<1x16xf32>,
        %get3A_52 = vector.shape_cast %get3A_51 : vector<1x16xf32> to vector<16xf32>
        %get3A_53 = arith.constant 7 : i32
        %get3A_54 = arith.index_cast %get3A_53 : i32 to index
        %get3A_55 = arith.index_cast %mul3A_18 : i32 to index
        %get3A_56 = tpu.vector_load %arg4[%get3A_54, %get3A_55] {strides = array<i32>} : memref<8x2000xf32, #tpu.memory_space<vmem>>, vector<1x16xf32>,
        %get3A_57 = vector.shape_cast %get3A_56 : vector<1x16xf32> to vector<16xf32>
        %max3A = arith.maximumf %get3A_22, %get3A_27 : vector<16xf32>
        %max3A_58 = arith.maximumf %max3A, %get3A_32 : vector<16xf32>
        %max3A_59 = arith.maximumf %max3A_58, %get3A_37 : vector<16xf32>
        %max3A_60 = arith.maximumf %max3A_59, %get3A_42 : vector<16xf32>
        %max3A_61 = arith.maximumf %max3A_60, %get3A_47 : vector<16xf32>
        %max3A_62 = arith.maximumf %max3A_61, %get3A_52 : vector<16xf32>
        %max3A_63 = arith.maximumf %max3A_62, %get3A_57 : vector<16xf32>
        %broadcast_in_dim3A = arith.constant 8 : i32
        %broadcast_in_dim3A_64 = vector.broadcast %broadcast_in_dim3A : i32 to vector<16xi32>
        %eq3A = arith.cmpf oeq, %get3A_22, %max3A_63 : vector<16xf32>
        %eq3A_65 = arith.constant 8 : i32
        %eq3A_66 = vector.broadcast %eq3A_65 : i32 to vector<16xi32>
        %eq3A_67 = arith.cmpi eq, %broadcast_in_dim3A_64, %eq3A_66 : vector<16xi32>
        %and3A = arith.andi %eq3A, %eq3A_67 : vector<16xi1>
        %jit3A = arith.constant 0 : i32
        %broadcast_in_dim3A_68 = vector.broadcast %jit3A : i32 to vector<16xi32>
        %select_n3A = arith.select %and3A, %broadcast_in_dim3A_68, %broadcast_in_dim3A_64 : vector<16xi1>, vector<16xi32>
        %eq3A_69 = arith.cmpf oeq, %get3A_27, %max3A_63 : vector<16xf32>
        %eq3A_70 = arith.constant 8 : i32
        %eq3A_71 = vector.broadcast %eq3A_70 : i32 to vector<16xi32>
        %eq3A_72 = arith.cmpi eq, %select_n3A, %eq3A_71 : vector<16xi32>
        %and3A_73 = arith.andi %eq3A_69, %eq3A_72 : vector<16xi1>
        %jit3A_74 = arith.constant 1 : i32
        %broadcast_in_dim3A_75 = vector.broadcast %jit3A_74 : i32 to vector<16xi32>
        %select_n3A_76 = arith.select %and3A_73, %broadcast_in_dim3A_75, %select_n3A : vector<16xi1>, vector<16xi32>
        %eq3A_77 = arith.cmpf oeq, %get3A_32, %max3A_63 : vector<16xf32>
        %eq3A_78 = arith.constant 8 : i32
        %eq3A_79 = vector.broadcast %eq3A_78 : i32 to vector<16xi32>
        %eq3A_80 = arith.cmpi eq, %select_n3A_76, %eq3A_79 : vector<16xi32>
        %and3A_81 = arith.andi %eq3A_77, %eq3A_80 : vector<16xi1>
        %jit3A_82 = arith.constant 2 : i32
        %broadcast_in_dim3A_83 = vector.broadcast %jit3A_82 : i32 to vector<16xi32>
        %select_n3A_84 = arith.select %and3A_81, %broadcast_in_dim3A_83, %select_n3A_76 : vector<16xi1>, vector<16xi32>
        %eq3A_85 = arith.cmpf oeq, %get3A_37, %max3A_63 : vector<16xf32>
        %eq3A_86 = arith.constant 8 : i32
        %eq3A_87 = vector.broadcast %eq3A_86 : i32 to vector<16xi32>
        %eq3A_88 = arith.cmpi eq, %select_n3A_84, %eq3A_87 : vector<16xi32>
        %and3A_89 = arith.andi %eq3A_85, %eq3A_88 : vector<16xi1>
        %jit3A_90 = arith.constant 3 : i32
        %broadcast_in_dim3A_91 = vector.broadcast %jit3A_90 : i32 to vector<16xi32>
        %select_n3A_92 = arith.select %and3A_89, %broadcast_in_dim3A_91, %select_n3A_84 : vector<16xi1>, vector<16xi32>
        %eq3A_93 = arith.cmpf oeq, %get3A_42, %max3A_63 : vector<16xf32>
        %eq3A_94 = arith.constant 8 : i32
        %eq3A_95 = vector.broadcast %eq3A_94 : i32 to vector<16xi32>
        %eq3A_96 = arith.cmpi eq, %select_n3A_92, %eq3A_95 : vector<16xi32>
        %and3A_97 = arith.andi %eq3A_93, %eq3A_96 : vector<16xi1>
        %jit3A_98 = arith.constant 4 : i32
        %broadcast_in_dim3A_99 = vector.broadcast %jit3A_98 : i32 to vector<16xi32>
        %select_n3A_100 = arith.select %and3A_97, %broadcast_in_dim3A_99, %select_n3A_92 : vector<16xi1>, vector<16xi32>
        %eq3A_101 = arith.cmpf oeq, %get3A_47, %max3A_63 : vector<16xf32>
        %eq3A_102 = arith.constant 8 : i32
        %eq3A_103 = vector.broadcast %eq3A_102 : i32 to vector<16xi32>
        %eq3A_104 = arith.cmpi eq, %select_n3A_100, %eq3A_103 : vector<16xi32>
        %and3A_105 = arith.andi %eq3A_101, %eq3A_104 : vector<16xi1>
        %jit3A_106 = arith.constant 5 : i32
        %broadcast_in_dim3A_107 = vector.broadcast %jit3A_106 : i32 to vector<16xi32>
        %select_n3A_108 = arith.select %and3A_105, %broadcast_in_dim3A_107, %select_n3A_100 : vector<16xi1>, vector<16xi32>
        %eq3A_109 = arith.cmpf oeq, %get3A_52, %max3A_63 : vector<16xf32>
        %eq3A_110 = arith.constant 8 : i32
        %eq3A_111 = vector.broadcast %eq3A_110 : i32 to vector<16xi32>
        %eq3A_112 = arith.cmpi eq, %select_n3A_108, %eq3A_111 : vector<16xi32>
        %and3A_113 = arith.andi %eq3A_109, %eq3A_112 : vector<16xi1>
        %jit3A_114 = arith.constant 6 : i32
        %broadcast_in_dim3A_115 = vector.broadcast %jit3A_114 : i32 to vector<16xi32>
        %select_n3A_116 = arith.select %and3A_113, %broadcast_in_dim3A_115, %select_n3A_108 : vector<16xi1>, vector<16xi32>
        %eq3A_117 = arith.cmpf oeq, %get3A_57, %max3A_63 : vector<16xf32>
        %eq3A_118 = arith.constant 8 : i32
        %eq3A_119 = vector.broadcast %eq3A_118 : i32 to vector<16xi32>
        %eq3A_120 = arith.cmpi eq, %select_n3A_116, %eq3A_119 : vector<16xi32>
        %and3A_121 = arith.andi %eq3A_117, %eq3A_120 : vector<16xi1>
        %jit3A_122 = arith.constant 7 : i32
        %broadcast_in_dim3A_123 = vector.broadcast %jit3A_122 : i32 to vector<16xi32>
        %select_n3A_124 = arith.select %and3A_121, %broadcast_in_dim3A_123, %select_n3A_116 : vector<16xi1>, vector<16xi32>
        %broadcast_in_dim3A_125 = arith.constant -1.000000e+30 : f32
        %broadcast_in_dim3A_126 = vector.broadcast %broadcast_in_dim3A_125 : f32 to vector<16xf32>
        %eq3A_127 = arith.constant 0 : i32
        %eq3A_128 = vector.broadcast %eq3A_127 : i32 to vector<16xi32>
        %eq3A_129 = arith.cmpi eq, %select_n3A_124, %eq3A_128 : vector<16xi32>
        %jit3A_130 = arith.constant -1.000000e+30 : f32
        %broadcast_in_dim3A_131 = vector.broadcast %jit3A_130 : f32 to vector<16xf32>
        %select_n3A_132 = arith.select %eq3A_129, %broadcast_in_dim3A_131, %get3A_22 : vector<16xi1>, vector<16xf32>
        %max3A_133 = arith.maximumf %broadcast_in_dim3A_126, %select_n3A_132 : vector<16xf32>
        %eq3A_134 = arith.constant 1 : i32
        %eq3A_135 = vector.broadcast %eq3A_134 : i32 to vector<16xi32>
        %eq3A_136 = arith.cmpi eq, %select_n3A_124, %eq3A_135 : vector<16xi32>
        %jit3A_137 = arith.constant -1.000000e+30 : f32
        %broadcast_in_dim3A_138 = vector.broadcast %jit3A_137 : f32 to vector<16xf32>
        %select_n3A_139 = arith.select %eq3A_136, %broadcast_in_dim3A_138, %get3A_27 : vector<16xi1>, vector<16xf32>
        %max3A_140 = arith.maximumf %max3A_133, %select_n3A_139 : vector<16xf32>
        %eq3A_141 = arith.constant 2 : i32
        %eq3A_142 = vector.broadcast %eq3A_141 : i32 to vector<16xi32>
        %eq3A_143 = arith.cmpi eq, %select_n3A_124, %eq3A_142 : vector<16xi32>
        %jit3A_144 = arith.constant -1.000000e+30 : f32
        %broadcast_in_dim3A_145 = vector.broadcast %jit3A_144 : f32 to vector<16xf32>
        %select_n3A_146 = arith.select %eq3A_143, %broadcast_in_dim3A_145, %get3A_32 : vector<16xi1>, vector<16xf32>
        %max3A_147 = arith.maximumf %max3A_140, %select_n3A_146 : vector<16xf32>
        %eq3A_148 = arith.constant 3 : i32
        %eq3A_149 = vector.broadcast %eq3A_148 : i32 to vector<16xi32>
        %eq3A_150 = arith.cmpi eq, %select_n3A_124, %eq3A_149 : vector<16xi32>
        %jit3A_151 = arith.constant -1.000000e+30 : f32
        %broadcast_in_dim3A_152 = vector.broadcast %jit3A_151 : f32 to vector<16xf32>
        %select_n3A_153 = arith.select %eq3A_150, %broadcast_in_dim3A_152, %get3A_37 : vector<16xi1>, vector<16xf32>
        %max3A_154 = arith.maximumf %max3A_147, %select_n3A_153 : vector<16xf32>
        %eq3A_155 = arith.constant 4 : i32
        %eq3A_156 = vector.broadcast %eq3A_155 : i32 to vector<16xi32>
        %eq3A_157 = arith.cmpi eq, %select_n3A_124, %eq3A_156 : vector<16xi32>
        %jit3A_158 = arith.constant -1.000000e+30 : f32
        %broadcast_in_dim3A_159 = vector.broadcast %jit3A_158 : f32 to vector<16xf32>
        %select_n3A_160 = arith.select %eq3A_157, %broadcast_in_dim3A_159, %get3A_42 : vector<16xi1>, vector<16xf32>
        %max3A_161 = arith.maximumf %max3A_154, %select_n3A_160 : vector<16xf32>
        %eq3A_162 = arith.constant 5 : i32
        %eq3A_163 = vector.broadcast %eq3A_162 : i32 to vector<16xi32>
        %eq3A_164 = arith.cmpi eq, %select_n3A_124, %eq3A_163 : vector<16xi32>
        %jit3A_165 = arith.constant -1.000000e+30 : f32
        %broadcast_in_dim3A_166 = vector.broadcast %jit3A_165 : f32 to vector<16xf32>
        %select_n3A_167 = arith.select %eq3A_164, %broadcast_in_dim3A_166, %get3A_47 : vector<16xi1>, vector<16xf32>
        %max3A_168 = arith.maximumf %max3A_161, %select_n3A_167 : vector<16xf32>
        %eq3A_169 = arith.constant 6 : i32
        %eq3A_170 = vector.broadcast %eq3A_169 : i32 to vector<16xi32>
        %eq3A_171 = arith.cmpi eq, %select_n3A_124, %eq3A_170 : vector<16xi32>
        %jit3A_172 = arith.constant -1.000000e+30 : f32
        %broadcast_in_dim3A_173 = vector.broadcast %jit3A_172 : f32 to vector<16xf32>
        %select_n3A_174 = arith.select %eq3A_171, %broadcast_in_dim3A_173, %get3A_52 : vector<16xi1>, vector<16xf32>
        %max3A_175 = arith.maximumf %max3A_168, %select_n3A_174 : vector<16xf32>
        %eq3A_176 = arith.constant 7 : i32
        %eq3A_177 = vector.broadcast %eq3A_176 : i32 to vector<16xi32>
        %eq3A_178 = arith.cmpi eq, %select_n3A_124, %eq3A_177 : vector<16xi32>
        %jit3A_179 = arith.constant -1.000000e+30 : f32
        %broadcast_in_dim3A_180 = vector.broadcast %jit3A_179 : f32 to vector<16xf32>
        %select_n3A_181 = arith.select %eq3A_178, %broadcast_in_dim3A_180, %get3A_57 : vector<16xi1>, vector<16xf32>
        %max3A_182 = arith.maximumf %max3A_175, %select_n3A_181 : vector<16xf32>
        %broadcast_in_dim3A_183 = arith.constant 8 : i32
        %broadcast_in_dim3A_184 = vector.broadcast %broadcast_in_dim3A_183 : i32 to vector<16xi32>
        %eq3A_185 = arith.cmpf oeq, %get3A_22, %max3A_182 : vector<16xf32>
        %eq3A_186 = arith.constant 8 : i32
        %eq3A_187 = vector.broadcast %eq3A_186 : i32 to vector<16xi32>
        %eq3A_188 = arith.cmpi eq, %broadcast_in_dim3A_184, %eq3A_187 : vector<16xi32>
        %and3A_189 = arith.andi %eq3A_185, %eq3A_188 : vector<16xi1>
        %ne3A = arith.constant 0 : i32
        %ne3A_190 = vector.broadcast %ne3A : i32 to vector<16xi32>
        %ne3A_191 = arith.cmpi ne, %select_n3A_124, %ne3A_190 : vector<16xi32>
        %and3A_192 = arith.andi %and3A_189, %ne3A_191 : vector<16xi1>
        %jit3A_193 = arith.constant 0 : i32
        %broadcast_in_dim3A_194 = vector.broadcast %jit3A_193 : i32 to vector<16xi32>
        %select_n3A_195 = arith.select %and3A_192, %broadcast_in_dim3A_194, %broadcast_in_dim3A_184 : vector<16xi1>, vector<16xi32>
        %eq3A_196 = arith.cmpf oeq, %get3A_27, %max3A_182 : vector<16xf32>
        %eq3A_197 = arith.constant 8 : i32
        %eq3A_198 = vector.broadcast %eq3A_197 : i32 to vector<16xi32>
        %eq3A_199 = arith.cmpi eq, %select_n3A_195, %eq3A_198 : vector<16xi32>
        %and3A_200 = arith.andi %eq3A_196, %eq3A_199 : vector<16xi1>
        %ne3A_201 = arith.constant 1 : i32
        %ne3A_202 = vector.broadcast %ne3A_201 : i32 to vector<16xi32>
        %ne3A_203 = arith.cmpi ne, %select_n3A_124, %ne3A_202 : vector<16xi32>
        %and3A_204 = arith.andi %and3A_200, %ne3A_203 : vector<16xi1>
        %jit3A_205 = arith.constant 1 : i32
        %broadcast_in_dim3A_206 = vector.broadcast %jit3A_205 : i32 to vector<16xi32>
        %select_n3A_207 = arith.select %and3A_204, %broadcast_in_dim3A_206, %select_n3A_195 : vector<16xi1>, vector<16xi32>
        %eq3A_208 = arith.cmpf oeq, %get3A_32, %max3A_182 : vector<16xf32>
        %eq3A_209 = arith.constant 8 : i32
        %eq3A_210 = vector.broadcast %eq3A_209 : i32 to vector<16xi32>
        %eq3A_211 = arith.cmpi eq, %select_n3A_207, %eq3A_210 : vector<16xi32>
        %and3A_212 = arith.andi %eq3A_208, %eq3A_211 : vector<16xi1>
        %ne3A_213 = arith.constant 2 : i32
        %ne3A_214 = vector.broadcast %ne3A_213 : i32 to vector<16xi32>
        %ne3A_215 = arith.cmpi ne, %select_n3A_124, %ne3A_214 : vector<16xi32>
        %and3A_216 = arith.andi %and3A_212, %ne3A_215 : vector<16xi1>
        %jit3A_217 = arith.constant 2 : i32
        %broadcast_in_dim3A_218 = vector.broadcast %jit3A_217 : i32 to vector<16xi32>
        %select_n3A_219 = arith.select %and3A_216, %broadcast_in_dim3A_218, %select_n3A_207 : vector<16xi1>, vector<16xi32>
        %eq3A_220 = arith.cmpf oeq, %get3A_37, %max3A_182 : vector<16xf32>
        %eq3A_221 = arith.constant 8 : i32
        %eq3A_222 = vector.broadcast %eq3A_221 : i32 to vector<16xi32>
        %eq3A_223 = arith.cmpi eq, %select_n3A_219, %eq3A_222 : vector<16xi32>
        %and3A_224 = arith.andi %eq3A_220, %eq3A_223 : vector<16xi1>
        %ne3A_225 = arith.constant 3 : i32
        %ne3A_226 = vector.broadcast %ne3A_225 : i32 to vector<16xi32>
        %ne3A_227 = arith.cmpi ne, %select_n3A_124, %ne3A_226 : vector<16xi32>
        %and3A_228 = arith.andi %and3A_224, %ne3A_227 : vector<16xi1>
        %jit3A_229 = arith.constant 3 : i32
        %broadcast_in_dim3A_230 = vector.broadcast %jit3A_229 : i32 to vector<16xi32>
        %select_n3A_231 = arith.select %and3A_228, %broadcast_in_dim3A_230, %select_n3A_219 : vector<16xi1>, vector<16xi32>
        %eq3A_232 = arith.cmpf oeq, %get3A_42, %max3A_182 : vector<16xf32>
        %eq3A_233 = arith.constant 8 : i32
        %eq3A_234 = vector.broadcast %eq3A_233 : i32 to vector<16xi32>
        %eq3A_235 = arith.cmpi eq, %select_n3A_231, %eq3A_234 : vector<16xi32>
        %and3A_236 = arith.andi %eq3A_232, %eq3A_235 : vector<16xi1>
        %ne3A_237 = arith.constant 4 : i32
        %ne3A_238 = vector.broadcast %ne3A_237 : i32 to vector<16xi32>
        %ne3A_239 = arith.cmpi ne, %select_n3A_124, %ne3A_238 : vector<16xi32>
        %and3A_240 = arith.andi %and3A_236, %ne3A_239 : vector<16xi1>
        %jit3A_241 = arith.constant 4 : i32
        %broadcast_in_dim3A_242 = vector.broadcast %jit3A_241 : i32 to vector<16xi32>
        %select_n3A_243 = arith.select %and3A_240, %broadcast_in_dim3A_242, %select_n3A_231 : vector<16xi1>, vector<16xi32>
        %eq3A_244 = arith.cmpf oeq, %get3A_47, %max3A_182 : vector<16xf32>
        %eq3A_245 = arith.constant 8 : i32
        %eq3A_246 = vector.broadcast %eq3A_245 : i32 to vector<16xi32>
        %eq3A_247 = arith.cmpi eq, %select_n3A_243, %eq3A_246 : vector<16xi32>
        %and3A_248 = arith.andi %eq3A_244, %eq3A_247 : vector<16xi1>
        %ne3A_249 = arith.constant 5 : i32
        %ne3A_250 = vector.broadcast %ne3A_249 : i32 to vector<16xi32>
        %ne3A_251 = arith.cmpi ne, %select_n3A_124, %ne3A_250 : vector<16xi32>
        %and3A_252 = arith.andi %and3A_248, %ne3A_251 : vector<16xi1>
        %jit3A_253 = arith.constant 5 : i32
        %broadcast_in_dim3A_254 = vector.broadcast %jit3A_253 : i32 to vector<16xi32>
        %select_n3A_255 = arith.select %and3A_252, %broadcast_in_dim3A_254, %select_n3A_243 : vector<16xi1>, vector<16xi32>
        %eq3A_256 = arith.cmpf oeq, %get3A_52, %max3A_182 : vector<16xf32>
        %eq3A_257 = arith.constant 8 : i32
        %eq3A_258 = vector.broadcast %eq3A_257 : i32 to vector<16xi32>
        %eq3A_259 = arith.cmpi eq, %select_n3A_255, %eq3A_258 : vector<16xi32>
        %and3A_260 = arith.andi %eq3A_256, %eq3A_259 : vector<16xi1>
        %ne3A_261 = arith.constant 6 : i32
        %ne3A_262 = vector.broadcast %ne3A_261 : i32 to vector<16xi32>
        %ne3A_263 = arith.cmpi ne, %select_n3A_124, %ne3A_262 : vector<16xi32>
        %and3A_264 = arith.andi %and3A_260, %ne3A_263 : vector<16xi1>
        %jit3A_265 = arith.constant 6 : i32
        %broadcast_in_dim3A_266 = vector.broadcast %jit3A_265 : i32 to vector<16xi32>
        %select_n3A_267 = arith.select %and3A_264, %broadcast_in_dim3A_266, %select_n3A_255 : vector<16xi1>, vector<16xi32>
        %eq3A_268 = arith.cmpf oeq, %get3A_57, %max3A_182 : vector<16xf32>
        %eq3A_269 = arith.constant 8 : i32
        %eq3A_270 = vector.broadcast %eq3A_269 : i32 to vector<16xi32>
        %eq3A_271 = arith.cmpi eq, %select_n3A_267, %eq3A_270 : vector<16xi32>
        %and3A_272 = arith.andi %eq3A_268, %eq3A_271 : vector<16xi1>
        %ne3A_273 = arith.constant 7 : i32
        %ne3A_274 = vector.broadcast %ne3A_273 : i32 to vector<16xi32>
        %ne3A_275 = arith.cmpi ne, %select_n3A_124, %ne3A_274 : vector<16xi32>
        %and3A_276 = arith.andi %and3A_272, %ne3A_275 : vector<16xi1>
        %jit3A_277 = arith.constant 7 : i32
        %broadcast_in_dim3A_278 = vector.broadcast %jit3A_277 : i32 to vector<16xi32>
        %select_n3A_279 = arith.select %and3A_276, %broadcast_in_dim3A_278, %select_n3A_267 : vector<16xi1>, vector<16xi32>
        %sub3A = arith.subf %max3A_182, %max3A_63 : vector<16xf32>
        %exp3A = math.exp %sub3A : vector<16xf32>
        %add3A_280 = arith.constant 1.000000e+00 : f32
        %add3A_281 = vector.broadcast %add3A_280 : f32 to vector<16xf32>
        %add3A_282 = arith.addf %add3A_281, %exp3A : vector<16xf32>
        %div3A = arith.constant 1.000000e+00 : f32
        %div3A_283 = vector.broadcast %div3A : f32 to vector<16xf32>
        %div3A_284 = arith.divf %div3A_283, %add3A_282 : vector<16xf32>
        %div3A_285 = arith.divf %exp3A, %add3A_282 : vector<16xf32>
        %eq3A_286 = arith.constant 0 : i32
        %eq3A_287 = vector.broadcast %eq3A_286 : i32 to vector<16xi32>
        %eq3A_288 = arith.cmpi eq, %select_n3A_124, %eq3A_287 : vector<16xi32>
        %eq3A_289 = arith.constant 0 : i32
        %eq3A_290 = vector.broadcast %eq3A_289 : i32 to vector<16xi32>
        %eq3A_291 = arith.cmpi eq, %select_n3A_279, %eq3A_290 : vector<16xi32>
        %jit3A_292 = arith.constant 0.000000e+00 : f32
        %broadcast_in_dim3A_293 = vector.broadcast %jit3A_292 : f32 to vector<16xf32>
        %select_n3A_294 = arith.select %eq3A_291, %div3A_285, %broadcast_in_dim3A_293 : vector<16xi1>, vector<16xf32>
        %select_n3A_295 = arith.select %eq3A_288, %div3A_284, %select_n3A_294 : vector<16xi1>, vector<16xf32>
        %swap3A = arith.constant 0 : i32
        %swap3A_296 = arith.index_cast %swap3A : i32 to index
        %swap3A_297 = arith.index_cast %mul3A_18 : i32 to index
        %swap3A_298 = tpu.vector_load %arg5[%swap3A_296, %swap3A_297] {strides = array<i32>} : memref<8x2000xf32, #tpu.memory_space<vmem>>, vector<1x16xf32>,
        %swap3A_299 = vector.shape_cast %swap3A_298 : vector<1x16xf32> to vector<16xf32>
        %swap3A_300 = vector.shape_cast %select_n3A_295 : vector<16xf32> to vector<1x16xf32>
        tpu.vector_store %arg5[%swap3A_296, %swap3A_297], %swap3A_300 {strides = array<i32>} : memref<8x2000xf32, #tpu.memory_space<vmem>>, vector<1x16xf32>,
        %eq3A_301 = arith.constant 1 : i32
        %eq3A_302 = vector.broadcast %eq3A_301 : i32 to vector<16xi32>
        %eq3A_303 = arith.cmpi eq, %select_n3A_124, %eq3A_302 : vector<16xi32>
        %eq3A_304 = arith.constant 1 : i32
        %eq3A_305 = vector.broadcast %eq3A_304 : i32 to vector<16xi32>
        %eq3A_306 = arith.cmpi eq, %select_n3A_279, %eq3A_305 : vector<16xi32>
        %jit3A_307 = arith.constant 0.000000e+00 : f32
        %broadcast_in_dim3A_308 = vector.broadcast %jit3A_307 : f32 to vector<16xf32>
        %select_n3A_309 = arith.select %eq3A_306, %div3A_285, %broadcast_in_dim3A_308 : vector<16xi1>, vector<16xf32>
        %select_n3A_310 = arith.select %eq3A_303, %div3A_284, %select_n3A_309 : vector<16xi1>, vector<16xf32>
        %swap3A_311 = arith.constant 1 : i32
        %swap3A_312 = arith.index_cast %swap3A_311 : i32 to index
        %swap3A_313 = arith.index_cast %mul3A_18 : i32 to index
        %swap3A_314 = tpu.vector_load %arg5[%swap3A_312, %swap3A_313] {strides = array<i32>} : memref<8x2000xf32, #tpu.memory_space<vmem>>, vector<1x16xf32>,
        %swap3A_315 = vector.shape_cast %swap3A_314 : vector<1x16xf32> to vector<16xf32>
        %swap3A_316 = vector.shape_cast %select_n3A_310 : vector<16xf32> to vector<1x16xf32>
        tpu.vector_store %arg5[%swap3A_312, %swap3A_313], %swap3A_316 {strides = array<i32>} : memref<8x2000xf32, #tpu.memory_space<vmem>>, vector<1x16xf32>,
        %eq3A_317 = arith.constant 2 : i32
        %eq3A_318 = vector.broadcast %eq3A_317 : i32 to vector<16xi32>
        %eq3A_319 = arith.cmpi eq, %select_n3A_124, %eq3A_318 : vector<16xi32>
        %eq3A_320 = arith.constant 2 : i32
        %eq3A_321 = vector.broadcast %eq3A_320 : i32 to vector<16xi32>
        %eq3A_322 = arith.cmpi eq, %select_n3A_279, %eq3A_321 : vector<16xi32>
        %jit3A_323 = arith.constant 0.000000e+00 : f32
        %broadcast_in_dim3A_324 = vector.broadcast %jit3A_323 : f32 to vector<16xf32>
        %select_n3A_325 = arith.select %eq3A_322, %div3A_285, %broadcast_in_dim3A_324 : vector<16xi1>, vector<16xf32>
        %select_n3A_326 = arith.select %eq3A_319, %div3A_284, %select_n3A_325 : vector<16xi1>, vector<16xf32>
        %swap3A_327 = arith.constant 2 : i32
        %swap3A_328 = arith.index_cast %swap3A_327 : i32 to index
        %swap3A_329 = arith.index_cast %mul3A_18 : i32 to index
        %swap3A_330 = tpu.vector_load %arg5[%swap3A_328, %swap3A_329] {strides = array<i32>} : memref<8x2000xf32, #tpu.memory_space<vmem>>, vector<1x16xf32>,
        %swap3A_331 = vector.shape_cast %swap3A_330 : vector<1x16xf32> to vector<16xf32>
        %swap3A_332 = vector.shape_cast %select_n3A_326 : vector<16xf32> to vector<1x16xf32>
        tpu.vector_store %arg5[%swap3A_328, %swap3A_329], %swap3A_332 {strides = array<i32>} : memref<8x2000xf32, #tpu.memory_space<vmem>>, vector<1x16xf32>,
        %eq3A_333 = arith.constant 3 : i32
        %eq3A_334 = vector.broadcast %eq3A_333 : i32 to vector<16xi32>
        %eq3A_335 = arith.cmpi eq, %select_n3A_124, %eq3A_334 : vector<16xi32>
        %eq3A_336 = arith.constant 3 : i32
        %eq3A_337 = vector.broadcast %eq3A_336 : i32 to vector<16xi32>
        %eq3A_338 = arith.cmpi eq, %select_n3A_279, %eq3A_337 : vector<16xi32>
        %jit3A_339 = arith.constant 0.000000e+00 : f32
        %broadcast_in_dim3A_340 = vector.broadcast %jit3A_339 : f32 to vector<16xf32>
        %select_n3A_341 = arith.select %eq3A_338, %div3A_285, %broadcast_in_dim3A_340 : vector<16xi1>, vector<16xf32>
        %select_n3A_342 = arith.select %eq3A_335, %div3A_284, %select_n3A_341 : vector<16xi1>, vector<16xf32>
        %swap3A_343 = arith.constant 3 : i32
        %swap3A_344 = arith.index_cast %swap3A_343 : i32 to index
        %swap3A_345 = arith.index_cast %mul3A_18 : i32 to index
        %swap3A_346 = tpu.vector_load %arg5[%swap3A_344, %swap3A_345] {strides = array<i32>} : memref<8x2000xf32, #tpu.memory_space<vmem>>, vector<1x16xf32>,
        %swap3A_347 = vector.shape_cast %swap3A_346 : vector<1x16xf32> to vector<16xf32>
        %swap3A_348 = vector.shape_cast %select_n3A_342 : vector<16xf32> to vector<1x16xf32>
        tpu.vector_store %arg5[%swap3A_344, %swap3A_345], %swap3A_348 {strides = array<i32>} : memref<8x2000xf32, #tpu.memory_space<vmem>>, vector<1x16xf32>,
        %eq3A_349 = arith.constant 4 : i32
        %eq3A_350 = vector.broadcast %eq3A_349 : i32 to vector<16xi32>
        %eq3A_351 = arith.cmpi eq, %select_n3A_124, %eq3A_350 : vector<16xi32>
        %eq3A_352 = arith.constant 4 : i32
        %eq3A_353 = vector.broadcast %eq3A_352 : i32 to vector<16xi32>
        %eq3A_354 = arith.cmpi eq, %select_n3A_279, %eq3A_353 : vector<16xi32>
        %jit3A_355 = arith.constant 0.000000e+00 : f32
        %broadcast_in_dim3A_356 = vector.broadcast %jit3A_355 : f32 to vector<16xf32>
        %select_n3A_357 = arith.select %eq3A_354, %div3A_285, %broadcast_in_dim3A_356 : vector<16xi1>, vector<16xf32>
        %select_n3A_358 = arith.select %eq3A_351, %div3A_284, %select_n3A_357 : vector<16xi1>, vector<16xf32>
        %swap3A_359 = arith.constant 4 : i32
        %swap3A_360 = arith.index_cast %swap3A_359 : i32 to index
        %swap3A_361 = arith.index_cast %mul3A_18 : i32 to index
        %swap3A_362 = tpu.vector_load %arg5[%swap3A_360, %swap3A_361] {strides = array<i32>} : memref<8x2000xf32, #tpu.memory_space<vmem>>, vector<1x16xf32>,
        %swap3A_363 = vector.shape_cast %swap3A_362 : vector<1x16xf32> to vector<16xf32>
        %swap3A_364 = vector.shape_cast %select_n3A_358 : vector<16xf32> to vector<1x16xf32>
        tpu.vector_store %arg5[%swap3A_360, %swap3A_361], %swap3A_364 {strides = array<i32>} : memref<8x2000xf32, #tpu.memory_space<vmem>>, vector<1x16xf32>,
        %eq3A_365 = arith.constant 5 : i32
        %eq3A_366 = vector.broadcast %eq3A_365 : i32 to vector<16xi32>
        %eq3A_367 = arith.cmpi eq, %select_n3A_124, %eq3A_366 : vector<16xi32>
        %eq3A_368 = arith.constant 5 : i32
        %eq3A_369 = vector.broadcast %eq3A_368 : i32 to vector<16xi32>
        %eq3A_370 = arith.cmpi eq, %select_n3A_279, %eq3A_369 : vector<16xi32>
        %jit3A_371 = arith.constant 0.000000e+00 : f32
        %broadcast_in_dim3A_372 = vector.broadcast %jit3A_371 : f32 to vector<16xf32>
        %select_n3A_373 = arith.select %eq3A_370, %div3A_285, %broadcast_in_dim3A_372 : vector<16xi1>, vector<16xf32>
        %select_n3A_374 = arith.select %eq3A_367, %div3A_284, %select_n3A_373 : vector<16xi1>, vector<16xf32>
        %swap3A_375 = arith.constant 5 : i32
        %swap3A_376 = arith.index_cast %swap3A_375 : i32 to index
        %swap3A_377 = arith.index_cast %mul3A_18 : i32 to index
        %swap3A_378 = tpu.vector_load %arg5[%swap3A_376, %swap3A_377] {strides = array<i32>} : memref<8x2000xf32, #tpu.memory_space<vmem>>, vector<1x16xf32>,
        %swap3A_379 = vector.shape_cast %swap3A_378 : vector<1x16xf32> to vector<16xf32>
        %swap3A_380 = vector.shape_cast %select_n3A_374 : vector<16xf32> to vector<1x16xf32>
        tpu.vector_store %arg5[%swap3A_376, %swap3A_377], %swap3A_380 {strides = array<i32>} : memref<8x2000xf32, #tpu.memory_space<vmem>>, vector<1x16xf32>,
        %eq3A_381 = arith.constant 6 : i32
        %eq3A_382 = vector.broadcast %eq3A_381 : i32 to vector<16xi32>
        %eq3A_383 = arith.cmpi eq, %select_n3A_124, %eq3A_382 : vector<16xi32>
        %eq3A_384 = arith.constant 6 : i32
        %eq3A_385 = vector.broadcast %eq3A_384 : i32 to vector<16xi32>
        %eq3A_386 = arith.cmpi eq, %select_n3A_279, %eq3A_385 : vector<16xi32>
        %jit3A_387 = arith.constant 0.000000e+00 : f32
        %broadcast_in_dim3A_388 = vector.broadcast %jit3A_387 : f32 to vector<16xf32>
        %select_n3A_389 = arith.select %eq3A_386, %div3A_285, %broadcast_in_dim3A_388 : vector<16xi1>, vector<16xf32>
        %select_n3A_390 = arith.select %eq3A_383, %div3A_284, %select_n3A_389 : vector<16xi1>, vector<16xf32>
        %swap3A_391 = arith.constant 6 : i32
        %swap3A_392 = arith.index_cast %swap3A_391 : i32 to index
        %swap3A_393 = arith.index_cast %mul3A_18 : i32 to index
        %swap3A_394 = tpu.vector_load %arg5[%swap3A_392, %swap3A_393] {strides = array<i32>} : memref<8x2000xf32, #tpu.memory_space<vmem>>, vector<1x16xf32>,
        %swap3A_395 = vector.shape_cast %swap3A_394 : vector<1x16xf32> to vector<16xf32>
        %swap3A_396 = vector.shape_cast %select_n3A_390 : vector<16xf32> to vector<1x16xf32>
        tpu.vector_store %arg5[%swap3A_392, %swap3A_393], %swap3A_396 {strides = array<i32>} : memref<8x2000xf32, #tpu.memory_space<vmem>>, vector<1x16xf32>,
        %eq3A_397 = arith.constant 7 : i32
        %eq3A_398 = vector.broadcast %eq3A_397 : i32 to vector<16xi32>
        %eq3A_399 = arith.cmpi eq, %select_n3A_124, %eq3A_398 : vector<16xi32>
        %eq3A_400 = arith.constant 7 : i32
        %eq3A_401 = vector.broadcast %eq3A_400 : i32 to vector<16xi32>
        %eq3A_402 = arith.cmpi eq, %select_n3A_279, %eq3A_401 : vector<16xi32>
        %jit3A_403 = arith.constant 0.000000e+00 : f32
        %broadcast_in_dim3A_404 = vector.broadcast %jit3A_403 : f32 to vector<16xf32>
        %select_n3A_405 = arith.select %eq3A_402, %div3A_285, %broadcast_in_dim3A_404 : vector<16xi1>, vector<16xf32>
        %select_n3A_406 = arith.select %eq3A_399, %div3A_284, %select_n3A_405 : vector<16xi1>, vector<16xf32>
        %swap3A_407 = arith.constant 7 : i32
        %swap3A_408 = arith.index_cast %swap3A_407 : i32 to index
        %swap3A_409 = arith.index_cast %mul3A_18 : i32 to index
        %swap3A_410 = tpu.vector_load %arg5[%swap3A_408, %swap3A_409] {strides = array<i32>} : memref<8x2000xf32, #tpu.memory_space<vmem>>, vector<1x16xf32>,
        %swap3A_411 = vector.shape_cast %swap3A_410 : vector<1x16xf32> to vector<16xf32>
        %swap3A_412 = vector.shape_cast %select_n3A_406 : vector<16xf32> to vector<1x16xf32>
        tpu.vector_store %arg5[%swap3A_408, %swap3A_409], %swap3A_412 {strides = array<i32>} : memref<8x2000xf32, #tpu.memory_space<vmem>>, vector<1x16xf32>,
      }
      %scan3A_15 = arith.constant 125 : i32
      "tpu.region"() ({
        %run_scoped3A = tpu.sem_alloc : memref<!tpu.dma_semaphore, #tpu.memory_space<semaphore_mem>>
        %dma_start3A = arith.constant 0 : i32
        %dma_start3A_16 = arith.constant 0 : i32
        %dma_start3A_17 = tpu.memref_slice %arg3[%add3A_9, %dma_start3A, %dma_start3A_16] : memref<48x8x2000xf32, #tpu.memory_space<hbm>> -> memref<1x8x2000xf32, #tpu.memory_space<hbm>>
        %dma_start3A_18 = tpu.memref_squeeze %dma_start3A_17 : memref<1x8x2000xf32, #tpu.memory_space<hbm>> -> memref<8x2000xf32, #tpu.memory_space<hbm>>
        %dma_start3A_19 = arith.constant 0 : i32
        %dma_start3A_20 = arith.constant 0 : i32
        %dma_start3A_21 = tpu.memref_slice %arg3[%add3A_9, %dma_start3A_19, %dma_start3A_20] : memref<48x8x2000xf32, #tpu.memory_space<hbm>> -> memref<1x8x2000xf32, #tpu.memory_space<hbm>>
        %dma_start3A_22 = tpu.memref_squeeze %dma_start3A_21 : memref<1x8x2000xf32, #tpu.memory_space<hbm>> -> memref<8x2000xf32, #tpu.memory_space<hbm>>
        tpu.enqueue_dma source(%arg5 : memref<8x2000xf32, #tpu.memory_space<vmem>>) target(%dma_start3A_22 : memref<8x2000xf32, #tpu.memory_space<hbm>>) target_semaphore(%run_scoped3A : memref<!tpu.dma_semaphore, #tpu.memory_space<semaphore_mem>>)
        %dma_wait3A = arith.constant 0 : i32
        %dma_wait3A_23 = arith.constant 0 : i32
        %dma_wait3A_24 = tpu.memref_slice %arg3[%add3A_9, %dma_wait3A, %dma_wait3A_23] : memref<48x8x2000xf32, #tpu.memory_space<hbm>> -> memref<1x8x2000xf32, #tpu.memory_space<hbm>>
        %dma_wait3A_25 = tpu.memref_squeeze %dma_wait3A_24 : memref<1x8x2000xf32, #tpu.memory_space<hbm>> -> memref<8x2000xf32, #tpu.memory_space<hbm>>
        %dma_wait3A_26 = arith.constant 0 : i32
        %dma_wait3A_27 = arith.constant 0 : i32
        %dma_wait3A_28 = tpu.memref_slice %arg3[%add3A_9, %dma_wait3A_26, %dma_wait3A_27] : memref<48x8x2000xf32, #tpu.memory_space<hbm>> -> memref<1x8x2000xf32, #tpu.memory_space<hbm>>
        %dma_wait3A_29 = tpu.memref_squeeze %dma_wait3A_28 : memref<1x8x2000xf32, #tpu.memory_space<hbm>> -> memref<8x2000xf32, #tpu.memory_space<hbm>>
        tpu.wait_dma2 semaphore(%run_scoped3A : memref<!tpu.dma_semaphore, #tpu.memory_space<semaphore_mem>>) src(%arg5 : memref<8x2000xf32, #tpu.memory_space<vmem>>) dst(%dma_wait3A_29 : memref<8x2000xf32, #tpu.memory_space<hbm>>)
        tpu.yield
      }) : () -> ()
    } else {
    }
    return
  }
}

module attributes {stable_mosaic.version = 14 : i64} {
  func.func @_logits_body(%arg0: i32, %arg1: memref<1x1x2000xf32, #tpu.memory_space<vmem>>, %arg2: memref<16x1xf32, #tpu.memory_space<vmem>>, %arg3: memref<16x1xf32, #tpu.memory_space<vmem>>, %arg4: memref<8x16xf32, #tpu.memory_space<vmem>>, %arg5: memref<1x8x2000xf32, #tpu.memory_space<vmem>>) attributes {dimension_semantics = [#tpu.dimension_semantics<arbitrary>], iteration_bounds = array<i64: 48>, scalar_prefetch = 0 : i64, scratch_operands = 0 : i64, tpu.core_type = #tpu.core_type<tc>, window_params = [{transform_indices = @transform_0, window_bounds = array<i64: 1, 1, 2000>}, {pipeline_mode = #tpu.pipeline_mode<synchronous>, transform_indices = @transform_1, window_bounds = array<i64: 16, 1>}, {pipeline_mode = #tpu.pipeline_mode<synchronous>, transform_indices = @transform_2, window_bounds = array<i64: 16, 1>}, {pipeline_mode = #tpu.pipeline_mode<synchronous>, transform_indices = @transform_3, window_bounds = array<i64: 8, 16>}, {transform_indices = @transform_4, window_bounds = array<i64: 1, 8, 2000>}]} {
    %get3A = arith.constant 0 : index
    %get3A_0 = arith.constant 0 : index
    %get3A_1 = vector.load %arg2[%get3A, %get3A_0] : memref<16x1xf32, #tpu.memory_space<vmem>>, vector<16x1xf32>
    %get3A_2 = arith.constant 0 : index
    %get3A_3 = arith.constant 0 : index
    %get3A_4 = arith.constant 0 : index
    %get3A_5 = vector.load %arg1[%get3A_2, %get3A_3, %get3A_4] : memref<1x1x2000xf32, #tpu.memory_space<vmem>>, vector<1x1x2000xf32>
    %get3A_6 = vector.shape_cast %get3A_5 : vector<1x1x2000xf32> to vector<1x2000xf32>
    %mul3A = vector.broadcast %get3A_1 : vector<16x1xf32> to vector<16x2000xf32>
    %mul3A_7 = vector.broadcast %get3A_6 : vector<1x2000xf32> to vector<16x2000xf32>
    %mul3A_8 = arith.mulf %mul3A, %mul3A_7 : vector<16x2000xf32>
    %get3A_9 = arith.constant 0 : index
    %get3A_10 = arith.constant 0 : index
    %get3A_11 = vector.load %arg3[%get3A_9, %get3A_10] : memref<16x1xf32, #tpu.memory_space<vmem>>, vector<16x1xf32>
    %add3A = vector.broadcast %get3A_11 : vector<16x1xf32> to vector<16x2000xf32>
    %add3A_12 = arith.addf %mul3A_8, %add3A : vector<16x2000xf32>
    %get3A_13 = arith.constant 0 : index
    %get3A_14 = arith.constant 0 : index
    %get3A_15 = vector.load %arg4[%get3A_13, %get3A_14] : memref<8x16xf32, #tpu.memory_space<vmem>>, vector<8x16xf32>
    %dot_general3A = arith.constant dense<0.000000e+00> : vector<8x2000xf32>
    %dot_general3A_16 = tpu.matmul %get3A_15, %add3A_12, %dot_general3A {dimension_numbers = #tpu.dot_dimension_numbers<[1], [0], [0], [1], [0, 0, 1, 1], [], []>, transpose_lhs_hint = false} : vector<8x16xf32>, vector<16x2000xf32>, vector<8x2000xf32> -> vector<8x2000xf32>
    %swap3A = arith.constant 0 : index
    %swap3A_17 = arith.constant 0 : index
    %swap3A_18 = arith.constant 0 : index
    %swap3A_19 = vector.load %arg5[%swap3A, %swap3A_17, %swap3A_18] : memref<1x8x2000xf32, #tpu.memory_space<vmem>>, vector<1x8x2000xf32>
    %swap3A_20 = vector.shape_cast %swap3A_19 : vector<1x8x2000xf32> to vector<8x2000xf32>
    %swap3A_21 = vector.shape_cast %dot_general3A_16 : vector<8x2000xf32> to vector<1x8x2000xf32>
    tpu.vector_store %arg5[%swap3A, %swap3A_17, %swap3A_18], %swap3A_21 {strides = array<i32>} : memref<1x8x2000xf32, #tpu.memory_space<vmem>>, vector<1x8x2000xf32>,
    return
  }
  func.func @transform_0(%arg0: i32) -> (i32, i32, i32) {
    %c0_i32 = arith.constant 0 : i32
    %c0_i32_0 = arith.constant 0 : i32
    %c0_i32_1 = arith.constant 0 : i32
    return %arg0, %c0_i32, %c0_i32_0 : i32, i32, i32
  }
  func.func @transform_1(%arg0: i32) -> (i32, i32) {
    %c0_i32 = arith.constant 0 : i32
    %c0_i32_0 = arith.constant 0 : i32
    %c0_i32_1 = arith.constant 0 : i32
    return %c0_i32, %c0_i32_0 : i32, i32
  }
  func.func @transform_2(%arg0: i32) -> (i32, i32) {
    %c0_i32 = arith.constant 0 : i32
    %c0_i32_0 = arith.constant 0 : i32
    %c0_i32_1 = arith.constant 0 : i32
    return %c0_i32, %c0_i32_0 : i32, i32
  }
  func.func @transform_3(%arg0: i32) -> (i32, i32) {
    %c0_i32 = arith.constant 0 : i32
    %c0_i32_0 = arith.constant 0 : i32
    %c0_i32_1 = arith.constant 0 : i32
    return %c0_i32, %c0_i32_0 : i32, i32
  }
  func.func @transform_4(%arg0: i32) -> (i32, i32, i32) {
    %c0_i32 = arith.constant 0 : i32
    %c0_i32_0 = arith.constant 0 : i32
    %c0_i32_1 = arith.constant 0 : i32
    return %arg0, %c0_i32, %c0_i32_0 : i32, i32, i32
  }
}

module attributes {stable_mosaic.version = 14 : i64} {
  func.func @_stats_body(%arg0: i32, %arg1: memref<200x1xf32, #tpu.memory_space<vmem>>, %arg2: memref<200x2000xf32, #tpu.memory_space<vmem>>, %arg3: memref<200x2000xf32, #tpu.memory_space<vmem>>, %arg4: memref<200x2000xf32, #tpu.memory_space<vmem>>, %arg5: memref<200x48xf32, #tpu.memory_space<vmem>>, %arg6: memref<200x48xf32, #tpu.memory_space<vmem>>, %arg7: memref<48x2000xf32, #tpu.memory_space<vmem>>, %arg8: memref<48x2000xf32, #tpu.memory_space<vmem>>, %arg9: memref<48x2000xf32, #tpu.memory_space<vmem>>, %arg10: memref<1x8xf32, #tpu.memory_space<vmem>>) attributes {dimension_semantics = [#tpu.dimension_semantics<arbitrary>], iteration_bounds = array<i64: 10>, scalar_prefetch = 0 : i64, scratch_operands = 0 : i64, tpu.core_type = #tpu.core_type<tc>, window_params = [{transform_indices = @transform_0, window_bounds = array<i64: 200, 1>}, {transform_indices = @transform_1, window_bounds = array<i64: 200, 2000>}, {transform_indices = @transform_2, window_bounds = array<i64: 200, 2000>}, {transform_indices = @transform_3, window_bounds = array<i64: 200, 2000>}, {transform_indices = @transform_4, window_bounds = array<i64: 200, 48>}, {transform_indices = @transform_5, window_bounds = array<i64: 200, 48>}, {pipeline_mode = #tpu.pipeline_mode<synchronous>, transform_indices = @transform_6, window_bounds = array<i64: 48, 2000>}, {pipeline_mode = #tpu.pipeline_mode<synchronous>, transform_indices = @transform_7, window_bounds = array<i64: 48, 2000>}, {pipeline_mode = #tpu.pipeline_mode<synchronous>, transform_indices = @transform_8, window_bounds = array<i64: 48, 2000>}, {pipeline_mode = #tpu.pipeline_mode<synchronous>, transform_indices = @transform_9, window_bounds = array<i64: 1, 8>}]} {
    %get3A = arith.constant 0 : index
    %get3A_0 = arith.constant 0 : index
    %get3A_1 = vector.load %arg1[%get3A, %get3A_0] : memref<200x1xf32, #tpu.memory_space<vmem>>, vector<200x1xf32>
    %get3A_2 = arith.constant 0 : index
    %get3A_3 = arith.constant 0 : index
    %get3A_4 = vector.load %arg2[%get3A_2, %get3A_3] : memref<200x2000xf32, #tpu.memory_space<vmem>>, vector<200x2000xf32>
    %div3A = vector.broadcast %get3A_1 : vector<200x1xf32> to vector<200x2000xf32>
    %div3A_5 = arith.divf %div3A, %get3A_4 : vector<200x2000xf32>
    %max3A = arith.constant 0.000000e+00 : f32
    %max3A_6 = vector.broadcast %max3A : f32 to vector<200x2000xf32>
    %max3A_7 = arith.maximumf %div3A_5, %max3A_6 : vector<200x2000xf32>
    %abs3A = math.absf %max3A_7 : vector<200x2000xf32>
    %eq3A = arith.constant 0x7F800000 : f32
    %eq3A_8 = vector.broadcast %eq3A : f32 to vector<200x2000xf32>
    %eq3A_9 = arith.cmpf oeq, %abs3A, %eq3A_8 : vector<200x2000xf32>
    %jit3A = arith.constant 0.000000e+00 : f32
    %broadcast_in_dim3A = vector.broadcast %jit3A : f32 to vector<200x2000xf32>
    %select_n3A = arith.select %eq3A_9, %broadcast_in_dim3A, %max3A_7 : vector<200x2000xi1>, vector<200x2000xf32>
    %reduce_sum3A = arith.constant dense<0.000000e+00> : vector<200xf32>
    %reduce_sum3A_10 = vector.multi_reduction <add>, %select_n3A, %reduce_sum3A [1] : vector<200x2000xf32> to vector<200xf32>
    %broadcast_in_dim3A_11 = vector.shape_cast %reduce_sum3A_10 : vector<200xf32> to vector<200x1xf32>
    %iota3A = tpu.iota {dimensions = array<i32: 0>} : vector<200x2000xi32>
    %mul3A = arith.constant 200 : i32
    %mul3A_12 = arith.muli %arg0, %mul3A : i32
    %add3A = vector.broadcast %mul3A_12 : i32 to vector<200x2000xi32>
    %add3A_13 = arith.addi %iota3A, %add3A : vector<200x2000xi32>
    %iota3A_14 = tpu.iota {dimensions = array<i32: 1>} : vector<200x2000xi32>
    %eq3A_15 = arith.cmpi eq, %add3A_13, %iota3A_14 : vector<200x2000xi32>
    %sub3A = vector.broadcast %broadcast_in_dim3A_11 : vector<200x1xf32> to vector<200x2000xf32>
    %sub3A_16 = arith.subf %sub3A, %select_n3A : vector<200x2000xf32>
    %neg3A = arith.constant 0.000000e+00 : f32
    %neg3A_17 = vector.broadcast %neg3A : f32 to vector<200x2000xf32>
    %neg3A_18 = arith.subf %neg3A_17, %select_n3A : vector<200x2000xf32>
    %select_n3A_19 = arith.select %eq3A_15, %sub3A_16, %neg3A_18 : vector<200x2000xi1>, vector<200x2000xf32>
    %eq3A_20 = arith.constant 0 : i32
    %eq3A_21 = arith.cmpi eq, %arg0, %eq3A_20 : i32
    %convert_element_type3A = arith.extui %eq3A_21 : i1 to i32
    %cond3A = arith.constant 0 : i32
    %cond3A_22 = arith.cmpi ne, %convert_element_type3A, %cond3A : i32
    scf.if %cond3A_22 {
      %broadcast_in_dim3A_153 = arith.constant 0.000000e+00 : f32
      %broadcast_in_dim3A_154 = vector.broadcast %broadcast_in_dim3A_153 : f32 to vector<1x8xf32>
      %swap3A_155 = arith.constant 0 : index
      %swap3A_156 = arith.constant 0 : index
      %swap3A_157 = vector.load %arg10[%swap3A_155, %swap3A_156] : memref<1x8xf32, #tpu.memory_space<vmem>>, vector<1x8xf32>
      tpu.vector_store %arg10[%swap3A_155, %swap3A_156], %broadcast_in_dim3A_154 {strides = array<i32>} : memref<1x8xf32, #tpu.memory_space<vmem>>, vector<1x8xf32>,
      %broadcast_in_dim3A_158 = arith.constant 0.000000e+00 : f32
      %broadcast_in_dim3A_159 = vector.broadcast %broadcast_in_dim3A_158 : f32 to vector<48x2000xf32>
      %swap3A_160 = arith.constant 0 : index
      %swap3A_161 = arith.constant 0 : index
      %swap3A_162 = vector.load %arg7[%swap3A_160, %swap3A_161] : memref<48x2000xf32, #tpu.memory_space<vmem>>, vector<48x2000xf32>
      tpu.vector_store %arg7[%swap3A_160, %swap3A_161], %broadcast_in_dim3A_159 {strides = array<i32>} : memref<48x2000xf32, #tpu.memory_space<vmem>>, vector<48x2000xf32>,
      %broadcast_in_dim3A_163 = arith.constant 0.000000e+00 : f32
      %broadcast_in_dim3A_164 = vector.broadcast %broadcast_in_dim3A_163 : f32 to vector<48x2000xf32>
      %swap3A_165 = arith.constant 0 : index
      %swap3A_166 = arith.constant 0 : index
      %swap3A_167 = vector.load %arg8[%swap3A_165, %swap3A_166] : memref<48x2000xf32, #tpu.memory_space<vmem>>, vector<48x2000xf32>
      tpu.vector_store %arg8[%swap3A_165, %swap3A_166], %broadcast_in_dim3A_164 {strides = array<i32>} : memref<48x2000xf32, #tpu.memory_space<vmem>>, vector<48x2000xf32>,
      %broadcast_in_dim3A_168 = arith.constant 0.000000e+00 : f32
      %broadcast_in_dim3A_169 = vector.broadcast %broadcast_in_dim3A_168 : f32 to vector<48x2000xf32>
      %swap3A_170 = arith.constant 0 : index
      %swap3A_171 = arith.constant 0 : index
      %swap3A_172 = vector.load %arg9[%swap3A_170, %swap3A_171] : memref<48x2000xf32, #tpu.memory_space<vmem>>, vector<48x2000xf32>
      tpu.vector_store %arg9[%swap3A_170, %swap3A_171], %broadcast_in_dim3A_169 {strides = array<i32>} : memref<48x2000xf32, #tpu.memory_space<vmem>>, vector<48x2000xf32>,
    } else {
    }
    %get3A_23 = arith.constant 0 : index
    %get3A_24 = arith.constant 0 : index
    %get3A_25 = vector.load %arg3[%get3A_23, %get3A_24] : memref<200x2000xf32, #tpu.memory_space<vmem>>, vector<200x2000xf32>
    %get3A_26 = arith.constant 0 : index
    %get3A_27 = arith.constant 0 : index
    %get3A_28 = vector.load %arg4[%get3A_26, %get3A_27] : memref<200x2000xf32, #tpu.memory_space<vmem>>, vector<200x2000xf32>
    %get3A_29 = arith.constant 0 : index
    %get3A_30 = arith.constant 0 : index
    %get3A_31 = vector.load %arg5[%get3A_29, %get3A_30] : memref<200x48xf32, #tpu.memory_space<vmem>>, vector<200x48xf32>
    %get3A_32 = arith.constant 0 : index
    %get3A_33 = arith.constant 0 : index
    %get3A_34 = vector.load %arg6[%get3A_32, %get3A_33] : memref<200x48xf32, #tpu.memory_space<vmem>>, vector<200x48xf32>
    %get3A_35 = arith.constant 0 : index
    %get3A_36 = arith.constant 0 : index
    %get3A_37 = vector.load %arg7[%get3A_35, %get3A_36] : memref<48x2000xf32, #tpu.memory_space<vmem>>, vector<48x2000xf32>
    %dot_general3A = arith.constant dense<0.000000e+00> : vector<48x2000xf32>
    %dot_general3A_38 = tpu.matmul %get3A_31, %get3A_25, %dot_general3A {dimension_numbers = #tpu.dot_dimension_numbers<[0], [0], [1], [1], [0, 1, 1, 1], [], []>, transpose_lhs_hint = false} : vector<200x48xf32>, vector<200x2000xf32>, vector<48x2000xf32> -> vector<48x2000xf32>
    %add3A_39 = arith.addf %get3A_37, %dot_general3A_38 : vector<48x2000xf32>
    %swap3A = arith.constant 0 : index
    %swap3A_40 = arith.constant 0 : index
    %swap3A_41 = vector.load %arg7[%swap3A, %swap3A_40] : memref<48x2000xf32, #tpu.memory_space<vmem>>, vector<48x2000xf32>
    tpu.vector_store %arg7[%swap3A, %swap3A_40], %add3A_39 {strides = array<i32>} : memref<48x2000xf32, #tpu.memory_space<vmem>>, vector<48x2000xf32>,
    %get3A_42 = arith.constant 0 : index
    %get3A_43 = arith.constant 0 : index
    %get3A_44 = vector.load %arg8[%get3A_42, %get3A_43] : memref<48x2000xf32, #tpu.memory_space<vmem>>, vector<48x2000xf32>
    %dot_general3A_45 = arith.constant dense<0.000000e+00> : vector<48x2000xf32>
    %dot_general3A_46 = tpu.matmul %get3A_34, %select_n3A_19, %dot_general3A_45 {dimension_numbers = #tpu.dot_dimension_numbers<[0], [0], [1], [1], [0, 1, 1, 1], [], []>, transpose_lhs_hint = false} : vector<200x48xf32>, vector<200x2000xf32>, vector<48x2000xf32> -> vector<48x2000xf32>
    %add3A_47 = arith.addf %get3A_44, %dot_general3A_46 : vector<48x2000xf32>
    %swap3A_48 = arith.constant 0 : index
    %swap3A_49 = arith.constant 0 : index
    %swap3A_50 = vector.load %arg8[%swap3A_48, %swap3A_49] : memref<48x2000xf32, #tpu.memory_space<vmem>>, vector<48x2000xf32>
    tpu.vector_store %arg8[%swap3A_48, %swap3A_49], %add3A_47 {strides = array<i32>} : memref<48x2000xf32, #tpu.memory_space<vmem>>, vector<48x2000xf32>,
    %get3A_51 = arith.constant 0 : index
    %get3A_52 = arith.constant 0 : index
    %get3A_53 = vector.load %arg9[%get3A_51, %get3A_52] : memref<48x2000xf32, #tpu.memory_space<vmem>>, vector<48x2000xf32>
    %dot_general3A_54 = arith.constant dense<0.000000e+00> : vector<48x2000xf32>
    %dot_general3A_55 = tpu.matmul %get3A_31, %get3A_28, %dot_general3A_54 {dimension_numbers = #tpu.dot_dimension_numbers<[0], [0], [1], [1], [0, 1, 1, 1], [], []>, transpose_lhs_hint = false} : vector<200x48xf32>, vector<200x2000xf32>, vector<48x2000xf32> -> vector<48x2000xf32>
    %add3A_56 = arith.addf %get3A_53, %dot_general3A_55 : vector<48x2000xf32>
    %swap3A_57 = arith.constant 0 : index
    %swap3A_58 = arith.constant 0 : index
    %swap3A_59 = vector.load %arg9[%swap3A_57, %swap3A_58] : memref<48x2000xf32, #tpu.memory_space<vmem>>, vector<48x2000xf32>
    tpu.vector_store %arg9[%swap3A_57, %swap3A_58], %add3A_56 {strides = array<i32>} : memref<48x2000xf32, #tpu.memory_space<vmem>>, vector<48x2000xf32>,
    %iota3A_60 = tpu.iota {dimensions = array<i32: 1>} : vector<1x8xi32>
    %reduce_sum3A_61 = vector.shape_cast %get3A_25 : vector<200x2000xf32> to vector<1x200x2000xf32>
    %reduce_sum3A_62 = arith.constant dense<0.000000e+00> : vector<1xf32>
    %reduce_sum3A_63 = vector.multi_reduction <add>, %reduce_sum3A_61, %reduce_sum3A_62 [1, 2] : vector<1x200x2000xf32> to vector<1xf32>
    %reduce_sum3A_64 = vector.shape_cast %reduce_sum3A_63 : vector<1xf32> to vector<1x1x1xf32>
    %reduce_sum3A_65 = vector.extract %reduce_sum3A_64[0, 0, 0] : f32 from vector<1x1x1xf32>
    %reshape3A = vector.broadcast %reduce_sum3A_65 : f32 to vector<1x1xf32>
    %eq3A_66 = arith.constant 0 : i32
    %eq3A_67 = vector.broadcast %eq3A_66 : i32 to vector<1x8xi32>
    %eq3A_68 = arith.cmpi eq, %iota3A_60, %eq3A_67 : vector<1x8xi32>
    %convert_element_type3A_69 = arith.extui %eq3A_68 : vector<1x8xi1> to vector<1x8xi32>
    %convert_element_type3A_70 = arith.sitofp %convert_element_type3A_69 : vector<1x8xi32> to vector<1x8xf32>
    %mul3A_71 = vector.broadcast %reshape3A : vector<1x1xf32> to vector<1x8xf32>
    %mul3A_72 = arith.mulf %mul3A_71, %convert_element_type3A_70 : vector<1x8xf32>
    %mul3A_73 = arith.mulf %get3A_25, %get3A_25 : vector<200x2000xf32>
    %reduce_sum3A_74 = vector.shape_cast %mul3A_73 : vector<200x2000xf32> to vector<1x200x2000xf32>
    %reduce_sum3A_75 = arith.constant dense<0.000000e+00> : vector<1xf32>
    %reduce_sum3A_76 = vector.multi_reduction <add>, %reduce_sum3A_74, %reduce_sum3A_75 [1, 2] : vector<1x200x2000xf32> to vector<1xf32>
    %reduce_sum3A_77 = vector.shape_cast %reduce_sum3A_76 : vector<1xf32> to vector<1x1x1xf32>
    %reduce_sum3A_78 = vector.extract %reduce_sum3A_77[0, 0, 0] : f32 from vector<1x1x1xf32>
    %reshape3A_79 = vector.broadcast %reduce_sum3A_78 : f32 to vector<1x1xf32>
    %eq3A_80 = arith.constant 1 : i32
    %eq3A_81 = vector.broadcast %eq3A_80 : i32 to vector<1x8xi32>
    %eq3A_82 = arith.cmpi eq, %iota3A_60, %eq3A_81 : vector<1x8xi32>
    %convert_element_type3A_83 = arith.extui %eq3A_82 : vector<1x8xi1> to vector<1x8xi32>
    %convert_element_type3A_84 = arith.sitofp %convert_element_type3A_83 : vector<1x8xi32> to vector<1x8xf32>
    %mul3A_85 = vector.broadcast %reshape3A_79 : vector<1x1xf32> to vector<1x8xf32>
    %mul3A_86 = arith.mulf %mul3A_85, %convert_element_type3A_84 : vector<1x8xf32>
    %add3A_87 = arith.addf %mul3A_72, %mul3A_86 : vector<1x8xf32>
    %reduce_sum3A_88 = vector.shape_cast %get3A_28 : vector<200x2000xf32> to vector<1x200x2000xf32>
    %reduce_sum3A_89 = arith.constant dense<0.000000e+00> : vector<1xf32>
    %reduce_sum3A_90 = vector.multi_reduction <add>, %reduce_sum3A_88, %reduce_sum3A_89 [1, 2] : vector<1x200x2000xf32> to vector<1xf32>
    %reduce_sum3A_91 = vector.shape_cast %reduce_sum3A_90 : vector<1xf32> to vector<1x1x1xf32>
    %reduce_sum3A_92 = vector.extract %reduce_sum3A_91[0, 0, 0] : f32 from vector<1x1x1xf32>
    %reshape3A_93 = vector.broadcast %reduce_sum3A_92 : f32 to vector<1x1xf32>
    %eq3A_94 = arith.constant 2 : i32
    %eq3A_95 = vector.broadcast %eq3A_94 : i32 to vector<1x8xi32>
    %eq3A_96 = arith.cmpi eq, %iota3A_60, %eq3A_95 : vector<1x8xi32>
    %convert_element_type3A_97 = arith.extui %eq3A_96 : vector<1x8xi1> to vector<1x8xi32>
    %convert_element_type3A_98 = arith.sitofp %convert_element_type3A_97 : vector<1x8xi32> to vector<1x8xf32>
    %mul3A_99 = vector.broadcast %reshape3A_93 : vector<1x1xf32> to vector<1x8xf32>
    %mul3A_100 = arith.mulf %mul3A_99, %convert_element_type3A_98 : vector<1x8xf32>
    %add3A_101 = arith.addf %add3A_87, %mul3A_100 : vector<1x8xf32>
    %mul3A_102 = arith.mulf %get3A_28, %get3A_28 : vector<200x2000xf32>
    %reduce_sum3A_103 = vector.shape_cast %mul3A_102 : vector<200x2000xf32> to vector<1x200x2000xf32>
    %reduce_sum3A_104 = arith.constant dense<0.000000e+00> : vector<1xf32>
    %reduce_sum3A_105 = vector.multi_reduction <add>, %reduce_sum3A_103, %reduce_sum3A_104 [1, 2] : vector<1x200x2000xf32> to vector<1xf32>
    %reduce_sum3A_106 = vector.shape_cast %reduce_sum3A_105 : vector<1xf32> to vector<1x1x1xf32>
    %reduce_sum3A_107 = vector.extract %reduce_sum3A_106[0, 0, 0] : f32 from vector<1x1x1xf32>
    %reshape3A_108 = vector.broadcast %reduce_sum3A_107 : f32 to vector<1x1xf32>
    %eq3A_109 = arith.constant 3 : i32
    %eq3A_110 = vector.broadcast %eq3A_109 : i32 to vector<1x8xi32>
    %eq3A_111 = arith.cmpi eq, %iota3A_60, %eq3A_110 : vector<1x8xi32>
    %convert_element_type3A_112 = arith.extui %eq3A_111 : vector<1x8xi1> to vector<1x8xi32>
    %convert_element_type3A_113 = arith.sitofp %convert_element_type3A_112 : vector<1x8xi32> to vector<1x8xf32>
    %mul3A_114 = vector.broadcast %reshape3A_108 : vector<1x1xf32> to vector<1x8xf32>
    %mul3A_115 = arith.mulf %mul3A_114, %convert_element_type3A_113 : vector<1x8xf32>
    %add3A_116 = arith.addf %add3A_101, %mul3A_115 : vector<1x8xf32>
    %reduce_sum3A_117 = vector.shape_cast %select_n3A_19 : vector<200x2000xf32> to vector<1x200x2000xf32>
    %reduce_sum3A_118 = arith.constant dense<0.000000e+00> : vector<1xf32>
    %reduce_sum3A_119 = vector.multi_reduction <add>, %reduce_sum3A_117, %reduce_sum3A_118 [1, 2] : vector<1x200x2000xf32> to vector<1xf32>
    %reduce_sum3A_120 = vector.shape_cast %reduce_sum3A_119 : vector<1xf32> to vector<1x1x1xf32>
    %reduce_sum3A_121 = vector.extract %reduce_sum3A_120[0, 0, 0] : f32 from vector<1x1x1xf32>
    %reshape3A_122 = vector.broadcast %reduce_sum3A_121 : f32 to vector<1x1xf32>
    %eq3A_123 = arith.constant 4 : i32
    %eq3A_124 = vector.broadcast %eq3A_123 : i32 to vector<1x8xi32>
    %eq3A_125 = arith.cmpi eq, %iota3A_60, %eq3A_124 : vector<1x8xi32>
    %convert_element_type3A_126 = arith.extui %eq3A_125 : vector<1x8xi1> to vector<1x8xi32>
    %convert_element_type3A_127 = arith.sitofp %convert_element_type3A_126 : vector<1x8xi32> to vector<1x8xf32>
    %mul3A_128 = vector.broadcast %reshape3A_122 : vector<1x1xf32> to vector<1x8xf32>
    %mul3A_129 = arith.mulf %mul3A_128, %convert_element_type3A_127 : vector<1x8xf32>
    %add3A_130 = arith.addf %add3A_116, %mul3A_129 : vector<1x8xf32>
    %mul3A_131 = arith.mulf %select_n3A_19, %select_n3A_19 : vector<200x2000xf32>
    %reduce_sum3A_132 = vector.shape_cast %mul3A_131 : vector<200x2000xf32> to vector<1x200x2000xf32>
    %reduce_sum3A_133 = arith.constant dense<0.000000e+00> : vector<1xf32>
    %reduce_sum3A_134 = vector.multi_reduction <add>, %reduce_sum3A_132, %reduce_sum3A_133 [1, 2] : vector<1x200x2000xf32> to vector<1xf32>
    %reduce_sum3A_135 = vector.shape_cast %reduce_sum3A_134 : vector<1xf32> to vector<1x1x1xf32>
    %reduce_sum3A_136 = vector.extract %reduce_sum3A_135[0, 0, 0] : f32 from vector<1x1x1xf32>
    %reshape3A_137 = vector.broadcast %reduce_sum3A_136 : f32 to vector<1x1xf32>
    %eq3A_138 = arith.constant 5 : i32
    %eq3A_139 = vector.broadcast %eq3A_138 : i32 to vector<1x8xi32>
    %eq3A_140 = arith.cmpi eq, %iota3A_60, %eq3A_139 : vector<1x8xi32>
    %convert_element_type3A_141 = arith.extui %eq3A_140 : vector<1x8xi1> to vector<1x8xi32>
    %convert_element_type3A_142 = arith.sitofp %convert_element_type3A_141 : vector<1x8xi32> to vector<1x8xf32>
    %mul3A_143 = vector.broadcast %reshape3A_137 : vector<1x1xf32> to vector<1x8xf32>
    %mul3A_144 = arith.mulf %mul3A_143, %convert_element_type3A_142 : vector<1x8xf32>
    %add3A_145 = arith.addf %add3A_130, %mul3A_144 : vector<1x8xf32>
    %get3A_146 = arith.constant 0 : index
    %get3A_147 = arith.constant 0 : index
    %get3A_148 = vector.load %arg10[%get3A_146, %get3A_147] : memref<1x8xf32, #tpu.memory_space<vmem>>, vector<1x8xf32>
    %add3A_149 = arith.addf %get3A_148, %add3A_145 : vector<1x8xf32>
    %swap3A_150 = arith.constant 0 : index
    %swap3A_151 = arith.constant 0 : index
    %swap3A_152 = vector.load %arg10[%swap3A_150, %swap3A_151] : memref<1x8xf32, #tpu.memory_space<vmem>>, vector<1x8xf32>
    tpu.vector_store %arg10[%swap3A_150, %swap3A_151], %add3A_149 {strides = array<i32>} : memref<1x8xf32, #tpu.memory_space<vmem>>, vector<1x8xf32>,
    return
  }
  func.func @transform_0(%arg0: i32) -> (i32, i32) {
    %c0_i32 = arith.constant 0 : i32
    %c0_i32_0 = arith.constant 0 : i32
    return %arg0, %c0_i32 : i32, i32
  }
  func.func @transform_1(%arg0: i32) -> (i32, i32) {
    %c0_i32 = arith.constant 0 : i32
    %c0_i32_0 = arith.constant 0 : i32
    return %arg0, %c0_i32 : i32, i32
  }
  func.func @transform_2(%arg0: i32) -> (i32, i32) {
    %c0_i32 = arith.constant 0 : i32
    %c0_i32_0 = arith.constant 0 : i32
    return %arg0, %c0_i32 : i32, i32
  }
  func.func @transform_3(%arg0: i32) -> (i32, i32) {
    %c0_i32 = arith.constant 0 : i32
    %c0_i32_0 = arith.constant 0 : i32
    return %arg0, %c0_i32 : i32, i32
  }
  func.func @transform_4(%arg0: i32) -> (i32, i32) {
    %c0_i32 = arith.constant 0 : i32
    %c0_i32_0 = arith.constant 0 : i32
    return %arg0, %c0_i32 : i32, i32
  }
  func.func @transform_5(%arg0: i32) -> (i32, i32) {
    %c0_i32 = arith.constant 0 : i32
    %c0_i32_0 = arith.constant 0 : i32
    return %arg0, %c0_i32 : i32, i32
  }
  func.func @transform_6(%arg0: i32) -> (i32, i32) {
    %c0_i32 = arith.constant 0 : i32
    %c0_i32_0 = arith.constant 0 : i32
    %c0_i32_1 = arith.constant 0 : i32
    return %c0_i32, %c0_i32_0 : i32, i32
  }
  func.func @transform_7(%arg0: i32) -> (i32, i32) {
    %c0_i32 = arith.constant 0 : i32
    %c0_i32_0 = arith.constant 0 : i32
    %c0_i32_1 = arith.constant 0 : i32
    return %c0_i32, %c0_i32_0 : i32, i32
  }
  func.func @transform_8(%arg0: i32) -> (i32, i32) {
    %c0_i32 = arith.constant 0 : i32
    %c0_i32_0 = arith.constant 0 : i32
    %c0_i32_1 = arith.constant 0 : i32
    return %c0_i32, %c0_i32_0 : i32, i32
  }
  func.func @transform_9(%arg0: i32) -> (i32, i32) {
    %c0_i32 = arith.constant 0 : i32
    %c0_i32_0 = arith.constant 0 : i32
    %c0_i32_1 = arith.constant 0 : i32
    return %c0_i32, %c0_i32_0 : i32, i32
  }
}

module attributes {stable_mosaic.version = 14 : i64} {
  func.func @_lin_body(%arg0: i32, %arg1: memref<144x2000xf32, #tpu.memory_space<vmem>>, %arg2: memref<200x2000xf32, #tpu.memory_space<vmem>>, %arg3: memref<200x144xf32, #tpu.memory_space<vmem>>) attributes {dimension_semantics = [#tpu.dimension_semantics<arbitrary>], iteration_bounds = array<i64: 15>, scalar_prefetch = 0 : i64, scratch_operands = 0 : i64, tpu.core_type = #tpu.core_type<tc>, window_params = [{pipeline_mode = #tpu.pipeline_mode<synchronous>, transform_indices = @transform_0, window_bounds = array<i64: 144, 2000>}, {transform_indices = @transform_1, window_bounds = array<i64: 200, 2000>}, {transform_indices = @transform_2, window_bounds = array<i64: 200, 144>}]} {
    %get3A = arith.constant 0 : index
    %get3A_0 = arith.constant 0 : index
    %get3A_1 = vector.load %arg2[%get3A, %get3A_0] : memref<200x2000xf32, #tpu.memory_space<vmem>>, vector<200x2000xf32>
    %get3A_2 = arith.constant 0 : index
    %get3A_3 = arith.constant 0 : index
    %get3A_4 = vector.load %arg1[%get3A_2, %get3A_3] : memref<144x2000xf32, #tpu.memory_space<vmem>>, vector<144x2000xf32>
    %dot_general3A = arith.constant dense<0.000000e+00> : vector<200x144xf32>
    %dot_general3A_5 = tpu.matmul %get3A_1, %get3A_4, %dot_general3A {dimension_numbers = #tpu.dot_dimension_numbers<[1], [1], [0], [0], [0, 0, 1, 0], [], []>, transpose_lhs_hint = false} : vector<200x2000xf32>, vector<144x2000xf32>, vector<200x144xf32> -> vector<200x144xf32>
    %swap3A = arith.constant 0 : index
    %swap3A_6 = arith.constant 0 : index
    %swap3A_7 = vector.load %arg3[%swap3A, %swap3A_6] : memref<200x144xf32, #tpu.memory_space<vmem>>, vector<200x144xf32>
    tpu.vector_store %arg3[%swap3A, %swap3A_6], %dot_general3A_5 {strides = array<i32>} : memref<200x144xf32, #tpu.memory_space<vmem>>, vector<200x144xf32>,
    return
  }
  func.func @transform_0(%arg0: i32) -> (i32, i32) {
    %c0_i32 = arith.constant 0 : i32
    %c0_i32_0 = arith.constant 0 : i32
    %c0_i32_1 = arith.constant 0 : i32
    return %c0_i32, %c0_i32_0 : i32, i32
  }
  func.func @transform_1(%arg0: i32) -> (i32, i32) {
    %c0_i32 = arith.constant 0 : i32
    %c0_i32_0 = arith.constant 0 : i32
    return %arg0, %c0_i32 : i32, i32
  }
  func.func @transform_2(%arg0: i32) -> (i32, i32) {
    %c0_i32 = arith.constant 0 : i32
    %c0_i32_0 = arith.constant 0 : i32
    return %arg0, %c0_i32 : i32, i32
  }
}

module attributes {stable_mosaic.version = 14 : i64} {
  func.func @_lin_body(%arg0: i32, %arg1: memref<144x3000xf32, #tpu.memory_space<vmem>>, %arg2: memref<200x3000xf32, #tpu.memory_space<vmem>>, %arg3: memref<200x144xf32, #tpu.memory_space<vmem>>) attributes {dimension_semantics = [#tpu.dimension_semantics<arbitrary>], iteration_bounds = array<i64: 15>, scalar_prefetch = 0 : i64, scratch_operands = 0 : i64, tpu.core_type = #tpu.core_type<tc>, window_params = [{pipeline_mode = #tpu.pipeline_mode<synchronous>, transform_indices = @transform_0, window_bounds = array<i64: 144, 3000>}, {transform_indices = @transform_1, window_bounds = array<i64: 200, 3000>}, {transform_indices = @transform_2, window_bounds = array<i64: 200, 144>}]} {
    %get3A = arith.constant 0 : index
    %get3A_0 = arith.constant 0 : index
    %get3A_1 = vector.load %arg2[%get3A, %get3A_0] : memref<200x3000xf32, #tpu.memory_space<vmem>>, vector<200x3000xf32>
    %get3A_2 = arith.constant 0 : index
    %get3A_3 = arith.constant 0 : index
    %get3A_4 = vector.load %arg1[%get3A_2, %get3A_3] : memref<144x3000xf32, #tpu.memory_space<vmem>>, vector<144x3000xf32>
    %dot_general3A = arith.constant dense<0.000000e+00> : vector<200x144xf32>
    %dot_general3A_5 = tpu.matmul %get3A_1, %get3A_4, %dot_general3A {dimension_numbers = #tpu.dot_dimension_numbers<[1], [1], [0], [0], [0, 0, 1, 0], [], []>, transpose_lhs_hint = false} : vector<200x3000xf32>, vector<144x3000xf32>, vector<200x144xf32> -> vector<200x144xf32>
    %swap3A = arith.constant 0 : index
    %swap3A_6 = arith.constant 0 : index
    %swap3A_7 = vector.load %arg3[%swap3A, %swap3A_6] : memref<200x144xf32, #tpu.memory_space<vmem>>, vector<200x144xf32>
    tpu.vector_store %arg3[%swap3A, %swap3A_6], %dot_general3A_5 {strides = array<i32>} : memref<200x144xf32, #tpu.memory_space<vmem>>, vector<200x144xf32>,
    return
  }
  func.func @transform_0(%arg0: i32) -> (i32, i32) {
    %c0_i32 = arith.constant 0 : i32
    %c0_i32_0 = arith.constant 0 : i32
    %c0_i32_1 = arith.constant 0 : i32
    return %c0_i32, %c0_i32_0 : i32, i32
  }
  func.func @transform_1(%arg0: i32) -> (i32, i32) {
    %c0_i32 = arith.constant 0 : i32
    %c0_i32_0 = arith.constant 0 : i32
    return %arg0, %c0_i32 : i32, i32
  }
  func.func @transform_2(%arg0: i32) -> (i32, i32) {
    %c0_i32 = arith.constant 0 : i32
    %c0_i32_0 = arith.constant 0 : i32
    return %arg0, %c0_i32 : i32, i32
  }
}

module attributes {stable_mosaic.version = 14 : i64} {
  func.func @_attn_body(%arg0: i32, %arg1: memref<1x12x1000xf32, #tpu.memory_space<vmem>>, %arg2: memref<1x12x1000xf32, #tpu.memory_space<vmem>>, %arg3: memref<1x12x1000xf32, #tpu.memory_space<vmem>>, %arg4: memref<1x12x1000xf32, #tpu.memory_space<vmem>>) attributes {dimension_semantics = [#tpu.dimension_semantics<arbitrary>], iteration_bounds = array<i64: 36>, scalar_prefetch = 0 : i64, scratch_operands = 0 : i64, tpu.core_type = #tpu.core_type<tc>, window_params = [{transform_indices = @transform_0, window_bounds = array<i64: 1, 12, 1000>}, {transform_indices = @transform_1, window_bounds = array<i64: 1, 12, 1000>}, {transform_indices = @transform_2, window_bounds = array<i64: 1, 12, 1000>}, {transform_indices = @transform_3, window_bounds = array<i64: 1, 12, 1000>}]} {
    %get3A = arith.constant 0 : index
    %get3A_0 = arith.constant 0 : index
    %get3A_1 = arith.constant 0 : index
    %get3A_2 = vector.load %arg1[%get3A, %get3A_0, %get3A_1] : memref<1x12x1000xf32, #tpu.memory_space<vmem>>, vector<1x12x1000xf32>
    %get3A_3 = vector.shape_cast %get3A_2 : vector<1x12x1000xf32> to vector<12x1000xf32>
    %get3A_4 = arith.constant 0 : index
    %get3A_5 = arith.constant 0 : index
    %get3A_6 = arith.constant 0 : index
    %get3A_7 = vector.load %arg2[%get3A_4, %get3A_5, %get3A_6] : memref<1x12x1000xf32, #tpu.memory_space<vmem>>, vector<1x12x1000xf32>
    %get3A_8 = vector.shape_cast %get3A_7 : vector<1x12x1000xf32> to vector<12x1000xf32>
    %get3A_9 = arith.constant 0 : index
    %get3A_10 = arith.constant 0 : index
    %get3A_11 = arith.constant 0 : index
    %get3A_12 = vector.load %arg3[%get3A_9, %get3A_10, %get3A_11] : memref<1x12x1000xf32, #tpu.memory_space<vmem>>, vector<1x12x1000xf32>
    %get3A_13 = vector.shape_cast %get3A_12 : vector<1x12x1000xf32> to vector<12x1000xf32>
    %dot_general3A = arith.constant dense<0.000000e+00> : vector<12x12xf32>
    %dot_general3A_14 = tpu.matmul %get3A_3, %get3A_8, %dot_general3A {dimension_numbers = #tpu.dot_dimension_numbers<[1], [1], [0], [0], [0, 0, 1, 0], [], []>, transpose_lhs_hint = false} : vector<12x1000xf32>, vector<12x1000xf32>, vector<12x12xf32> -> vector<12x12xf32>
    %sqrt3A = arith.constant 1.000000e+03 : f32
    %sqrt3A_15 = math.sqrt %sqrt3A : f32
    %div3A = arith.constant 1.000000e+00 : f32
    %div3A_16 = arith.divf %div3A, %sqrt3A_15 : f32
    %mul3A = vector.broadcast %div3A_16 : f32 to vector<12x12xf32>
    %mul3A_17 = arith.mulf %dot_general3A_14, %mul3A : vector<12x12xf32>
    %reduce_max3A = arith.constant dense<0xFF800000> : vector<12xf32>
    %reduce_max3A_18 = vector.multi_reduction <maximumf>, %mul3A_17, %reduce_max3A [1] : vector<12x12xf32> to vector<12xf32>
    %broadcast_in_dim3A = vector.shape_cast %reduce_max3A_18 : vector<12xf32> to vector<12x1xf32>
    %sub3A = vector.broadcast %broadcast_in_dim3A : vector<12x1xf32> to vector<12x12xf32>
    %sub3A_19 = arith.subf %mul3A_17, %sub3A : vector<12x12xf32>
    %exp3A = math.exp %sub3A_19 : vector<12x12xf32>
    %reduce_sum3A = arith.constant dense<0.000000e+00> : vector<12xf32>
    %reduce_sum3A_20 = vector.multi_reduction <add>, %exp3A, %reduce_sum3A [1] : vector<12x12xf32> to vector<12xf32>
    %broadcast_in_dim3A_21 = vector.shape_cast %reduce_sum3A_20 : vector<12xf32> to vector<12x1xf32>
    %div3A_22 = vector.broadcast %broadcast_in_dim3A_21 : vector<12x1xf32> to vector<12x12xf32>
    %div3A_23 = arith.divf %exp3A, %div3A_22 : vector<12x12xf32>
    %dot_general3A_24 = arith.constant dense<0.000000e+00> : vector<12x1000xf32>
    %dot_general3A_25 = tpu.matmul %div3A_23, %get3A_13, %dot_general3A_24 {dimension_numbers = #tpu.dot_dimension_numbers<[1], [0], [0], [1], [0, 0, 1, 1], [], []>, transpose_lhs_hint = false} : vector<12x12xf32>, vector<12x1000xf32>, vector<12x1000xf32> -> vector<12x1000xf32>
    %swap3A = arith.constant 0 : index
    %swap3A_26 = arith.constant 0 : index
    %swap3A_27 = arith.constant 0 : index
    %swap3A_28 = vector.load %arg4[%swap3A, %swap3A_26, %swap3A_27] : memref<1x12x1000xf32, #tpu.memory_space<vmem>>, vector<1x12x1000xf32>
    %swap3A_29 = vector.shape_cast %swap3A_28 : vector<1x12x1000xf32> to vector<12x1000xf32>
    %swap3A_30 = vector.shape_cast %dot_general3A_25 : vector<12x1000xf32> to vector<1x12x1000xf32>
    tpu.vector_store %arg4[%swap3A, %swap3A_26, %swap3A_27], %swap3A_30 {strides = array<i32>} : memref<1x12x1000xf32, #tpu.memory_space<vmem>>, vector<1x12x1000xf32>,
    return
  }
  func.func @transform_0(%arg0: i32) -> (i32, i32, i32) {
    %c0_i32 = arith.constant 0 : i32
    %c0_i32_0 = arith.constant 0 : i32
    %c0_i32_1 = arith.constant 0 : i32
    return %arg0, %c0_i32, %c0_i32_0 : i32, i32, i32
  }
  func.func @transform_1(%arg0: i32) -> (i32, i32, i32) {
    %c0_i32 = arith.constant 0 : i32
    %c0_i32_0 = arith.constant 0 : i32
    %c0_i32_1 = arith.constant 0 : i32
    return %arg0, %c0_i32, %c0_i32_0 : i32, i32, i32
  }
  func.func @transform_2(%arg0: i32) -> (i32, i32, i32) {
    %c0_i32 = arith.constant 0 : i32
    %c0_i32_0 = arith.constant 0 : i32
    %c0_i32_1 = arith.constant 0 : i32
    return %arg0, %c0_i32, %c0_i32_0 : i32, i32, i32
  }
  func.func @transform_3(%arg0: i32) -> (i32, i32, i32) {
    %c0_i32 = arith.constant 0 : i32
    %c0_i32_0 = arith.constant 0 : i32
    %c0_i32_1 = arith.constant 0 : i32
    return %arg0, %c0_i32, %c0_i32_0 : i32, i32, i32
  }
}

module attributes {stable_mosaic.version = 14 : i64} {
  func.func @_lin_body(%arg0: i32, %arg1: memref<48x3000xf32, #tpu.memory_space<vmem>>, %arg2: memref<200x3000xf32, #tpu.memory_space<vmem>>, %arg3: memref<200x48xf32, #tpu.memory_space<vmem>>) attributes {dimension_semantics = [#tpu.dimension_semantics<arbitrary>], iteration_bounds = array<i64: 10>, scalar_prefetch = 0 : i64, scratch_operands = 0 : i64, tpu.core_type = #tpu.core_type<tc>, window_params = [{pipeline_mode = #tpu.pipeline_mode<synchronous>, transform_indices = @transform_0, window_bounds = array<i64: 48, 3000>}, {transform_indices = @transform_1, window_bounds = array<i64: 200, 3000>}, {transform_indices = @transform_2, window_bounds = array<i64: 200, 48>}]} {
    %get3A = arith.constant 0 : index
    %get3A_0 = arith.constant 0 : index
    %get3A_1 = vector.load %arg2[%get3A, %get3A_0] : memref<200x3000xf32, #tpu.memory_space<vmem>>, vector<200x3000xf32>
    %get3A_2 = arith.constant 0 : index
    %get3A_3 = arith.constant 0 : index
    %get3A_4 = vector.load %arg1[%get3A_2, %get3A_3] : memref<48x3000xf32, #tpu.memory_space<vmem>>, vector<48x3000xf32>
    %dot_general3A = arith.constant dense<0.000000e+00> : vector<200x48xf32>
    %dot_general3A_5 = tpu.matmul %get3A_1, %get3A_4, %dot_general3A {dimension_numbers = #tpu.dot_dimension_numbers<[1], [1], [0], [0], [0, 0, 1, 0], [], []>, transpose_lhs_hint = false} : vector<200x3000xf32>, vector<48x3000xf32>, vector<200x48xf32> -> vector<200x48xf32>
    %swap3A = arith.constant 0 : index
    %swap3A_6 = arith.constant 0 : index
    %swap3A_7 = vector.load %arg3[%swap3A, %swap3A_6] : memref<200x48xf32, #tpu.memory_space<vmem>>, vector<200x48xf32>
    tpu.vector_store %arg3[%swap3A, %swap3A_6], %dot_general3A_5 {strides = array<i32>} : memref<200x48xf32, #tpu.memory_space<vmem>>, vector<200x48xf32>,
    return
  }
  func.func @transform_0(%arg0: i32) -> (i32, i32) {
    %c0_i32 = arith.constant 0 : i32
    %c0_i32_0 = arith.constant 0 : i32
    %c0_i32_1 = arith.constant 0 : i32
    return %c0_i32, %c0_i32_0 : i32, i32
  }
  func.func @transform_1(%arg0: i32) -> (i32, i32) {
    %c0_i32 = arith.constant 0 : i32
    %c0_i32_0 = arith.constant 0 : i32
    return %arg0, %c0_i32 : i32, i32
  }
  func.func @transform_2(%arg0: i32) -> (i32, i32) {
    %c0_i32 = arith.constant 0 : i32
    %c0_i32_0 = arith.constant 0 : i32
    return %arg0, %c0_i32 : i32, i32
  }
}

module attributes {stable_mosaic.version = 14 : i64} {
  func.func @_lin_body(%arg0: i32, %arg1: memref<8000x12xf32, #tpu.memory_space<vmem>>, %arg2: memref<12x12xf32, #tpu.memory_space<vmem>>, %arg3: memref<12x8000xf32, #tpu.memory_space<vmem>>) attributes {dimension_semantics = [#tpu.dimension_semantics<arbitrary>], iteration_bounds = array<i64: 1>, scalar_prefetch = 0 : i64, scratch_operands = 0 : i64, tpu.core_type = #tpu.core_type<tc>, window_params = [{pipeline_mode = #tpu.pipeline_mode<synchronous>, transform_indices = @transform_0, window_bounds = array<i64: 8000, 12>}, {transform_indices = @transform_1, window_bounds = array<i64: 12, 12>}, {transform_indices = @transform_2, window_bounds = array<i64: 12, 8000>}]} {
    %get3A = arith.constant 0 : index
    %get3A_0 = arith.constant 0 : index
    %get3A_1 = vector.load %arg2[%get3A, %get3A_0] : memref<12x12xf32, #tpu.memory_space<vmem>>, vector<12x12xf32>
    %get3A_2 = arith.constant 0 : index
    %get3A_3 = arith.constant 0 : index
    %get3A_4 = vector.load %arg1[%get3A_2, %get3A_3] : memref<8000x12xf32, #tpu.memory_space<vmem>>, vector<8000x12xf32>
    %dot_general3A = arith.constant dense<0.000000e+00> : vector<12x8000xf32>
    %dot_general3A_5 = tpu.matmul %get3A_1, %get3A_4, %dot_general3A {dimension_numbers = #tpu.dot_dimension_numbers<[1], [1], [0], [0], [0, 0, 1, 0], [], []>, transpose_lhs_hint = false} : vector<12x12xf32>, vector<8000x12xf32>, vector<12x8000xf32> -> vector<12x8000xf32>
    %swap3A = arith.constant 0 : index
    %swap3A_6 = arith.constant 0 : index
    %swap3A_7 = vector.load %arg3[%swap3A, %swap3A_6] : memref<12x8000xf32, #tpu.memory_space<vmem>>, vector<12x8000xf32>
    tpu.vector_store %arg3[%swap3A, %swap3A_6], %dot_general3A_5 {strides = array<i32>} : memref<12x8000xf32, #tpu.memory_space<vmem>>, vector<12x8000xf32>,
    return
  }
  func.func @transform_0(%arg0: i32) -> (i32, i32) {
    %c0_i32 = arith.constant 0 : i32
    %c0_i32_0 = arith.constant 0 : i32
    %c0_i32_1 = arith.constant 0 : i32
    return %c0_i32, %c0_i32_0 : i32, i32
  }
  func.func @transform_1(%arg0: i32) -> (i32, i32) {
    %c0_i32 = arith.constant 0 : i32
    %c0_i32_0 = arith.constant 0 : i32
    return %arg0, %c0_i32 : i32, i32
  }
  func.func @transform_2(%arg0: i32) -> (i32, i32) {
    %c0_i32 = arith.constant 0 : i32
    %c0_i32_0 = arith.constant 0 : i32
    return %arg0, %c0_i32 : i32, i32
  }
}

module attributes {stable_mosaic.version = 14 : i64} {
  func.func @_moe_body(%arg0: i32, %arg1: memref<1x1x2000xf32, #tpu.memory_space<vmem>>, %arg2: memref<1x8x2000xf32, #tpu.memory_space<vmem>>, %arg3: memref<16x1xf32, #tpu.memory_space<vmem>>, %arg4: memref<16x1xf32, #tpu.memory_space<vmem>>, %arg5: memref<8x64x16xf32, #tpu.memory_space<vmem>>, %arg6: memref<8x64x1xf32, #tpu.memory_space<vmem>>, %arg7: memref<8x16x64xf32, #tpu.memory_space<vmem>>, %arg8: memref<8x16x1xf32, #tpu.memory_space<vmem>>, %arg9: memref<1x16x2000xf32, #tpu.memory_space<vmem>>, %arg10: memref<8x1xf32, #tpu.memory_space<vmem>>, %arg11: memref<8x1xf32, #tpu.memory_space<vmem>>) attributes {dimension_semantics = [#tpu.dimension_semantics<arbitrary>], iteration_bounds = array<i64: 48>, scalar_prefetch = 0 : i64, scratch_operands = 0 : i64, tpu.core_type = #tpu.core_type<tc>, window_params = [{transform_indices = @transform_0, window_bounds = array<i64: 1, 1, 2000>}, {transform_indices = @transform_1, window_bounds = array<i64: 1, 8, 2000>}, {pipeline_mode = #tpu.pipeline_mode<synchronous>, transform_indices = @transform_2, window_bounds = array<i64: 16, 1>}, {pipeline_mode = #tpu.pipeline_mode<synchronous>, transform_indices = @transform_3, window_bounds = array<i64: 16, 1>}, {pipeline_mode = #tpu.pipeline_mode<synchronous>, transform_indices = @transform_4, window_bounds = array<i64: 8, 64, 16>}, {pipeline_mode = #tpu.pipeline_mode<synchronous>, transform_indices = @transform_5, window_bounds = array<i64: 8, 64, 1>}, {pipeline_mode = #tpu.pipeline_mode<synchronous>, transform_indices = @transform_6, window_bounds = array<i64: 8, 16, 64>}, {pipeline_mode = #tpu.pipeline_mode<synchronous>, transform_indices = @transform_7, window_bounds = array<i64: 8, 16, 1>}, {transform_indices = @transform_8, window_bounds = array<i64: 1, 16, 2000>}, {pipeline_mode = #tpu.pipeline_mode<synchronous>, transform_indices = @transform_9, window_bounds = array<i64: 8, 1>}, {pipeline_mode = #tpu.pipeline_mode<synchronous>, transform_indices = @transform_10, window_bounds = array<i64: 8, 1>}]} {
    %get3A = arith.constant 0 : index
    %get3A_0 = arith.constant 0 : index
    %get3A_1 = vector.load %arg3[%get3A, %get3A_0] : memref<16x1xf32, #tpu.memory_space<vmem>>, vector<16x1xf32>
    %get3A_2 = arith.constant 0 : index
    %get3A_3 = arith.constant 0 : index
    %get3A_4 = arith.constant 0 : index
    %get3A_5 = vector.load %arg1[%get3A_2, %get3A_3, %get3A_4] : memref<1x1x2000xf32, #tpu.memory_space<vmem>>, vector<1x1x2000xf32>
    %get3A_6 = vector.shape_cast %get3A_5 : vector<1x1x2000xf32> to vector<1x2000xf32>
    %mul3A = vector.broadcast %get3A_1 : vector<16x1xf32> to vector<16x2000xf32>
    %mul3A_7 = vector.broadcast %get3A_6 : vector<1x2000xf32> to vector<16x2000xf32>
    %mul3A_8 = arith.mulf %mul3A, %mul3A_7 : vector<16x2000xf32>
    %get3A_9 = arith.constant 0 : index
    %get3A_10 = arith.constant 0 : index
    %get3A_11 = vector.load %arg4[%get3A_9, %get3A_10] : memref<16x1xf32, #tpu.memory_space<vmem>>, vector<16x1xf32>
    %add3A = vector.broadcast %get3A_11 : vector<16x1xf32> to vector<16x2000xf32>
    %add3A_12 = arith.addf %mul3A_8, %add3A : vector<16x2000xf32>
    %get3A_13 = arith.constant 0 : index
    %get3A_14 = arith.constant 0 : index
    %get3A_15 = arith.constant 0 : index
    %get3A_16 = vector.load %arg2[%get3A_13, %get3A_14, %get3A_15] : memref<1x8x2000xf32, #tpu.memory_space<vmem>>, vector<1x8x2000xf32>
    %get3A_17 = vector.shape_cast %get3A_16 : vector<1x8x2000xf32> to vector<8x2000xf32>
    %broadcast_in_dim3A = arith.constant 0.000000e+00 : f32
    %broadcast_in_dim3A_18 = vector.broadcast %broadcast_in_dim3A : f32 to vector<16x2000xf32>
    %get3A_19 = arith.constant 0 : index
    %get3A_20 = arith.constant 0 : index
    %get3A_21 = arith.constant 0 : index
    %get3A_22 = vector.load %arg5[%get3A_19, %get3A_20, %get3A_21] : memref<8x64x16xf32, #tpu.memory_space<vmem>>, vector<1x64x16xf32>
    %get3A_23 = vector.shape_cast %get3A_22 : vector<1x64x16xf32> to vector<64x16xf32>
    %dot_general3A = arith.constant dense<0.000000e+00> : vector<64x2000xf32>
    %dot_general3A_24 = tpu.matmul %get3A_23, %add3A_12, %dot_general3A {dimension_numbers = #tpu.dot_dimension_numbers<[1], [0], [0], [1], [0, 0, 1, 1], [], []>, transpose_lhs_hint = false} : vector<64x16xf32>, vector<16x2000xf32>, vector<64x2000xf32> -> vector<64x2000xf32>
    %get3A_25 = arith.constant 0 : index
    %get3A_26 = arith.constant 0 : index
    %get3A_27 = arith.constant 0 : index
    %get3A_28 = vector.load %arg6[%get3A_25, %get3A_26, %get3A_27] : memref<8x64x1xf32, #tpu.memory_space<vmem>>, vector<1x64x1xf32>
    %get3A_29 = vector.shape_cast %get3A_28 : vector<1x64x1xf32> to vector<64x1xf32>
    %add3A_30 = vector.broadcast %get3A_29 : vector<64x1xf32> to vector<64x2000xf32>
    %add3A_31 = arith.addf %dot_general3A_24, %add3A_30 : vector<64x2000xf32>
    %max3A = arith.constant 0.000000e+00 : f32
    %max3A_32 = vector.broadcast %max3A : f32 to vector<64x2000xf32>
    %max3A_33 = arith.maximumf %add3A_31, %max3A_32 : vector<64x2000xf32>
    %get3A_34 = arith.constant 0 : index
    %get3A_35 = arith.constant 0 : index
    %get3A_36 = arith.constant 0 : index
    %get3A_37 = vector.load %arg7[%get3A_34, %get3A_35, %get3A_36] : memref<8x16x64xf32, #tpu.memory_space<vmem>>, vector<1x16x64xf32>
    %get3A_38 = vector.shape_cast %get3A_37 : vector<1x16x64xf32> to vector<16x64xf32>
    %dot_general3A_39 = arith.constant dense<0.000000e+00> : vector<16x2000xf32>
    %dot_general3A_40 = tpu.matmul %get3A_38, %max3A_33, %dot_general3A_39 {dimension_numbers = #tpu.dot_dimension_numbers<[1], [0], [0], [1], [0, 0, 1, 1], [], []>, transpose_lhs_hint = false} : vector<16x64xf32>, vector<64x2000xf32>, vector<16x2000xf32> -> vector<16x2000xf32>
    %get3A_41 = arith.constant 0 : index
    %get3A_42 = arith.constant 0 : index
    %get3A_43 = arith.constant 0 : index
    %get3A_44 = vector.load %arg8[%get3A_41, %get3A_42, %get3A_43] : memref<8x16x1xf32, #tpu.memory_space<vmem>>, vector<1x16x1xf32>
    %get3A_45 = vector.shape_cast %get3A_44 : vector<1x16x1xf32> to vector<16x1xf32>
    %add3A_46 = vector.broadcast %get3A_45 : vector<16x1xf32> to vector<16x2000xf32>
    %add3A_47 = arith.addf %dot_general3A_40, %add3A_46 : vector<16x2000xf32>
    %slice3A = vector.extract_strided_slice %get3A_17 {offsets = [0, 0], sizes = [1, 2000], strides = [1, 1]} : vector<8x2000xf32> to vector<1x2000xf32>
    %mul3A_48 = vector.broadcast %slice3A : vector<1x2000xf32> to vector<16x2000xf32>
    %mul3A_49 = arith.mulf %mul3A_48, %add3A_47 : vector<16x2000xf32>
    %add3A_50 = arith.addf %broadcast_in_dim3A_18, %mul3A_49 : vector<16x2000xf32>
    %get3A_51 = arith.constant 1 : index
    %get3A_52 = arith.constant 0 : index
    %get3A_53 = arith.constant 0 : index
    %get3A_54 = vector.load %arg5[%get3A_51, %get3A_52, %get3A_53] : memref<8x64x16xf32, #tpu.memory_space<vmem>>, vector<1x64x16xf32>
    %get3A_55 = vector.shape_cast %get3A_54 : vector<1x64x16xf32> to vector<64x16xf32>
    %dot_general3A_56 = arith.constant dense<0.000000e+00> : vector<64x2000xf32>
    %dot_general3A_57 = tpu.matmul %get3A_55, %add3A_12, %dot_general3A_56 {dimension_numbers = #tpu.dot_dimension_numbers<[1], [0], [0], [1], [0, 0, 1, 1], [], []>, transpose_lhs_hint = false} : vector<64x16xf32>, vector<16x2000xf32>, vector<64x2000xf32> -> vector<64x2000xf32>
    %get3A_58 = arith.constant 1 : index
    %get3A_59 = arith.constant 0 : index
    %get3A_60 = arith.constant 0 : index
    %get3A_61 = vector.load %arg6[%get3A_58, %get3A_59, %get3A_60] : memref<8x64x1xf32, #tpu.memory_space<vmem>>, vector<1x64x1xf32>
    %get3A_62 = vector.shape_cast %get3A_61 : vector<1x64x1xf32> to vector<64x1xf32>
    %add3A_63 = vector.broadcast %get3A_62 : vector<64x1xf32> to vector<64x2000xf32>
    %add3A_64 = arith.addf %dot_general3A_57, %add3A_63 : vector<64x2000xf32>
    %max3A_65 = arith.constant 0.000000e+00 : f32
    %max3A_66 = vector.broadcast %max3A_65 : f32 to vector<64x2000xf32>
    %max3A_67 = arith.maximumf %add3A_64, %max3A_66 : vector<64x2000xf32>
    %get3A_68 = arith.constant 1 : index
    %get3A_69 = arith.constant 0 : index
    %get3A_70 = arith.constant 0 : index
    %get3A_71 = vector.load %arg7[%get3A_68, %get3A_69, %get3A_70] : memref<8x16x64xf32, #tpu.memory_space<vmem>>, vector<1x16x64xf32>
    %get3A_72 = vector.shape_cast %get3A_71 : vector<1x16x64xf32> to vector<16x64xf32>
    %dot_general3A_73 = arith.constant dense<0.000000e+00> : vector<16x2000xf32>
    %dot_general3A_74 = tpu.matmul %get3A_72, %max3A_67, %dot_general3A_73 {dimension_numbers = #tpu.dot_dimension_numbers<[1], [0], [0], [1], [0, 0, 1, 1], [], []>, transpose_lhs_hint = false} : vector<16x64xf32>, vector<64x2000xf32>, vector<16x2000xf32> -> vector<16x2000xf32>
    %get3A_75 = arith.constant 1 : index
    %get3A_76 = arith.constant 0 : index
    %get3A_77 = arith.constant 0 : index
    %get3A_78 = vector.load %arg8[%get3A_75, %get3A_76, %get3A_77] : memref<8x16x1xf32, #tpu.memory_space<vmem>>, vector<1x16x1xf32>
    %get3A_79 = vector.shape_cast %get3A_78 : vector<1x16x1xf32> to vector<16x1xf32>
    %add3A_80 = vector.broadcast %get3A_79 : vector<16x1xf32> to vector<16x2000xf32>
    %add3A_81 = arith.addf %dot_general3A_74, %add3A_80 : vector<16x2000xf32>
    %slice3A_82 = vector.extract_strided_slice %get3A_17 {offsets = [1, 0], sizes = [1, 2000], strides = [1, 1]} : vector<8x2000xf32> to vector<1x2000xf32>
    %mul3A_83 = vector.broadcast %slice3A_82 : vector<1x2000xf32> to vector<16x2000xf32>
    %mul3A_84 = arith.mulf %mul3A_83, %add3A_81 : vector<16x2000xf32>
    %add3A_85 = arith.addf %add3A_50, %mul3A_84 : vector<16x2000xf32>
    %get3A_86 = arith.constant 2 : index
    %get3A_87 = arith.constant 0 : index
    %get3A_88 = arith.constant 0 : index
    %get3A_89 = vector.load %arg5[%get3A_86, %get3A_87, %get3A_88] : memref<8x64x16xf32, #tpu.memory_space<vmem>>, vector<1x64x16xf32>
    %get3A_90 = vector.shape_cast %get3A_89 : vector<1x64x16xf32> to vector<64x16xf32>
    %dot_general3A_91 = arith.constant dense<0.000000e+00> : vector<64x2000xf32>
    %dot_general3A_92 = tpu.matmul %get3A_90, %add3A_12, %dot_general3A_91 {dimension_numbers = #tpu.dot_dimension_numbers<[1], [0], [0], [1], [0, 0, 1, 1], [], []>, transpose_lhs_hint = false} : vector<64x16xf32>, vector<16x2000xf32>, vector<64x2000xf32> -> vector<64x2000xf32>
    %get3A_93 = arith.constant 2 : index
    %get3A_94 = arith.constant 0 : index
    %get3A_95 = arith.constant 0 : index
    %get3A_96 = vector.load %arg6[%get3A_93, %get3A_94, %get3A_95] : memref<8x64x1xf32, #tpu.memory_space<vmem>>, vector<1x64x1xf32>
    %get3A_97 = vector.shape_cast %get3A_96 : vector<1x64x1xf32> to vector<64x1xf32>
    %add3A_98 = vector.broadcast %get3A_97 : vector<64x1xf32> to vector<64x2000xf32>
    %add3A_99 = arith.addf %dot_general3A_92, %add3A_98 : vector<64x2000xf32>
    %max3A_100 = arith.constant 0.000000e+00 : f32
    %max3A_101 = vector.broadcast %max3A_100 : f32 to vector<64x2000xf32>
    %max3A_102 = arith.maximumf %add3A_99, %max3A_101 : vector<64x2000xf32>
    %get3A_103 = arith.constant 2 : index
    %get3A_104 = arith.constant 0 : index
    %get3A_105 = arith.constant 0 : index
    %get3A_106 = vector.load %arg7[%get3A_103, %get3A_104, %get3A_105] : memref<8x16x64xf32, #tpu.memory_space<vmem>>, vector<1x16x64xf32>
    %get3A_107 = vector.shape_cast %get3A_106 : vector<1x16x64xf32> to vector<16x64xf32>
    %dot_general3A_108 = arith.constant dense<0.000000e+00> : vector<16x2000xf32>
    %dot_general3A_109 = tpu.matmul %get3A_107, %max3A_102, %dot_general3A_108 {dimension_numbers = #tpu.dot_dimension_numbers<[1], [0], [0], [1], [0, 0, 1, 1], [], []>, transpose_lhs_hint = false} : vector<16x64xf32>, vector<64x2000xf32>, vector<16x2000xf32> -> vector<16x2000xf32>
    %get3A_110 = arith.constant 2 : index
    %get3A_111 = arith.constant 0 : index
    %get3A_112 = arith.constant 0 : index
    %get3A_113 = vector.load %arg8[%get3A_110, %get3A_111, %get3A_112] : memref<8x16x1xf32, #tpu.memory_space<vmem>>, vector<1x16x1xf32>
    %get3A_114 = vector.shape_cast %get3A_113 : vector<1x16x1xf32> to vector<16x1xf32>
    %add3A_115 = vector.broadcast %get3A_114 : vector<16x1xf32> to vector<16x2000xf32>
    %add3A_116 = arith.addf %dot_general3A_109, %add3A_115 : vector<16x2000xf32>
    %slice3A_117 = vector.extract_strided_slice %get3A_17 {offsets = [2, 0], sizes = [1, 2000], strides = [1, 1]} : vector<8x2000xf32> to vector<1x2000xf32>
    %mul3A_118 = vector.broadcast %slice3A_117 : vector<1x2000xf32> to vector<16x2000xf32>
    %mul3A_119 = arith.mulf %mul3A_118, %add3A_116 : vector<16x2000xf32>
    %add3A_120 = arith.addf %add3A_85, %mul3A_119 : vector<16x2000xf32>
    %get3A_121 = arith.constant 3 : index
    %get3A_122 = arith.constant 0 : index
    %get3A_123 = arith.constant 0 : index
    %get3A_124 = vector.load %arg5[%get3A_121, %get3A_122, %get3A_123] : memref<8x64x16xf32, #tpu.memory_space<vmem>>, vector<1x64x16xf32>
    %get3A_125 = vector.shape_cast %get3A_124 : vector<1x64x16xf32> to vector<64x16xf32>
    %dot_general3A_126 = arith.constant dense<0.000000e+00> : vector<64x2000xf32>
    %dot_general3A_127 = tpu.matmul %get3A_125, %add3A_12, %dot_general3A_126 {dimension_numbers = #tpu.dot_dimension_numbers<[1], [0], [0], [1], [0, 0, 1, 1], [], []>, transpose_lhs_hint = false} : vector<64x16xf32>, vector<16x2000xf32>, vector<64x2000xf32> -> vector<64x2000xf32>
    %get3A_128 = arith.constant 3 : index
    %get3A_129 = arith.constant 0 : index
    %get3A_130 = arith.constant 0 : index
    %get3A_131 = vector.load %arg6[%get3A_128, %get3A_129, %get3A_130] : memref<8x64x1xf32, #tpu.memory_space<vmem>>, vector<1x64x1xf32>
    %get3A_132 = vector.shape_cast %get3A_131 : vector<1x64x1xf32> to vector<64x1xf32>
    %add3A_133 = vector.broadcast %get3A_132 : vector<64x1xf32> to vector<64x2000xf32>
    %add3A_134 = arith.addf %dot_general3A_127, %add3A_133 : vector<64x2000xf32>
    %max3A_135 = arith.constant 0.000000e+00 : f32
    %max3A_136 = vector.broadcast %max3A_135 : f32 to vector<64x2000xf32>
    %max3A_137 = arith.maximumf %add3A_134, %max3A_136 : vector<64x2000xf32>
    %get3A_138 = arith.constant 3 : index
    %get3A_139 = arith.constant 0 : index
    %get3A_140 = arith.constant 0 : index
    %get3A_141 = vector.load %arg7[%get3A_138, %get3A_139, %get3A_140] : memref<8x16x64xf32, #tpu.memory_space<vmem>>, vector<1x16x64xf32>
    %get3A_142 = vector.shape_cast %get3A_141 : vector<1x16x64xf32> to vector<16x64xf32>
    %dot_general3A_143 = arith.constant dense<0.000000e+00> : vector<16x2000xf32>
    %dot_general3A_144 = tpu.matmul %get3A_142, %max3A_137, %dot_general3A_143 {dimension_numbers = #tpu.dot_dimension_numbers<[1], [0], [0], [1], [0, 0, 1, 1], [], []>, transpose_lhs_hint = false} : vector<16x64xf32>, vector<64x2000xf32>, vector<16x2000xf32> -> vector<16x2000xf32>
    %get3A_145 = arith.constant 3 : index
    %get3A_146 = arith.constant 0 : index
    %get3A_147 = arith.constant 0 : index
    %get3A_148 = vector.load %arg8[%get3A_145, %get3A_146, %get3A_147] : memref<8x16x1xf32, #tpu.memory_space<vmem>>, vector<1x16x1xf32>
    %get3A_149 = vector.shape_cast %get3A_148 : vector<1x16x1xf32> to vector<16x1xf32>
    %add3A_150 = vector.broadcast %get3A_149 : vector<16x1xf32> to vector<16x2000xf32>
    %add3A_151 = arith.addf %dot_general3A_144, %add3A_150 : vector<16x2000xf32>
    %slice3A_152 = vector.extract_strided_slice %get3A_17 {offsets = [3, 0], sizes = [1, 2000], strides = [1, 1]} : vector<8x2000xf32> to vector<1x2000xf32>
    %mul3A_153 = vector.broadcast %slice3A_152 : vector<1x2000xf32> to vector<16x2000xf32>
    %mul3A_154 = arith.mulf %mul3A_153, %add3A_151 : vector<16x2000xf32>
    %add3A_155 = arith.addf %add3A_120, %mul3A_154 : vector<16x2000xf32>
    %get3A_156 = arith.constant 4 : index
    %get3A_157 = arith.constant 0 : index
    %get3A_158 = arith.constant 0 : index
    %get3A_159 = vector.load %arg5[%get3A_156, %get3A_157, %get3A_158] : memref<8x64x16xf32, #tpu.memory_space<vmem>>, vector<1x64x16xf32>
    %get3A_160 = vector.shape_cast %get3A_159 : vector<1x64x16xf32> to vector<64x16xf32>
    %dot_general3A_161 = arith.constant dense<0.000000e+00> : vector<64x2000xf32>
    %dot_general3A_162 = tpu.matmul %get3A_160, %add3A_12, %dot_general3A_161 {dimension_numbers = #tpu.dot_dimension_numbers<[1], [0], [0], [1], [0, 0, 1, 1], [], []>, transpose_lhs_hint = false} : vector<64x16xf32>, vector<16x2000xf32>, vector<64x2000xf32> -> vector<64x2000xf32>
    %get3A_163 = arith.constant 4 : index
    %get3A_164 = arith.constant 0 : index
    %get3A_165 = arith.constant 0 : index
    %get3A_166 = vector.load %arg6[%get3A_163, %get3A_164, %get3A_165] : memref<8x64x1xf32, #tpu.memory_space<vmem>>, vector<1x64x1xf32>
    %get3A_167 = vector.shape_cast %get3A_166 : vector<1x64x1xf32> to vector<64x1xf32>
    %add3A_168 = vector.broadcast %get3A_167 : vector<64x1xf32> to vector<64x2000xf32>
    %add3A_169 = arith.addf %dot_general3A_162, %add3A_168 : vector<64x2000xf32>
    %max3A_170 = arith.constant 0.000000e+00 : f32
    %max3A_171 = vector.broadcast %max3A_170 : f32 to vector<64x2000xf32>
    %max3A_172 = arith.maximumf %add3A_169, %max3A_171 : vector<64x2000xf32>
    %get3A_173 = arith.constant 4 : index
    %get3A_174 = arith.constant 0 : index
    %get3A_175 = arith.constant 0 : index
    %get3A_176 = vector.load %arg7[%get3A_173, %get3A_174, %get3A_175] : memref<8x16x64xf32, #tpu.memory_space<vmem>>, vector<1x16x64xf32>
    %get3A_177 = vector.shape_cast %get3A_176 : vector<1x16x64xf32> to vector<16x64xf32>
    %dot_general3A_178 = arith.constant dense<0.000000e+00> : vector<16x2000xf32>
    %dot_general3A_179 = tpu.matmul %get3A_177, %max3A_172, %dot_general3A_178 {dimension_numbers = #tpu.dot_dimension_numbers<[1], [0], [0], [1], [0, 0, 1, 1], [], []>, transpose_lhs_hint = false} : vector<16x64xf32>, vector<64x2000xf32>, vector<16x2000xf32> -> vector<16x2000xf32>
    %get3A_180 = arith.constant 4 : index
    %get3A_181 = arith.constant 0 : index
    %get3A_182 = arith.constant 0 : index
    %get3A_183 = vector.load %arg8[%get3A_180, %get3A_181, %get3A_182] : memref<8x16x1xf32, #tpu.memory_space<vmem>>, vector<1x16x1xf32>
    %get3A_184 = vector.shape_cast %get3A_183 : vector<1x16x1xf32> to vector<16x1xf32>
    %add3A_185 = vector.broadcast %get3A_184 : vector<16x1xf32> to vector<16x2000xf32>
    %add3A_186 = arith.addf %dot_general3A_179, %add3A_185 : vector<16x2000xf32>
    %slice3A_187 = vector.extract_strided_slice %get3A_17 {offsets = [4, 0], sizes = [1, 2000], strides = [1, 1]} : vector<8x2000xf32> to vector<1x2000xf32>
    %mul3A_188 = vector.broadcast %slice3A_187 : vector<1x2000xf32> to vector<16x2000xf32>
    %mul3A_189 = arith.mulf %mul3A_188, %add3A_186 : vector<16x2000xf32>
    %add3A_190 = arith.addf %add3A_155, %mul3A_189 : vector<16x2000xf32>
    %get3A_191 = arith.constant 5 : index
    %get3A_192 = arith.constant 0 : index
    %get3A_193 = arith.constant 0 : index
    %get3A_194 = vector.load %arg5[%get3A_191, %get3A_192, %get3A_193] : memref<8x64x16xf32, #tpu.memory_space<vmem>>, vector<1x64x16xf32>
    %get3A_195 = vector.shape_cast %get3A_194 : vector<1x64x16xf32> to vector<64x16xf32>
    %dot_general3A_196 = arith.constant dense<0.000000e+00> : vector<64x2000xf32>
    %dot_general3A_197 = tpu.matmul %get3A_195, %add3A_12, %dot_general3A_196 {dimension_numbers = #tpu.dot_dimension_numbers<[1], [0], [0], [1], [0, 0, 1, 1], [], []>, transpose_lhs_hint = false} : vector<64x16xf32>, vector<16x2000xf32>, vector<64x2000xf32> -> vector<64x2000xf32>
    %get3A_198 = arith.constant 5 : index
    %get3A_199 = arith.constant 0 : index
    %get3A_200 = arith.constant 0 : index
    %get3A_201 = vector.load %arg6[%get3A_198, %get3A_199, %get3A_200] : memref<8x64x1xf32, #tpu.memory_space<vmem>>, vector<1x64x1xf32>
    %get3A_202 = vector.shape_cast %get3A_201 : vector<1x64x1xf32> to vector<64x1xf32>
    %add3A_203 = vector.broadcast %get3A_202 : vector<64x1xf32> to vector<64x2000xf32>
    %add3A_204 = arith.addf %dot_general3A_197, %add3A_203 : vector<64x2000xf32>
    %max3A_205 = arith.constant 0.000000e+00 : f32
    %max3A_206 = vector.broadcast %max3A_205 : f32 to vector<64x2000xf32>
    %max3A_207 = arith.maximumf %add3A_204, %max3A_206 : vector<64x2000xf32>
    %get3A_208 = arith.constant 5 : index
    %get3A_209 = arith.constant 0 : index
    %get3A_210 = arith.constant 0 : index
    %get3A_211 = vector.load %arg7[%get3A_208, %get3A_209, %get3A_210] : memref<8x16x64xf32, #tpu.memory_space<vmem>>, vector<1x16x64xf32>
    %get3A_212 = vector.shape_cast %get3A_211 : vector<1x16x64xf32> to vector<16x64xf32>
    %dot_general3A_213 = arith.constant dense<0.000000e+00> : vector<16x2000xf32>
    %dot_general3A_214 = tpu.matmul %get3A_212, %max3A_207, %dot_general3A_213 {dimension_numbers = #tpu.dot_dimension_numbers<[1], [0], [0], [1], [0, 0, 1, 1], [], []>, transpose_lhs_hint = false} : vector<16x64xf32>, vector<64x2000xf32>, vector<16x2000xf32> -> vector<16x2000xf32>
    %get3A_215 = arith.constant 5 : index
    %get3A_216 = arith.constant 0 : index
    %get3A_217 = arith.constant 0 : index
    %get3A_218 = vector.load %arg8[%get3A_215, %get3A_216, %get3A_217] : memref<8x16x1xf32, #tpu.memory_space<vmem>>, vector<1x16x1xf32>
    %get3A_219 = vector.shape_cast %get3A_218 : vector<1x16x1xf32> to vector<16x1xf32>
    %add3A_220 = vector.broadcast %get3A_219 : vector<16x1xf32> to vector<16x2000xf32>
    %add3A_221 = arith.addf %dot_general3A_214, %add3A_220 : vector<16x2000xf32>
    %slice3A_222 = vector.extract_strided_slice %get3A_17 {offsets = [5, 0], sizes = [1, 2000], strides = [1, 1]} : vector<8x2000xf32> to vector<1x2000xf32>
    %mul3A_223 = vector.broadcast %slice3A_222 : vector<1x2000xf32> to vector<16x2000xf32>
    %mul3A_224 = arith.mulf %mul3A_223, %add3A_221 : vector<16x2000xf32>
    %add3A_225 = arith.addf %add3A_190, %mul3A_224 : vector<16x2000xf32>
    %get3A_226 = arith.constant 6 : index
    %get3A_227 = arith.constant 0 : index
    %get3A_228 = arith.constant 0 : index
    %get3A_229 = vector.load %arg5[%get3A_226, %get3A_227, %get3A_228] : memref<8x64x16xf32, #tpu.memory_space<vmem>>, vector<1x64x16xf32>
    %get3A_230 = vector.shape_cast %get3A_229 : vector<1x64x16xf32> to vector<64x16xf32>
    %dot_general3A_231 = arith.constant dense<0.000000e+00> : vector<64x2000xf32>
    %dot_general3A_232 = tpu.matmul %get3A_230, %add3A_12, %dot_general3A_231 {dimension_numbers = #tpu.dot_dimension_numbers<[1], [0], [0], [1], [0, 0, 1, 1], [], []>, transpose_lhs_hint = false} : vector<64x16xf32>, vector<16x2000xf32>, vector<64x2000xf32> -> vector<64x2000xf32>
    %get3A_233 = arith.constant 6 : index
    %get3A_234 = arith.constant 0 : index
    %get3A_235 = arith.constant 0 : index
    %get3A_236 = vector.load %arg6[%get3A_233, %get3A_234, %get3A_235] : memref<8x64x1xf32, #tpu.memory_space<vmem>>, vector<1x64x1xf32>
    %get3A_237 = vector.shape_cast %get3A_236 : vector<1x64x1xf32> to vector<64x1xf32>
    %add3A_238 = vector.broadcast %get3A_237 : vector<64x1xf32> to vector<64x2000xf32>
    %add3A_239 = arith.addf %dot_general3A_232, %add3A_238 : vector<64x2000xf32>
    %max3A_240 = arith.constant 0.000000e+00 : f32
    %max3A_241 = vector.broadcast %max3A_240 : f32 to vector<64x2000xf32>
    %max3A_242 = arith.maximumf %add3A_239, %max3A_241 : vector<64x2000xf32>
    %get3A_243 = arith.constant 6 : index
    %get3A_244 = arith.constant 0 : index
    %get3A_245 = arith.constant 0 : index
    %get3A_246 = vector.load %arg7[%get3A_243, %get3A_244, %get3A_245] : memref<8x16x64xf32, #tpu.memory_space<vmem>>, vector<1x16x64xf32>
    %get3A_247 = vector.shape_cast %get3A_246 : vector<1x16x64xf32> to vector<16x64xf32>
    %dot_general3A_248 = arith.constant dense<0.000000e+00> : vector<16x2000xf32>
    %dot_general3A_249 = tpu.matmul %get3A_247, %max3A_242, %dot_general3A_248 {dimension_numbers = #tpu.dot_dimension_numbers<[1], [0], [0], [1], [0, 0, 1, 1], [], []>, transpose_lhs_hint = false} : vector<16x64xf32>, vector<64x2000xf32>, vector<16x2000xf32> -> vector<16x2000xf32>
    %get3A_250 = arith.constant 6 : index
    %get3A_251 = arith.constant 0 : index
    %get3A_252 = arith.constant 0 : index
    %get3A_253 = vector.load %arg8[%get3A_250, %get3A_251, %get3A_252] : memref<8x16x1xf32, #tpu.memory_space<vmem>>, vector<1x16x1xf32>
    %get3A_254 = vector.shape_cast %get3A_253 : vector<1x16x1xf32> to vector<16x1xf32>
    %add3A_255 = vector.broadcast %get3A_254 : vector<16x1xf32> to vector<16x2000xf32>
    %add3A_256 = arith.addf %dot_general3A_249, %add3A_255 : vector<16x2000xf32>
    %slice3A_257 = vector.extract_strided_slice %get3A_17 {offsets = [6, 0], sizes = [1, 2000], strides = [1, 1]} : vector<8x2000xf32> to vector<1x2000xf32>
    %mul3A_258 = vector.broadcast %slice3A_257 : vector<1x2000xf32> to vector<16x2000xf32>
    %mul3A_259 = arith.mulf %mul3A_258, %add3A_256 : vector<16x2000xf32>
    %add3A_260 = arith.addf %add3A_225, %mul3A_259 : vector<16x2000xf32>
    %get3A_261 = arith.constant 7 : index
    %get3A_262 = arith.constant 0 : index
    %get3A_263 = arith.constant 0 : index
    %get3A_264 = vector.load %arg5[%get3A_261, %get3A_262, %get3A_263] : memref<8x64x16xf32, #tpu.memory_space<vmem>>, vector<1x64x16xf32>
    %get3A_265 = vector.shape_cast %get3A_264 : vector<1x64x16xf32> to vector<64x16xf32>
    %dot_general3A_266 = arith.constant dense<0.000000e+00> : vector<64x2000xf32>
    %dot_general3A_267 = tpu.matmul %get3A_265, %add3A_12, %dot_general3A_266 {dimension_numbers = #tpu.dot_dimension_numbers<[1], [0], [0], [1], [0, 0, 1, 1], [], []>, transpose_lhs_hint = false} : vector<64x16xf32>, vector<16x2000xf32>, vector<64x2000xf32> -> vector<64x2000xf32>
    %get3A_268 = arith.constant 7 : index
    %get3A_269 = arith.constant 0 : index
    %get3A_270 = arith.constant 0 : index
    %get3A_271 = vector.load %arg6[%get3A_268, %get3A_269, %get3A_270] : memref<8x64x1xf32, #tpu.memory_space<vmem>>, vector<1x64x1xf32>
    %get3A_272 = vector.shape_cast %get3A_271 : vector<1x64x1xf32> to vector<64x1xf32>
    %add3A_273 = vector.broadcast %get3A_272 : vector<64x1xf32> to vector<64x2000xf32>
    %add3A_274 = arith.addf %dot_general3A_267, %add3A_273 : vector<64x2000xf32>
    %max3A_275 = arith.constant 0.000000e+00 : f32
    %max3A_276 = vector.broadcast %max3A_275 : f32 to vector<64x2000xf32>
    %max3A_277 = arith.maximumf %add3A_274, %max3A_276 : vector<64x2000xf32>
    %get3A_278 = arith.constant 7 : index
    %get3A_279 = arith.constant 0 : index
    %get3A_280 = arith.constant 0 : index
    %get3A_281 = vector.load %arg7[%get3A_278, %get3A_279, %get3A_280] : memref<8x16x64xf32, #tpu.memory_space<vmem>>, vector<1x16x64xf32>
    %get3A_282 = vector.shape_cast %get3A_281 : vector<1x16x64xf32> to vector<16x64xf32>
    %dot_general3A_283 = arith.constant dense<0.000000e+00> : vector<16x2000xf32>
    %dot_general3A_284 = tpu.matmul %get3A_282, %max3A_277, %dot_general3A_283 {dimension_numbers = #tpu.dot_dimension_numbers<[1], [0], [0], [1], [0, 0, 1, 1], [], []>, transpose_lhs_hint = false} : vector<16x64xf32>, vector<64x2000xf32>, vector<16x2000xf32> -> vector<16x2000xf32>
    %get3A_285 = arith.constant 7 : index
    %get3A_286 = arith.constant 0 : index
    %get3A_287 = arith.constant 0 : index
    %get3A_288 = vector.load %arg8[%get3A_285, %get3A_286, %get3A_287] : memref<8x16x1xf32, #tpu.memory_space<vmem>>, vector<1x16x1xf32>
    %get3A_289 = vector.shape_cast %get3A_288 : vector<1x16x1xf32> to vector<16x1xf32>
    %add3A_290 = vector.broadcast %get3A_289 : vector<16x1xf32> to vector<16x2000xf32>
    %add3A_291 = arith.addf %dot_general3A_284, %add3A_290 : vector<16x2000xf32>
    %slice3A_292 = vector.extract_strided_slice %get3A_17 {offsets = [7, 0], sizes = [1, 2000], strides = [1, 1]} : vector<8x2000xf32> to vector<1x2000xf32>
    %mul3A_293 = vector.broadcast %slice3A_292 : vector<1x2000xf32> to vector<16x2000xf32>
    %mul3A_294 = arith.mulf %mul3A_293, %add3A_291 : vector<16x2000xf32>
    %add3A_295 = arith.addf %add3A_260, %mul3A_294 : vector<16x2000xf32>
    %add3A_296 = arith.addf %add3A_12, %add3A_295 : vector<16x2000xf32>
    %swap3A = arith.constant 0 : index
    %swap3A_297 = arith.constant 0 : index
    %swap3A_298 = arith.constant 0 : index
    %swap3A_299 = vector.load %arg9[%swap3A, %swap3A_297, %swap3A_298] : memref<1x16x2000xf32, #tpu.memory_space<vmem>>, vector<1x16x2000xf32>
    %swap3A_300 = vector.shape_cast %swap3A_299 : vector<1x16x2000xf32> to vector<16x2000xf32>
    %swap3A_301 = vector.shape_cast %add3A_296 : vector<16x2000xf32> to vector<1x16x2000xf32>
    tpu.vector_store %arg9[%swap3A, %swap3A_297, %swap3A_298], %swap3A_301 {strides = array<i32>} : memref<1x16x2000xf32, #tpu.memory_space<vmem>>, vector<1x16x2000xf32>,
    %eq3A = arith.constant 0 : i32
    %eq3A_302 = arith.cmpi eq, %arg0, %eq3A : i32
    %convert_element_type3A = arith.extui %eq3A_302 : i1 to i32
    %cond3A = arith.constant 0 : i32
    %cond3A_303 = arith.cmpi ne, %convert_element_type3A, %cond3A : i32
    scf.if %cond3A_303 {
      %broadcast_in_dim3A_327 = arith.constant 0.000000e+00 : f32
      %broadcast_in_dim3A_328 = vector.broadcast %broadcast_in_dim3A_327 : f32 to vector<8x1xf32>
      %swap3A_329 = arith.constant 0 : index
      %swap3A_330 = arith.constant 0 : index
      %swap3A_331 = vector.load %arg10[%swap3A_329, %swap3A_330] : memref<8x1xf32, #tpu.memory_space<vmem>>, vector<8x1xf32>
      tpu.vector_store %arg10[%swap3A_329, %swap3A_330], %broadcast_in_dim3A_328 {strides = array<i32>} : memref<8x1xf32, #tpu.memory_space<vmem>>, vector<8x1xf32>,
      %broadcast_in_dim3A_332 = arith.constant 0.000000e+00 : f32
      %broadcast_in_dim3A_333 = vector.broadcast %broadcast_in_dim3A_332 : f32 to vector<8x1xf32>
      %swap3A_334 = arith.constant 0 : index
      %swap3A_335 = arith.constant 0 : index
      %swap3A_336 = vector.load %arg11[%swap3A_334, %swap3A_335] : memref<8x1xf32, #tpu.memory_space<vmem>>, vector<8x1xf32>
      tpu.vector_store %arg11[%swap3A_334, %swap3A_335], %broadcast_in_dim3A_333 {strides = array<i32>} : memref<8x1xf32, #tpu.memory_space<vmem>>, vector<8x1xf32>,
    } else {
    }
    %get3A_304 = arith.constant 0 : index
    %get3A_305 = arith.constant 0 : index
    %get3A_306 = vector.load %arg10[%get3A_304, %get3A_305] : memref<8x1xf32, #tpu.memory_space<vmem>>, vector<8x1xf32>
    %reduce_sum3A = arith.constant dense<0.000000e+00> : vector<8xf32>
    %reduce_sum3A_307 = vector.multi_reduction <add>, %get3A_17, %reduce_sum3A [1] : vector<8x2000xf32> to vector<8xf32>
    %broadcast_in_dim3A_308 = vector.shape_cast %reduce_sum3A_307 : vector<8xf32> to vector<8x1xf32>
    %add3A_309 = arith.addf %get3A_306, %broadcast_in_dim3A_308 : vector<8x1xf32>
    %swap3A_310 = arith.constant 0 : index
    %swap3A_311 = arith.constant 0 : index
    %swap3A_312 = vector.load %arg10[%swap3A_310, %swap3A_311] : memref<8x1xf32, #tpu.memory_space<vmem>>, vector<8x1xf32>
    tpu.vector_store %arg10[%swap3A_310, %swap3A_311], %add3A_309 {strides = array<i32>} : memref<8x1xf32, #tpu.memory_space<vmem>>, vector<8x1xf32>,
    %get3A_313 = arith.constant 0 : index
    %get3A_314 = arith.constant 0 : index
    %get3A_315 = vector.load %arg11[%get3A_313, %get3A_314] : memref<8x1xf32, #tpu.memory_space<vmem>>, vector<8x1xf32>
    %gt3A = arith.constant 0.000000e+00 : f32
    %gt3A_316 = vector.broadcast %gt3A : f32 to vector<8x2000xf32>
    %gt3A_317 = arith.cmpf ogt, %get3A_17, %gt3A_316 : vector<8x2000xf32>
    %convert_element_type3A_318 = arith.extui %gt3A_317 : vector<8x2000xi1> to vector<8x2000xi32>
    %convert_element_type3A_319 = arith.sitofp %convert_element_type3A_318 : vector<8x2000xi32> to vector<8x2000xf32>
    %reduce_sum3A_320 = arith.constant dense<0.000000e+00> : vector<8xf32>
    %reduce_sum3A_321 = vector.multi_reduction <add>, %convert_element_type3A_319, %reduce_sum3A_320 [1] : vector<8x2000xf32> to vector<8xf32>
    %broadcast_in_dim3A_322 = vector.shape_cast %reduce_sum3A_321 : vector<8xf32> to vector<8x1xf32>
    %add3A_323 = arith.addf %get3A_315, %broadcast_in_dim3A_322 : vector<8x1xf32>
    %swap3A_324 = arith.constant 0 : index
    %swap3A_325 = arith.constant 0 : index
    %swap3A_326 = vector.load %arg11[%swap3A_324, %swap3A_325] : memref<8x1xf32, #tpu.memory_space<vmem>>, vector<8x1xf32>
    tpu.vector_store %arg11[%swap3A_324, %swap3A_325], %add3A_323 {strides = array<i32>} : memref<8x1xf32, #tpu.memory_space<vmem>>, vector<8x1xf32>,
    return
  }
  func.func @transform_0(%arg0: i32) -> (i32, i32, i32) {
    %c0_i32 = arith.constant 0 : i32
    %c0_i32_0 = arith.constant 0 : i32
    %c0_i32_1 = arith.constant 0 : i32
    return %arg0, %c0_i32, %c0_i32_0 : i32, i32, i32
  }
  func.func @transform_1(%arg0: i32) -> (i32, i32, i32) {
    %c0_i32 = arith.constant 0 : i32
    %c0_i32_0 = arith.constant 0 : i32
    %c0_i32_1 = arith.constant 0 : i32
    return %arg0, %c0_i32, %c0_i32_0 : i32, i32, i32
  }
  func.func @transform_2(%arg0: i32) -> (i32, i32) {
    %c0_i32 = arith.constant 0 : i32
    %c0_i32_0 = arith.constant 0 : i32
    %c0_i32_1 = arith.constant 0 : i32
    return %c0_i32, %c0_i32_0 : i32, i32
  }
  func.func @transform_3(%arg0: i32) -> (i32, i32) {
    %c0_i32 = arith.constant 0 : i32
    %c0_i32_0 = arith.constant 0 : i32
    %c0_i32_1 = arith.constant 0 : i32
    return %c0_i32, %c0_i32_0 : i32, i32
  }
  func.func @transform_4(%arg0: i32) -> (i32, i32, i32) {
    %c0_i32 = arith.constant 0 : i32
    %c0_i32_0 = arith.constant 0 : i32
    %c0_i32_1 = arith.constant 0 : i32
    %c0_i32_2 = arith.constant 0 : i32
    return %c0_i32, %c0_i32_0, %c0_i32_1 : i32, i32, i32
  }
  func.func @transform_5(%arg0: i32) -> (i32, i32, i32) {
    %c0_i32 = arith.constant 0 : i32
    %c0_i32_0 = arith.constant 0 : i32
    %c0_i32_1 = arith.constant 0 : i32
    %c0_i32_2 = arith.constant 0 : i32
    return %c0_i32, %c0_i32_0, %c0_i32_1 : i32, i32, i32
  }
  func.func @transform_6(%arg0: i32) -> (i32, i32, i32) {
    %c0_i32 = arith.constant 0 : i32
    %c0_i32_0 = arith.constant 0 : i32
    %c0_i32_1 = arith.constant 0 : i32
    %c0_i32_2 = arith.constant 0 : i32
    return %c0_i32, %c0_i32_0, %c0_i32_1 : i32, i32, i32
  }
  func.func @transform_7(%arg0: i32) -> (i32, i32, i32) {
    %c0_i32 = arith.constant 0 : i32
    %c0_i32_0 = arith.constant 0 : i32
    %c0_i32_1 = arith.constant 0 : i32
    %c0_i32_2 = arith.constant 0 : i32
    return %c0_i32, %c0_i32_0, %c0_i32_1 : i32, i32, i32
  }
  func.func @transform_8(%arg0: i32) -> (i32, i32, i32) {
    %c0_i32 = arith.constant 0 : i32
    %c0_i32_0 = arith.constant 0 : i32
    %c0_i32_1 = arith.constant 0 : i32
    return %arg0, %c0_i32, %c0_i32_0 : i32, i32, i32
  }
  func.func @transform_9(%arg0: i32) -> (i32, i32) {
    %c0_i32 = arith.constant 0 : i32
    %c0_i32_0 = arith.constant 0 : i32
    %c0_i32_1 = arith.constant 0 : i32
    return %c0_i32, %c0_i32_0 : i32, i32
  }
  func.func @transform_10(%arg0: i32) -> (i32, i32) {
    %c0_i32 = arith.constant 0 : i32
    %c0_i32_0 = arith.constant 0 : i32
    %c0_i32_1 = arith.constant 0 : i32
    return %c0_i32, %c0_i32_0 : i32, i32
  }
}

module attributes {stable_mosaic.version = 14 : i64} {
  func.func @_lin_body(%arg0: i32, %arg1: memref<8000x192xf32, #tpu.memory_space<vmem>>, %arg2: memref<12x192xf32, #tpu.memory_space<vmem>>, %arg3: memref<12x8000xf32, #tpu.memory_space<vmem>>) attributes {dimension_semantics = [#tpu.dimension_semantics<arbitrary>], iteration_bounds = array<i64: 1>, scalar_prefetch = 0 : i64, scratch_operands = 0 : i64, tpu.core_type = #tpu.core_type<tc>, window_params = [{pipeline_mode = #tpu.pipeline_mode<synchronous>, transform_indices = @transform_0, window_bounds = array<i64: 8000, 192>}, {transform_indices = @transform_1, window_bounds = array<i64: 12, 192>}, {transform_indices = @transform_2, window_bounds = array<i64: 12, 8000>}]} {
    %get3A = arith.constant 0 : index
    %get3A_0 = arith.constant 0 : index
    %get3A_1 = vector.load %arg2[%get3A, %get3A_0] : memref<12x192xf32, #tpu.memory_space<vmem>>, vector<12x192xf32>
    %get3A_2 = arith.constant 0 : index
    %get3A_3 = arith.constant 0 : index
    %get3A_4 = vector.load %arg1[%get3A_2, %get3A_3] : memref<8000x192xf32, #tpu.memory_space<vmem>>, vector<8000x192xf32>
    %dot_general3A = arith.constant dense<0.000000e+00> : vector<12x8000xf32>
    %dot_general3A_5 = tpu.matmul %get3A_1, %get3A_4, %dot_general3A {dimension_numbers = #tpu.dot_dimension_numbers<[1], [1], [0], [0], [0, 0, 1, 0], [], []>, transpose_lhs_hint = false} : vector<12x192xf32>, vector<8000x192xf32>, vector<12x8000xf32> -> vector<12x8000xf32>
    %swap3A = arith.constant 0 : index
    %swap3A_6 = arith.constant 0 : index
    %swap3A_7 = vector.load %arg3[%swap3A, %swap3A_6] : memref<12x8000xf32, #tpu.memory_space<vmem>>, vector<12x8000xf32>
    tpu.vector_store %arg3[%swap3A, %swap3A_6], %dot_general3A_5 {strides = array<i32>} : memref<12x8000xf32, #tpu.memory_space<vmem>>, vector<12x8000xf32>,
    return
  }
  func.func @transform_0(%arg0: i32) -> (i32, i32) {
    %c0_i32 = arith.constant 0 : i32
    %c0_i32_0 = arith.constant 0 : i32
    %c0_i32_1 = arith.constant 0 : i32
    return %c0_i32, %c0_i32_0 : i32, i32
  }
  func.func @transform_1(%arg0: i32) -> (i32, i32) {
    %c0_i32 = arith.constant 0 : i32
    %c0_i32_0 = arith.constant 0 : i32
    return %arg0, %c0_i32 : i32, i32
  }
  func.func @transform_2(%arg0: i32) -> (i32, i32) {
    %c0_i32 = arith.constant 0 : i32
    %c0_i32_0 = arith.constant 0 : i32
    return %arg0, %c0_i32 : i32, i32
  }
}

module attributes {stable_mosaic.version = 14 : i64} {
  func.func @_ctr_body(%arg0: i32, %arg1: memref<200x12xf32, #tpu.memory_space<vmem>>, %arg2: memref<8000x12xf32, #tpu.memory_space<vmem>>, %arg3: memref<1x1xf32, #tpu.memory_space<vmem>>) attributes {dimension_semantics = [#tpu.dimension_semantics<arbitrary>], iteration_bounds = array<i64: 40>, scalar_prefetch = 0 : i64, scratch_operands = 0 : i64, tpu.core_type = #tpu.core_type<tc>, window_params = [{transform_indices = @transform_0, window_bounds = array<i64: 200, 12>}, {pipeline_mode = #tpu.pipeline_mode<synchronous>, transform_indices = @transform_1, window_bounds = array<i64: 8000, 12>}, {pipeline_mode = #tpu.pipeline_mode<synchronous>, transform_indices = @transform_2, window_bounds = array<i64: 1, 1>}]} {
    %eq3A = arith.constant 0 : i32
    %eq3A_0 = arith.cmpi eq, %arg0, %eq3A : i32
    %convert_element_type3A = arith.extui %eq3A_0 : i1 to i32
    %cond3A = arith.constant 0 : i32
    %cond3A_1 = arith.cmpi ne, %convert_element_type3A, %cond3A : i32
    scf.if %cond3A_1 {
      %broadcast_in_dim3A = arith.constant 0.000000e+00 : f32
      %broadcast_in_dim3A_31 = vector.broadcast %broadcast_in_dim3A : f32 to vector<1x1xf32>
      %swap3A_32 = arith.constant 0 : index
      %swap3A_33 = arith.constant 0 : index
      %swap3A_34 = vector.load %arg3[%swap3A_32, %swap3A_33] : memref<1x1xf32, #tpu.memory_space<vmem>>, vector<1x1xf32>
      tpu.vector_store %arg3[%swap3A_32, %swap3A_33], %broadcast_in_dim3A_31 {strides = array<i32>} : memref<1x1xf32, #tpu.memory_space<vmem>>, vector<1x1xf32>,
    } else {
    }
    %get3A = arith.constant 0 : index
    %get3A_2 = arith.constant 0 : index
    %get3A_3 = vector.load %arg1[%get3A, %get3A_2] : memref<200x12xf32, #tpu.memory_space<vmem>>, vector<200x12xf32>
    %get3A_4 = arith.constant 0 : index
    %get3A_5 = arith.constant 0 : index
    %get3A_6 = vector.load %arg2[%get3A_4, %get3A_5] : memref<8000x12xf32, #tpu.memory_space<vmem>>, vector<8000x12xf32>
    %dot_general3A = arith.constant dense<0.000000e+00> : vector<200x8000xf32>
    %dot_general3A_7 = tpu.matmul %get3A_3, %get3A_6, %dot_general3A {dimension_numbers = #tpu.dot_dimension_numbers<[1], [1], [0], [0], [0, 0, 1, 0], [], []>, transpose_lhs_hint = false} : vector<200x12xf32>, vector<8000x12xf32>, vector<200x8000xf32> -> vector<200x8000xf32>
    %div3A = arith.constant 1.000000e-01 : f32
    %div3A_8 = vector.broadcast %div3A : f32 to vector<200x8000xf32>
    %div3A_9 = arith.divf %dot_general3A_7, %div3A_8 : vector<200x8000xf32>
    %exp3A = math.exp %div3A_9 : vector<200x8000xf32>
    %reduce_sum3A = arith.constant dense<0.000000e+00> : vector<200xf32>
    %reduce_sum3A_10 = vector.multi_reduction <add>, %exp3A, %reduce_sum3A [1] : vector<200x8000xf32> to vector<200xf32>
    %log3A = math.log %reduce_sum3A_10 : vector<200xf32>
    %mul3A = arith.constant 200 : i32
    %mul3A_11 = arith.muli %arg0, %mul3A : i32
    %get3A_12 = arith.index_cast %mul3A_11 : i32 to index
    %get3A_13 = arith.constant 0 : index
    %get3A_14 = vector.load %arg2[%get3A_12, %get3A_13] : memref<8000x12xf32, #tpu.memory_space<vmem>>, vector<200x12xf32>
    %mul3A_15 = arith.mulf %get3A_3, %get3A_14 : vector<200x12xf32>
    %reduce_sum3A_16 = arith.constant dense<0.000000e+00> : vector<200xf32>
    %reduce_sum3A_17 = vector.multi_reduction <add>, %mul3A_15, %reduce_sum3A_16 [1] : vector<200x12xf32> to vector<200xf32>
    %div3A_18 = arith.constant 1.000000e-01 : f32
    %div3A_19 = vector.broadcast %div3A_18 : f32 to vector<200xf32>
    %div3A_20 = arith.divf %reduce_sum3A_17, %div3A_19 : vector<200xf32>
    %get3A_21 = arith.constant 0 : index
    %get3A_22 = arith.constant 0 : index
    %get3A_23 = vector.load %arg3[%get3A_21, %get3A_22] : memref<1x1xf32, #tpu.memory_space<vmem>>, vector<1x1xf32>
    %sub3A = arith.subf %log3A, %div3A_20 : vector<200xf32>
    %reduce_sum3A_24 = vector.shape_cast %sub3A : vector<200xf32> to vector<1x200xf32>
    %reduce_sum3A_25 = arith.constant dense<0.000000e+00> : vector<1xf32>
    %reduce_sum3A_26 = vector.multi_reduction <add>, %reduce_sum3A_24, %reduce_sum3A_25 [1] : vector<1x200xf32> to vector<1xf32>
    %reduce_sum3A_27 = vector.shape_cast %reduce_sum3A_26 : vector<1xf32> to vector<1x1xf32>
    %reduce_sum3A_28 = vector.extract %reduce_sum3A_27[0, 0] : f32 from vector<1x1xf32>
    %reshape3A = vector.broadcast %reduce_sum3A_28 : f32 to vector<1x1xf32>
    %add3A = arith.addf %get3A_23, %reshape3A : vector<1x1xf32>
    %swap3A = arith.constant 0 : index
    %swap3A_29 = arith.constant 0 : index
    %swap3A_30 = vector.load %arg3[%swap3A, %swap3A_29] : memref<1x1xf32, #tpu.memory_space<vmem>>, vector<1x1xf32>
    tpu.vector_store %arg3[%swap3A, %swap3A_29], %add3A {strides = array<i32>} : memref<1x1xf32, #tpu.memory_space<vmem>>, vector<1x1xf32>,
    return
  }
  func.func @transform_0(%arg0: i32) -> (i32, i32) {
    %c0_i32 = arith.constant 0 : i32
    %c0_i32_0 = arith.constant 0 : i32
    return %arg0, %c0_i32 : i32, i32
  }
  func.func @transform_1(%arg0: i32) -> (i32, i32) {
    %c0_i32 = arith.constant 0 : i32
    %c0_i32_0 = arith.constant 0 : i32
    %c0_i32_1 = arith.constant 0 : i32
    return %c0_i32, %c0_i32_0 : i32, i32
  }
  func.func @transform_2(%arg0: i32) -> (i32, i32) {
    %c0_i32 = arith.constant 0 : i32
    %c0_i32_0 = arith.constant 0 : i32
    %c0_i32_1 = arith.constant 0 : i32
    return %c0_i32, %c0_i32_0 : i32, i32
  }
}

</mosaic_0001>

<sc_bundles>
// kernel: kernel.16.cloned.1.call-start
scs
__scs_entry_jumppad:
0x0: {  	(pc) =	sbr.rel $0x88, $3  }
0x1: {  	(tag) =	ssettag $0x0;
	lr =	simm.s32 $0x1  }
0x2: {  	[smem:$0x3F85] =	sst lr;
	_ =	strace $0xD0000000  }
0x3: {  	_ = 	snop  }
0x4: {  	_ = 	snop  }
0x5: {  	_ = 	snop  }
0x6: {  	_ = 	snop  }
0x7: {  	_ = 	snop  }
__scs_overlays_trampoline_lowered:
0x8: {  	[smem:$0x3F94] =	sst s0  }
0x9: {  	[smem:$0x3F95] =	sst s1  }
0xa: {  	[smem:$0x3F96] =	sst s2  }
0xb: {  	[smem:$0x3F97] =	sst s3  }
0xc: {  	[smem:$0x3F98] =	sst s4  }
0xd: {  	[smem:$0x3F99] =	sst s5  }
0xe: {  	[smem:$0x3F9A] =	sst s6  }
0xf: {  	[smem:$0x3F9B] =	sst s7  }
0x10: {  	[smem:$0x3F9C] =	sst s8  }
0x11: {  	[smem:$0x3F9D] =	sst s9;
	s0 =	simm.s32 @!p0 $0x0  }
0x12: {  	s1 =	sld [smem:$0x3F83];
	s0 =	simm.s32 @p0 $0x1  }
0x13: {  	[smem:$0x3F9E] =	sst s0;
	s0 =	simm.s32 @!p1 $0x0  }
0x14: {  	s2 =	sld [smem:$0x3F82];
	s0 =	simm.s32 @p1 $0x1  }
0x15: {  	[smem:$0x3F9F] =	sst s0;
	s0 =	simm.s32 @!p2 $0x0  }
0x16: {  	s3 =	sld [smem:$0x3FDB];
	s0 =	simm.s32 @p2 $0x1  }
0x17: {  	s4 =	simm.s32 $0x1BF5;
	[smem:$0x3FA1] =	sst s0  }
0x18: {  	s0 =	sld [smem:$0x3F84];
	_ =	swait.ge [sflag:s4], $0x0  }
0x19: {  	s7 =	sld [smem:$0x3F85]  }
0x1a: {  	s8 =	sadd.s32 $0xFFFFE003, lr  }
0x1b: {  	s9 =	sadd.s32 $0xFFFFFEF7, lr;
	s5 =	simm.s32 $0xFFFFFFFF;
	p2 =	slt.u32 s8, $0xFFFFF086  }
0x1c: {  	p1 =	slt.u32 s9, $0xF7A;
	s5 =	simm.s32 @!p2 $0x0  }
0x1d: {  	s5 =	simm.s32 @p1 $0x1;
	p0 =	seq.s32 s7, s2  }
0x1e: {  	s7 =	smul.u32 @!p0 $0xF7A, s2;
	p2 =	seq.s32 @!p0 s5, $0x0  }
0x1f: {  	s9 =	smul.u32 $0xF7A, s1;
	s8 =	simm.s32 @!p0 $0x1BF5;
	p2 =	por !p2, p0  }
0x20: {  	[sflag:s8] =	ssyncset.s32 @!p0 $0xFFFFF086;
	s6 =	sadd.s32 @!p0 s3, s7;
	s7 =	simm.s32 @!p0 $0x108  }
0x21: {  	s3 =	sadd.s32 s3, s9;
	s6 =	sadd.s32 @!p0 $0x88, s6;
	s7 =	simm.s32 @p2 $0x1082  }
0x22: {  	[simem:s7], [sflag:s8] =	dma.local @!p0 [hbm:s6], $0xF7A  }
0x23: {  	s9 =	sor.u32 $0xD0000000, s2;
	s6 =	simm.s32 $0x108;
	_ =	swait.ge @!p0 [sflag:s8], $0x0  }
0x24: {  	s3 =	sadd.s32 $0x88, s3;
	s6 =	simm.s32 @!p1 $0x1082;
	[sflag:s4] =	ssyncset.s32 $0xFFFFF086  }
0x25: {  	[simem:s6], [sflag:s4] =	dma.local [hbm:s3], $0xF7A  }
0x26: {  	[smem:$0x3F85] =	sst s1;
	(tag) =	ssettag s2;
	_ =	strace s9  }
0x27: {  	s1 =	sld [smem:$0x3F95]  }
0x28: {  	s2 =	sld [smem:$0x3F96]  }
0x29: {  	s4 =	sld [smem:$0x3F98]  }
0x2a: {  	p0 =	seq.s32 s5, $0x0;
	s5 =	sld [smem:$0x3F99]  }
0x2b: {  	s6 =	sld [smem:$0x3F9A]  }
0x2c: {  	s7 =	sld [smem:$0x3F9B]  }
0x2d: {  	s3 =	simm.s32 $0x108;
	s8 =	sld [smem:$0x3F9C]  }
0x2e: {  	s3 =	simm.s32 @!p0 $0x1082;
	s9 =	sld [smem:$0x3F9D]  }
0x2f: {  	lr =	sadd.s32 s0, s3;
	s0 =	sld [smem:$0x3F94]  }
0x30: {  	s3 =	sld [smem:$0x3F97]  }
0x31: {  	[smem:$0x3FA0] =	sst s10  }
0x32: {  	s10 =	sld [smem:$0x3F9E];
	_ =	sdelay $0x3  }
0x33: {  	p0 =	seq.s32 s10, $0x1;
	s10 =	sld [smem:$0x3FA0];
	_ =	sdelay $0x3  }
0x34: {  	[smem:$0x3FA0] =	sst s10  }
0x35: {  	s10 =	sld [smem:$0x3F9F];
	_ =	sdelay $0x3  }
0x36: {  	p1 =	seq.s32 s10, $0x1;
	s10 =	sld [smem:$0x3FA0];
	_ =	sdelay $0x3  }
0x37: {  	[smem:$0x3FA0] =	sst s10  }
0x38: {  	s10 =	sld [smem:$0x3FA1]  }
0x39: {  	_ = 	snop;
	(pc) =	sbr.ind lr, $3  }
0x3a: {  	_ = 	snop  }
0x3b: {  	_ = 	snop  }
0x3c: {  	p2 =	seq.s32 s10, $0x1;
	s10 =	sld [smem:$0x3FA0]  }
0x3d: {  	_ =	shalt  }
0x3e: {  	_ =	shalt  }
0x3f: {  	_ =	shalt  }
0x40: {  	_ =	shalt  }
0x41: {  	_ =	shalt  }
0x42: {  	_ =	shalt  }
0x43: {  	_ =	shalt  }
0x44: {  	_ =	shalt  }
0x45: {  	_ =	shalt  }
0x46: {  	_ =	shalt  }
0x47: {  	_ =	shalt  }
0x48: {  	_ =	shalt  }
0x49: {  	_ =	shalt  }
0x4a: {  	_ =	shalt  }
0x4b: {  	_ =	shalt  }
0x4c: {  	_ =	shalt  }
0x4d: {  	_ =	shalt  }
0x4e: {  	_ =	shalt  }
0x4f: {  	_ =	shalt  }
0x50: {  	_ =	shalt  }
0x51: {  	_ =	shalt  }
0x52: {  	_ =	shalt  }
0x53: {  	_ =	shalt  }
0x54: {  	_ =	shalt  }
0x55: {  	_ =	shalt  }
0x56: {  	_ =	shalt  }
0x57: {  	_ =	shalt  }
0x58: {  	_ =	shalt  }
0x59: {  	_ =	shalt  }
0x5a: {  	_ =	shalt  }
0x5b: {  	_ =	shalt  }
0x5c: {  	_ =	shalt  }
0x5d: {  	_ =	shalt  }
0x5e: {  	_ =	shalt  }
0x5f: {  	_ =	shalt  }
0x60: {  	_ =	shalt  }
0x61: {  	_ =	shalt  }
0x62: {  	_ =	shalt  }
0x63: {  	_ =	shalt  }
0x64: {  	_ =	shalt  }
0x65: {  	_ =	shalt  }
0x66: {  	_ =	shalt  }
0x67: {  	_ =	shalt  }
0x68: {  	_ =	shalt  }
0x69: {  	_ =	shalt  }
0x6a: {  	_ =	shalt  }
0x6b: {  	_ =	shalt  }
0x6c: {  	_ =	shalt  }
0x6d: {  	_ =	shalt  }
0x6e: {  	_ =	shalt  }
0x6f: {  	_ =	shalt  }
0x70: {  	_ =	shalt  }
0x71: {  	_ =	shalt  }
0x72: {  	_ =	shalt  }
0x73: {  	_ =	shalt  }
0x74: {  	_ =	shalt  }
0x75: {  	_ =	shalt  }
0x76: {  	_ =	shalt  }
0x77: {  	_ =	shalt  }
0x78: {  	_ =	shalt  }
0x79: {  	_ =	shalt  }
0x7a: {  	_ =	shalt  }
0x7b: {  	_ =	shalt  }
0x7c: {  	_ =	shalt  }
0x7d: {  	_ =	shalt  }
0x7e: {  	_ =	shalt  }
0x7f: {  	_ =	shalt  }
0x80: {  	_ =	shalt  }
0x81: {  	_ =	shalt  }
0x82: {  	_ =	shalt  }
0x83: {  	_ =	shalt  }
0x84: {  	_ =	shalt  }
0x85: {  	_ =	shalt  }
0x86: {  	_ =	shalt  }
0x87: {  	_ =	shalt  }
.Lfunc_end0:
.L_simem_size_0:
called_computation_lowered:
.L_overlay_start_0:
0x88: {  	s2 =	sld [smem:$0x3FD9]  }
0x89: {  	s3 =	sld [smem:$0x3FFE];
	_ =	sdelay $0x1  }
0x8a: {  	s1 =	srdreg.scid  }
0x8b: {  	s0 =	sand.u32 $0x1, s1  }
0x8c: {  	s16 =	sshll.u32 s0, $0xA;
	s2 =	sadd.s32 s3, s2  }
0x8d: {  	s2 =	sadd.s32 s2, s16  }
0x8e: {  	[smem:$0x3FAC] =	sst s2  }
0x8f: {  	_ = 	snop  }
0x90: {  	(tm) =	ssettm $0x1  }
0x91: {  	s17 =	sld [smem:$0x3FFB];
	_ =	sdelay $0x3  }
0x92: {  	_ =	strace s17  }
0x93: {  	s2 =	sld [smem:$0x3FFC];
	_ =	sdelay $0x3  }
0x94: {  	_ =	strace s2  }
0x95: {  	s2 =	sld [smem:$0x3FFD];
	_ =	sdelay $0x3  }
0x96: {  	_ =	strace s2  }
0x97: {  	_ =	strace $0x8FFFFFFF  }
0x98: {  	s18 =	sld [smem:$0x3FDB];
	_ =	sdelay $0x1  }
0x99: {  	s19 =	simm.s32 $_scs_section_size  }
0x9a: {  	s4 =	simm.s32 $_size__tile_overlayer_lowered;
	s5 =	simm.s32 $_tile_overlayer_lowered  }
0x9b: {  	s22 =	simm.s32 $0x1BFF;
	s21 =	sshll.u32 s5, $0x1;
	s2 =	sadd.s32 s19, s18  }
0x9c: {  	s6 =	simm.s32 $0x0;
	s20 =	sshll.u32 s4, $0x1;
	s4 =	sadd.s32 s21, s2  }
0x9d: {  	[timem:s6], [sflag:s22] =	dma.local [hbm:s4], s20  }
0x9e: {  	_ =	swait.ge [sflag:s22], s20  }
0x9f: {  	s3 =	ssub.s32 $0x0, s20;
	[sflag:s22] =	ssyncset.done $0x0  }
0xa0: {  	[sflag:s22] =	ssyncadd.s32 s3;
	_ =	sdelay $0x1  }
0xa1: {  	s23 =	simm.s32 $0x1B8B  }
0xa2: {  	_ =	swait.ge [sflag:s23], $0x1  }
0xa3: {  	[sflag:s23] =	ssyncset.done $0x0  }
0xa4: {  	s25 =	simm.s32 $0x1B8E;
	s24 =	sld [smem:$0x3FFE];
	[sflag:s23] =	ssyncadd.s32 $0xFFFFFFFF  }
0xa5: {  	s26 =	simm.s32 $execute0_lowered;
	[smem:$0x3FD2] =	sst s25  }
0xa6: {  	s4 =	sshll.u32 s26, $0x1;
	_ =	strace $0x80000046;
	[dreg:$0x1] =	wrdreg $0xFFFFFFFF  }
0xa7: {  	s28 =	simm.s32 $_size_execute0_lowered;
	s2 =	sadd.s32 s2, s4;
	[dreg:$0x0] =	wrdreg $0x0  }
0xa8: {  	s4 =	sshll.u32 s28, $0x1;
	[dreg:$0x2] =	wrdreg s2  }
0xa9: {  	[dreg:$0x3] =	wrdreg s4  }
0xaa: {  	[dreg:$0x4] =	wrdreg $0xC0  }
0xab: {  	_ =	task [dreg:s6], $0x5FFFF  }
0xac: {  	[dreg:$0x1] =	wrdreg $0xFFFFFFFF  }
0xad: {  	[dreg:$0x0] =	wrdreg $0x60  }
0xae: {  	[dreg:$0x2] =	wrdreg s24  }
0xaf: {  	[dreg:$0x3] =	wrdreg $0x9  }
0xb0: {  	_ =	task.clear_ibuf [dreg:s6], $0x4FFFF;
	_ =	strace $0x90000046  }
0xb1: {  	s29 =	simm.s32 $0x9;
	_ =	strace $0x80000048  }
0xb2: {  	_ =	swait.ge [sflag:s29], $0x1  }
0xb3: {  	[sflag:s29] =	ssyncadd.s32 $0xFFFFFFFF  }
0xb4: {  	_ =	strace $0x90000048  }
0xb5: {  	_ =	sfence  }
0xb6: {  	s30 =	sld [smem:$0x0];
	_ =	sdelay $0x2  }
0xb7: {  	s31 =	sshll.u32 s1, $0xD;
	s1 =	sshrl.u32 s1, $0x2  }
0xb8: {  	s3 =	sand.u32 $0x4000, s31;
	s1 =	sadd.s32 s1, s30  }
0xb9: {  	s0 =	sor.u32 s3, s0;
	s1 =	sshll.u32 s1, $0x11  }
0xba: {  	s0 =	sor.u32 s1, s0  }
0xbb: {  	s0 =	sadd.s32 $0x8F2B, s0  }
0xbc: {  	[sflag:s0] =	ssyncadd.remote.s32 $0x1  }
0xbd: {  	_ =	sfence.sel $0xFFFF  }
0xbe: {  	[dreg:$0x0] =	wrdreg $0xFFFFFFFF;
	(pc) =	sbr.abs _section_cstart, $3  }
0xbf: {  	[dreg:$0x1] =	wrdreg $0xFFFFFFFF  }
0xc0: {  	_ =	task.clear_ibuf [dreg:s6], $0x2FFFF;
	_ =	strace $0x9FFFFFFF  }
0xc1: {  	(tm) =	ssettm $0x7FFFFFFF  }
tec
execute0_lowered:
.L_overlay_start_1:
0x0: {  	(tag) =	ssettag $0x1  }
0x1: {  	s5 =	rddreg [dreg:$0x0]  }
0x2: {  	s0 =	rddreg [dreg:$0x1]  }
0x3: {  	s2 =	simm.s32 $0x0;
	s3 =	srdreg.scid;
	s1 =	stileid.u32  }
0x4: {  	s10 =	simm.s32 $0x0;
	[smem:$0x7FF] =	sst s2;
	s3 =	sand.u32 $0x1, s3  }
0x5: {  	s6 =	sshll.u32 s1, $0xC;
	s8 =	sadd.s32 $0x18000, s5;
	p0 =	sgt.u32 s1, $0x7  }
.Ltmp0:
0x6: {  	s4 =	ssub.s32 $0x2, s3;
	s3 =	sshll.u32 s3, $0xB;
	(pc) =	sbr.rel .LBB2_1-.Ltmp0, $4  }
0x7: {  	_ =	strace $0x80000047;
	s7 =	sshrl.u32 s4, $0x1;
	s6 =	sor.u32 s3, s6  }
0x8: {  	s7 =	ssub.s32 s4, s7;
	s9 =	sor.u32 $0x10000, s6;
	s3 =	sadd.s32 s5, s6  }
0x9: {  	s4 =	sadd.s32 s8, s6;
	s5 =	sadd.s32 s5, s9;
	s6 =	sadd.s32 s8, s9  }
0xa: {  	v0 =	vimm.s32 $0x8;
	s7 =	smax.u32 s7, $0x1;
	s8 =	simm.s32 $0x1;
	s9 =	simm.s32 $0x4000  }
.LBB2_6:
0xb: {  	v12 =	vsel vm2, $0xF149F2CA, v12;
	v13 =	vsel vm1, $0xF149F2CA, v8;
	vm4 =	veq.s32 v9, $0x2  }
0xc: {  	vm5 =	veq.s32 v9, $0x3;
	v12 =	vmax.f32 v12, v13;
	v45 =	vsel vm4, $0xF149F2CA, v6  }
0xd: {  	vm6 =	veq.s32 v9, $0x4;
	v46 =	vsel vm5, $0xF149F2CA, v5;
	v12 =	vmax.f32 v12, v45  }
0xe: {  	v47 =	vsel vm6, $0xF149F2CA, v4;
	v12 =	vmax.f32 v12, v46  }
0xf: {  	v48 =	vsel vm3, $0xF149F2CA, v3;
	vm7 =	vmand vm0, vm7;
	v12 =	vmax.f32 v12, v47  }
0x10: {  	v49 =	vsel vm7, $0xF149F2CA, v2;
	v12 =	vmax.f32 v12, v48  }
0x11: {  	v12 =	vmax.f32 v12, v49  }
0x12: {  	v11 =	vmax.f32 v12, v11  }
0x13: {  	vm8 =	vne.s32 v9, $0x1;
	vm9 =	veq.f32 v8, v11;
	v50 =	vsub.f32 v11, v10  }
0x14: {  	vm10 =	vne.f32 v7, v11;
	vm8 =	vmand vm8, vm9  }
0x15: {  	vm14 =	vmor vm2, vm10;
	v51 =	vsel vm8, $0x1, v0;
	v8 =	vmul.f32 $1.442695020e+00, v50  }
0x16: {  	v7 =	vnsel vm14, $0x0, v51  }
0x17: {  	vm15 =	veq.f32 v6, v11;
	vm9 =	veq.s32 v7, $0x8;
	(erf) = vpow2.f32 v8  }
0x18: {  	vm12 =	vne.s32 v9, $0x2;
	vm8 =	vmand vm15, vm9  }
0x19: {  	vm8 =	vmand vm12, vm8  }
0x1a: {  	v52 =	vsel vm8, $0x2, v7  }
0x1b: {  	vm13 =	veq.f32 v5, v11;
	vm14 =	veq.s32 v52, $0x8  }
0x1c: {  	vm15 =	vne.s32 v9, $0x3;
	vm8 =	vmand vm13, vm14  }
0x1d: {  	vm8 =	vmand vm15, vm8  }
0x1e: {  	v53 =	vsel vm8, $0x3, v52  }
0x1f: {  	vm12 =	veq.f32 v4, v11;
	vm13 =	veq.s32 v53, $0x8  }
0x20: {  	vm14 =	vne.s32 v9, $0x4;
	vm8 =	vmand vm12, vm13;
	v54 =	vpop (erf)  }
0x21: {  	vm8 =	vmand vm14, vm8;
	v55 =	vadd.f32 $1.000000000e+00, v54  }
0x22: {  	v5 =	vsel vm8, $0x4, v53  }
0x23: {  	vm15 =	veq.f32 v3, v11;
	vm12 =	veq.s32 v5, $0x8;
	(erf) = vrcp.f32 v55  }
0x24: {  	vm13 =	vne.s32 v9, $0x5;
	vm8 =	vmand vm15, vm12  }
0x25: {  	vm8 =	vmand vm13, vm8  }
0x26: {  	v3 =	vsel vm8, $0x5, v5  }
0x27: {  	vm14 =	vne.f32 v2, v11;
	vm15 =	vne.s32 v3, $0x8  }
0x28: {  	vm8 =	vmor vm14, vm15  }
0x29: {  	vm8 =	vmor vm7, vm8  }
0x2a: {  	v2 =	vnsel vm8, $0x6, v3  }
0x2b: {  	vm12 =	veq.f32 v1, v11;
	vm13 =	veq.s32 v2, $0x8  }
0x2c: {  	vm9 =	vmand vm12, vm13;
	v1 =	vpop (erf)  }
0x2d: {  	vm9 =	vmand vm0, vm9;
	v3 =	vmul.f32 v1, v54  }
0x2e: {  	v2 =	vsel vm9, $0x7, v2;
	vm8 =	vmor vm9, vm8  }
0x2f: {  	vm14 =	veq.s32 v2, $0x4;
	v4 =	vsel vm8, $0x0, v3  }
0x30: {  	vm15 =	veq.s32 v2, $0x5;
	v56 =	vnsel vm14, $0x0, v3;
	v4 =	vsel vm7, v1, v4  }
0x31: {  	vm12 =	veq.s32 v2, $0x3;
	v57 =	vnsel vm15, $0x0, v3;
	v5 =	vsel vm6, v1, v56;
	[tilespmem:s11+$0x4300] =	vst v4  }
0x32: {  	vm13 =	veq.s32 v2, $0x0;
	v59 =	vnsel vm12, $0x0, v3;
	v58 =	vsel vm3, v1, v57;
	[tilespmem:s11+$0x4200] =	vst v5  }
0x33: {  	v60 =	vnsel vm13, $0x0, v3;
	vm14 =	veq.s32 v2, $0x2;
	v6 =	vsel vm5, v1, v59;
	[tilespmem:s11+$0x4280] =	vst v58  }
0x34: {  	vm15 =	veq.s32 v2, $0x1;
	v2 =	vsel vm2, v1, v60;
	v61 =	vnsel vm14, $0x0, v3;
	[tilespmem:s11+$0x4180] =	vst v6  }
0x35: {  	v62 =	vnsel vm15, $0x0, v3;
	[tilespmem:s11+$0x4000] =	vst v2;
	v2 =	vsel vm4, v1, v61  }
0x36: {  	v3 =	vnsel vm9, $0x0, v3;
	v63 =	vsel vm1, v1, v62;
	[tilespmem:s11+$0x4100] =	vst v2  }
0x37: {  	v1 =	vsel vm0, v3, v1;
	[tilespmem:s11+$0x4080] =	vst v63  }
0x38: {  	[tilespmem:s12+$0x4000] =	vst v1  }
0x39: {  	[hbm4b:s6+s2] =	stream.linear.scatter [tilespmem:s9], [sflag:$0x1], $0x4000, $0x38;
	[tilespmem:$0x8000] =	vst v63  }
0x3a: {  	_ =	swait.ge [sflag:s8], $0x4000  }
0x3b: {  	[sflag:s8] =	ssyncset.done $0x0  }
0x3c: {  	[sflag:s8] =	ssyncadd.s32 $0xFFFFC000  }
.LBB2_7:
0x3d: {  	s10 =	sadd.s32 $0x1, s10  }
0x3e: {  	p1 =	sne.s32 s10, s7  }
.Ltmp1:
0x3f: {  	_ = 	snop;
	(pc) =	sbr.rel @!p1 .LBB2_8-.Ltmp1, $1  }
0x40: {  	_ =	sdelay $0x3  }
.LBB2_1:
0x41: {  	[tilespmem:s2], [sflag:$0x1] =	stream.linear.gather [hbm4b:s3+s2], $0x4000, $0x38;
	[tilespmem:$0x8000] =	vst v63  }
0x42: {  	_ =	swait.ge [sflag:s8], $0x4000  }
0x43: {  	s11 =	sand.u32 $0x70, s2;
	s12 =	sand.u32 $0x3C00, s2;
	[sflag:s8] =	ssyncset.done $0x0  }
0x44: {  	s11 =	sor.u32 s11, s12;
	[sflag:s8] =	ssyncadd.s32 $0xFFFFC000  }
0x45: {  	v7 =	vld [tilespmem:s11+$0x0]  }
0x46: {  	v8 =	vld [tilespmem:s11+$0x80]  }
0x47: {  	v6 =	vld [tilespmem:s11+$0x100]  }
0x48: {  	s31 =	sand.u32 $0x7, s2;
	v5 =	vld [tilespmem:s11+$0x180]  }
0x49: {  	s12 =	sshll.u32 s31, $0x4;
	v4 =	vld [tilespmem:s11+$0x200]  }
0x4a: {  	s12 =	sadd.s32 $0x0, s12;
	v3 =	vld [tilespmem:s11+$0x280]  }
0x4b: {  	s12 =	sor.u32 $0x380, s12;
	v2 =	vld [tilespmem:s11+$0x300];
	v9 =	vmax.f32 v7, v8  }
0x4c: {  	v1 =	vld [tilespmem:s12+$0x0];
	v9 =	vmax.f32 v9, v6  }
0x4d: {  	v9 =	vmax.f32 v9, v5  }
0x4e: {  	v9 =	vmax.f32 v9, v4  }
0x4f: {  	v9 =	vmax.f32 v9, v3  }
0x50: {  	v9 =	vmax.f32 v9, v2  }
0x51: {  	v10 =	vmax.f32 v9, v1  }
0x52: {  	vm0 =	veq.f32 v8, v10  }
0x53: {  	vm1 =	vne.f32 v7, v10;
	v9 =	vsel vm0, $0x1, v0  }
0x54: {  	v9 =	vnsel vm1, $0x0, v9  }
0x55: {  	vm0 =	veq.f32 v6, v10;
	vm1 =	veq.s32 v9, $0x8  }
0x56: {  	vm0 =	vmand vm0, vm1  }
0x57: {  	v9 =	vsel vm0, $0x2, v9  }
0x58: {  	vm0 =	veq.f32 v5, v10;
	vm1 =	veq.s32 v9, $0x8  }
0x59: {  	vm0 =	vmand vm0, vm1  }
0x5a: {  	v9 =	vsel vm0, $0x3, v9  }
0x5b: {  	vm0 =	veq.f32 v4, v10;
	vm1 =	veq.s32 v9, $0x8  }
0x5c: {  	vm0 =	vmand vm0, vm1  }
0x5d: {  	v9 =	vsel vm0, $0x4, v9  }
0x5e: {  	vm0 =	veq.f32 v3, v10;
	vm1 =	veq.s32 v9, $0x8  }
0x5f: {  	vm0 =	vmand vm0, vm1  }
0x60: {  	v9 =	vsel vm0, $0x5, v9  }
0x61: {  	vm0 =	veq.f32 v2, v10;
	vm1 =	veq.s32 v9, $0x8  }
0x62: {  	vm7 =	vmand vm0, vm1  }
0x63: {  	v9 =	vsel vm7, $0x6, v9  }
0x64: {  	vm0 =	vne.f32 v1, v10;
	vm1 =	vne.s32 v9, $0x8  }
0x65: {  	vm0 =	vmor vm0, vm1  }
0x66: {  	v12 =	vmax.f32 v7, $-1.000000020e+30;
	v9 =	vnsel vm0, $0x7, v9;
	v11 =	vnsel vm0, $0xF149F2CA, v1  }
0x67: {  	s13 =	simm.s32 $0x10;
	s14 =	simm.s32 $0x0;
	s15 =	simm.s32 $0x0;
	vm2 =	veq.s32 v9, $0x0;
	vm1 =	veq.s32 v9, $0x1;
	vm3 =	veq.s32 v9, $0x5  }
.LBB2_2:
0x68: {  	p1 =	sne.s32 s13, $0x7C0;
	v12 =	vsel vm2, $0xF149F2CA, v12;
	v13 =	vsel vm1, $0xF149F2CA, v8;
	vm4 =	veq.s32 v9, $0x2;
	s14 =	sadd.s32 $0x80, s14;
	s15 =	sadd.s32 $0x1, s15  }
0x69: {  	vm5 =	veq.s32 v9, $0x3;
	s16 =	smov.u32 s13;
	s13 =	sadd.s32 $0x10, s13;
	v12 =	vmax.f32 v12, v13;
	v13 =	vsel vm4, $0xF149F2CA, v6  }
0x6a: {  	vm6 =	veq.s32 v9, $0x4;
	v12 =	vmax.f32 v12, v13;
	v13 =	vsel vm5, $0xF149F2CA, v5  }
0x6b: {  	v12 =	vmax.f32 v12, v13;
	v13 =	vsel vm6, $0xF149F2CA, v4  }
0x6c: {  	vm7 =	vmand vm0, vm7;
	v12 =	vmax.f32 v12, v13;
	v13 =	vsel vm3, $0xF149F2CA, v3  }
0x6d: {  	s16 =	sand.u32 $0x70, s16;
	s17 =	sand.u32 $0x3C00, s14;
	v12 =	vmax.f32 v12, v13;
	v13 =	vsel vm7, $0xF149F2CA, v2  }
0x6e: {  	s16 =	sor.u32 s16, s17;
	v12 =	vmax.f32 v12, v13  }
0x6f: {  	vm8 =	vne.s32 v9, $0x1;
	v11 =	vmax.f32 v12, v11  }
0x70: {  	vm9 =	vne.f32 v7, v11;
	vm10 =	veq.f32 v8, v11;
	v7 =	vsub.f32 v11, v10  }
0x71: {  	vm11 =	veq.f32 v6, v11;
	vm9 =	vmor vm2, vm9;
	vm8 =	vmand vm8, vm10  }
0x72: {  	vm12 =	veq.f32 v5, v11;
	v6 =	vsel vm8, $0x1, v0;
	v5 =	vmul.f32 $1.442695020e+00, v7  }
0x73: {  	vm13 =	veq.f32 v4, v11;
	vm10 =	veq.f32 v3, v11;
	v6 =	vnsel vm9, $0x0, v6  }
0x74: {  	vm9 =	vne.f32 v2, v11;
	vm8 =	veq.s32 v6, $0x8;
	(erf) = vpow2.f32 v5  }
0x75: {  	vm14 =	vne.s32 v9, $0x2;
	vm11 =	vmand vm11, vm8;
	vm8 =	veq.f32 v1, v11  }
0x76: {  	vm11 =	vmand vm14, vm11  }
0x77: {  	v1 =	vsel vm11, $0x2, v6  }
0x78: {  	vm11 =	veq.s32 v1, $0x8  }
0x79: {  	vm11 =	vmand vm12, vm11;
	vm12 =	vne.s32 v9, $0x3  }
0x7a: {  	vm11 =	vmand vm12, vm11  }
0x7b: {  	v1 =	vsel vm11, $0x3, v1  }
0x7c: {  	vm11 =	veq.s32 v1, $0x8  }
0x7d: {  	vm12 =	vne.s32 v9, $0x4;
	vm11 =	vmand vm13, vm11;
	v2 =	vpop (erf)  }
0x7e: {  	vm11 =	vmand vm12, vm11;
	v3 =	vadd.f32 $1.000000000e+00, v2  }
0x7f: {  	v1 =	vsel vm11, $0x4, v1  }
0x80: {  	vm11 =	veq.s32 v1, $0x8;
	(erf) = vrcp.f32 v3  }
0x81: {  	vm10 =	vmand vm10, vm11;
	vm11 =	vne.s32 v9, $0x5  }
0x82: {  	vm10 =	vmand vm11, vm10  }
0x83: {  	v1 =	vsel vm10, $0x5, v1  }
0x84: {  	vm10 =	vne.s32 v1, $0x8  }
0x85: {  	vm9 =	vmor vm9, vm10  }
0x86: {  	vm9 =	vmor vm7, vm9  }
0x87: {  	v1 =	vnsel vm9, $0x6, v1  }
0x88: {  	vm10 =	veq.s32 v1, $0x8  }
0x89: {  	vm8 =	vmand vm8, vm10;
	v3 =	vpop (erf)  }
0x8a: {  	vm8 =	vmand vm0, vm8;
	v2 =	vmul.f32 v3, v2  }
0x8b: {  	v1 =	vsel vm8, $0x7, v1;
	vm9 =	vmor vm8, vm9  }
0x8c: {  	vm10 =	veq.s32 v1, $0x4;
	vm11 =	veq.s32 v1, $0x5;
	v4 =	vsel vm9, $0x0, v2  }
0x8d: {  	v5 =	vnsel vm10, $0x0, v2;
	v6 =	vnsel vm11, $0x0, v2;
	v4 =	vsel vm7, v3, v4  }
0x8e: {  	vm7 =	veq.s32 v1, $0x3;
	v5 =	vsel vm6, v3, v5;
	v6 =	vsel vm3, v3, v6;
	[tilespmem:s11+$0x4300] =	vst v4  }
0x8f: {  	vm3 =	veq.s32 v1, $0x0;
	vm6 =	veq.s32 v1, $0x1;
	v4 =	vnsel vm7, $0x0, v2;
	[tilespmem:s11+$0x4200] =	vst v5  }
0x90: {  	v5 =	vnsel vm3, $0x0, v2;
	vm3 =	veq.s32 v1, $0x2;
	v1 =	vsel vm5, v3, v4;
	[tilespmem:s11+$0x4280] =	vst v6  }
0x91: {  	v4 =	vsel vm2, v3, v5;
	v5 =	vnsel vm6, $0x0, v2;
	v6 =	vnsel vm3, $0x0, v2;
	[tilespmem:s11+$0x4180] =	vst v1  }
0x92: {  	v2 =	vnsel vm8, $0x0, v2;
	v1 =	vsel vm1, v3, v5;
	[tilespmem:s11+$0x4000] =	vst v4;
	v4 =	vsel vm4, v3, v6  }
0x93: {  	v2 =	vsel vm0, v2, v3;
	[tilespmem:s11+$0x4100] =	vst v4  }
0x94: {  	[tilespmem:s11+$0x4080] =	vst v1;
	s11 =	smov.u32 s16  }
0x95: {  	[tilespmem:s12+$0x4000] =	vst v2  }
0x96: {  	v7 =	vld [tilespmem:s11+$0x0]  }
0x97: {  	v8 =	vld [tilespmem:s11+$0x80]  }
0x98: {  	v6 =	vld [tilespmem:s11+$0x100]  }
0x99: {  	s12 =	sand.u32 $0x7, s15;
	v5 =	vld [tilespmem:s11+$0x180]  }
0x9a: {  	s12 =	sshll.u32 s12, $0x4;
	v4 =	vld [tilespmem:s11+$0x200]  }
0x9b: {  	s12 =	sadd.s32 s12, s14;
	v3 =	vld [tilespmem:s11+$0x280]  }
0x9c: {  	s12 =	sor.u32 $0x380, s12;
	v2 =	vld [tilespmem:s11+$0x300];
	v9 =	vmax.f32 v7, v8  }
0x9d: {  	v1 =	vld [tilespmem:s12+$0x0];
	v9 =	vmax.f32 v9, v6  }
0x9e: {  	v9 =	vmax.f32 v9, v5  }
0x9f: {  	v9 =	vmax.f32 v9, v4  }
0xa0: {  	v9 =	vmax.f32 v9, v3  }
0xa1: {  	v9 =	vmax.f32 v9, v2  }
0xa2: {  	v10 =	vmax.f32 v9, v1  }
0xa3: {  	vm0 =	veq.f32 v8, v10;
	vm1 =	veq.f32 v6, v10;
	vm2 =	veq.f32 v5, v10  }
0xa4: {  	vm3 =	vne.f32 v7, v10;
	v9 =	vsel vm0, $0x1, v0;
	vm0 =	veq.f32 v4, v10  }
0xa5: {  	vm4 =	veq.f32 v2, v10;
	v9 =	vnsel vm3, $0x0, v9;
	vm3 =	veq.f32 v3, v10  }
0xa6: {  	vm6 =	vne.f32 v1, v10;
	vm5 =	veq.s32 v9, $0x8  }
0xa7: {  	vm1 =	vmand vm1, vm5  }
0xa8: {  	v9 =	vsel vm1, $0x2, v9  }
0xa9: {  	vm1 =	veq.s32 v9, $0x8  }
0xaa: {  	vm1 =	vmand vm2, vm1  }
0xab: {  	v9 =	vsel vm1, $0x3, v9  }
0xac: {  	vm1 =	veq.s32 v9, $0x8  }
0xad: {  	vm0 =	vmand vm0, vm1  }
0xae: {  	v9 =	vsel vm0, $0x4, v9  }
0xaf: {  	vm0 =	veq.s32 v9, $0x8  }
0xb0: {  	vm0 =	vmand vm3, vm0  }
0xb1: {  	v9 =	vsel vm0, $0x5, v9  }
0xb2: {  	vm0 =	veq.s32 v9, $0x8  }
0xb3: {  	vm7 =	vmand vm4, vm0  }
.Ltmp2:
0xb4: {  	v9 =	vsel vm7, $0x6, v9;
	(pc) =	sbr.rel @p1 .LBB2_2-.Ltmp2, $4  }
0xb5: {  	vm0 =	vne.s32 v9, $0x8  }
0xb6: {  	vm0 =	vmor vm6, vm0  }
0xb7: {  	v12 =	vmax.f32 v7, $-1.000000020e+30;
	v9 =	vnsel vm0, $0x7, v9;
	v11 =	vnsel vm0, $0xF149F2CA, v1  }
0xb8: {  	vm2 =	veq.s32 v9, $0x0;
	vm1 =	veq.s32 v9, $0x1;
	vm3 =	veq.s32 v9, $0x5  }
0xb9: {  	v12 =	vsel vm2, $0xF149F2CA, v12;
	v13 =	vsel vm1, $0xF149F2CA, v8;
	vm4 =	veq.s32 v9, $0x2  }
0xba: {  	vm5 =	veq.s32 v9, $0x3;
	v12 =	vmax.f32 v12, v13;
	v45 =	vsel vm4, $0xF149F2CA, v6  }
0xbb: {  	vm6 =	veq.s32 v9, $0x4;
	v46 =	vsel vm5, $0xF149F2CA, v5;
	v12 =	vmax.f32 v12, v45  }
0xbc: {  	v47 =	vsel vm6, $0xF149F2CA, v4;
	v12 =	vmax.f32 v12, v46  }
0xbd: {  	v48 =	vsel vm3, $0xF149F2CA, v3;
	vm7 =	vmand vm0, vm7;
	v12 =	vmax.f32 v12, v47  }
0xbe: {  	v49 =	vsel vm7, $0xF149F2CA, v2;
	v12 =	vmax.f32 v12, v48  }
0xbf: {  	v12 =	vmax.f32 v12, v49  }
0xc0: {  	v11 =	vmax.f32 v12, v11  }
0xc1: {  	vm8 =	vne.s32 v9, $0x1;
	vm9 =	veq.f32 v8, v11;
	v50 =	vsub.f32 v11, v10  }
0xc2: {  	vm10 =	vne.f32 v7, v11;
	vm8 =	vmand vm8, vm9  }
0xc3: {  	vm14 =	vmor vm2, vm10;
	v51 =	vsel vm8, $0x1, v0;
	v8 =	vmul.f32 $1.442695020e+00, v50  }
0xc4: {  	v7 =	vnsel vm14, $0x0, v51  }
0xc5: {  	vm15 =	veq.f32 v6, v11;
	vm9 =	veq.s32 v7, $0x8;
	(erf) = vpow2.f32 v8  }
0xc6: {  	vm12 =	vne.s32 v9, $0x2;
	vm8 =	vmand vm15, vm9  }
0xc7: {  	vm8 =	vmand vm12, vm8  }
0xc8: {  	v52 =	vsel vm8, $0x2, v7  }
0xc9: {  	vm13 =	veq.f32 v5, v11;
	vm14 =	veq.s32 v52, $0x8  }
0xca: {  	vm15 =	vne.s32 v9, $0x3;
	vm8 =	vmand vm13, vm14  }
0xcb: {  	vm8 =	vmand vm15, vm8  }
0xcc: {  	v53 =	vsel vm8, $0x3, v52  }
0xcd: {  	vm12 =	veq.f32 v4, v11;
	vm13 =	veq.s32 v53, $0x8  }
0xce: {  	vm14 =	vne.s32 v9, $0x4;
	vm8 =	vmand vm12, vm13;
	v54 =	vpop (erf)  }
0xcf: {  	vm8 =	vmand vm14, vm8;
	v55 =	vadd.f32 $1.000000000e+00, v54  }
0xd0: {  	v5 =	vsel vm8, $0x4, v53  }
0xd1: {  	vm15 =	veq.f32 v3, v11;
	vm12 =	veq.s32 v5, $0x8;
	(erf) = vrcp.f32 v55  }
0xd2: {  	vm13 =	vne.s32 v9, $0x5;
	vm8 =	vmand vm15, vm12  }
0xd3: {  	vm8 =	vmand vm13, vm8  }
0xd4: {  	v3 =	vsel vm8, $0x5, v5  }
0xd5: {  	vm14 =	vne.f32 v2, v11;
	vm15 =	vne.s32 v3, $0x8  }
0xd6: {  	vm8 =	vmor vm14, vm15  }
0xd7: {  	vm8 =	vmor vm7, vm8  }
0xd8: {  	v2 =	vnsel vm8, $0x6, v3  }
0xd9: {  	vm12 =	veq.f32 v1, v11;
	vm13 =	veq.s32 v2, $0x8  }
0xda: {  	vm9 =	vmand vm12, vm13;
	v1 =	vpop (erf)  }
0xdb: {  	vm9 =	vmand vm0, vm9;
	v3 =	vmul.f32 v1, v54  }
0xdc: {  	v2 =	vsel vm9, $0x7, v2;
	vm8 =	vmor vm9, vm8  }
0xdd: {  	vm14 =	veq.s32 v2, $0x4;
	v4 =	vsel vm8, $0x0, v3  }
0xde: {  	vm15 =	veq.s32 v2, $0x5;
	v56 =	vnsel vm14, $0x0, v3;
	v4 =	vsel vm7, v1, v4  }
0xdf: {  	vm12 =	veq.s32 v2, $0x3;
	v57 =	vnsel vm15, $0x0, v3;
	v5 =	vsel vm6, v1, v56;
	[tilespmem:s11+$0x4300] =	vst v4  }
0xe0: {  	vm13 =	veq.s32 v2, $0x0;
	v59 =	vnsel vm12, $0x0, v3;
	v58 =	vsel vm3, v1, v57;
	[tilespmem:s11+$0x4200] =	vst v5  }
0xe1: {  	v60 =	vnsel vm13, $0x0, v3;
	vm14 =	veq.s32 v2, $0x2;
	v6 =	vsel vm5, v1, v59;
	[tilespmem:s11+$0x4280] =	vst v58  }
0xe2: {  	vm15 =	veq.s32 v2, $0x1;
	v2 =	vsel vm2, v1, v60;
	v61 =	vnsel vm14, $0x0, v3;
	[tilespmem:s11+$0x4180] =	vst v6  }
0xe3: {  	v62 =	vnsel vm15, $0x0, v3;
	[tilespmem:s11+$0x4000] =	vst v2;
	v2 =	vsel vm4, v1, v61  }
0xe4: {  	v3 =	vnsel vm9, $0x0, v3;
	v63 =	vsel vm1, v1, v62;
	[tilespmem:s11+$0x4100] =	vst v2  }
0xe5: {  	v1 =	vsel vm0, v3, v1;
	[tilespmem:s11+$0x4080] =	vst v63  }
.Ltmp3:
0xe6: {  	[tilespmem:s12+$0x4000] =	vst v1;
	(pc) =	sbr.rel @p0 .LBB2_7-.Ltmp3, $4  }
0xe7: {  	[hbm4b:s4+s2] =	stream.linear.scatter [tilespmem:s9], [sflag:$0x1], $0x4000, $0x38;
	[tilespmem:$0x8000] =	vst v63  }
0xe8: {  	_ =	swait.ge [sflag:s8], $0x4000  }
0xe9: {  	[sflag:s8] =	ssyncset.done $0x0  }
0xea: {  	[sflag:s8] =	ssyncadd.s32 $0xFFFFC000  }
0xeb: {  	s13 =	simm.s32 $0x0  }
0xec: {  	[tilespmem:s13], [sflag:$0x1] =	stream.linear.gather [hbm4b:s5+s13], $0x4000, $0x38;
	[tilespmem:$0x8000] =	vst v63  }
0xed: {  	_ =	swait.ge [sflag:s8], $0x4000  }
0xee: {  	s11 =	sand.u32 $0x70, s13;
	s12 =	sand.u32 $0x3C00, s13;
	[sflag:s8] =	ssyncset.done $0x0  }
0xef: {  	s11 =	sor.u32 s11, s12;
	[sflag:s8] =	ssyncadd.s32 $0xFFFFC000  }
0xf0: {  	v7 =	vld [tilespmem:s11+$0x0]  }
0xf1: {  	v8 =	vld [tilespmem:s11+$0x80]  }
0xf2: {  	v6 =	vld [tilespmem:s11+$0x100]  }
0xf3: {  	s31 =	sand.u32 $0x7, s13;
	v5 =	vld [tilespmem:s11+$0x180]  }
0xf4: {  	s12 =	sshll.u32 s31, $0x4;
	v4 =	vld [tilespmem:s11+$0x200]  }
0xf5: {  	s12 =	sadd.s32 $0x0, s12;
	v3 =	vld [tilespmem:s11+$0x280]  }
0xf6: {  	s12 =	sor.u32 $0x380, s12;
	v2 =	vld [tilespmem:s11+$0x300];
	v9 =	vmax.f32 v7, v8  }
0xf7: {  	v1 =	vld [tilespmem:s12+$0x0];
	v9 =	vmax.f32 v9, v6  }
0xf8: {  	v9 =	vmax.f32 v9, v5  }
0xf9: {  	v9 =	vmax.f32 v9, v4  }
0xfa: {  	v9 =	vmax.f32 v9, v3  }
0xfb: {  	v9 =	vmax.f32 v9, v2  }
0xfc: {  	v10 =	vmax.f32 v9, v1  }
0xfd: {  	vm0 =	veq.f32 v8, v10  }
0xfe: {  	vm1 =	vne.f32 v7, v10;
	v9 =	vsel vm0, $0x1, v0  }
0xff: {  	v9 =	vnsel vm1, $0x0, v9  }
0x100: {  	vm0 =	veq.f32 v6, v10;
	vm1 =	veq.s32 v9, $0x8  }
0x101: {  	vm0 =	vmand vm0, vm1  }
0x102: {  	v9 =	vsel vm0, $0x2, v9  }
0x103: {  	vm0 =	veq.f32 v5, v10;
	vm1 =	veq.s32 v9, $0x8  }
0x104: {  	vm0 =	vmand vm0, vm1  }
0x105: {  	v9 =	vsel vm0, $0x3, v9  }
0x106: {  	vm0 =	veq.f32 v4, v10;
	vm1 =	veq.s32 v9, $0x8  }
0x107: {  	vm0 =	vmand vm0, vm1  }
0x108: {  	v9 =	vsel vm0, $0x4, v9  }
0x109: {  	vm0 =	veq.f32 v3, v10;
	vm1 =	veq.s32 v9, $0x8  }
0x10a: {  	vm0 =	vmand vm0, vm1  }
0x10b: {  	v9 =	vsel vm0, $0x5, v9  }
0x10c: {  	vm0 =	veq.f32 v2, v10;
	vm1 =	veq.s32 v9, $0x8  }
0x10d: {  	vm7 =	vmand vm0, vm1  }
0x10e: {  	v9 =	vsel vm7, $0x6, v9  }
0x10f: {  	vm0 =	vne.f32 v1, v10;
	vm1 =	vne.s32 v9, $0x8  }
0x110: {  	vm0 =	vmor vm0, vm1  }
0x111: {  	v12 =	vmax.f32 v7, $-1.000000020e+30;
	v9 =	vnsel vm0, $0x7, v9;
	v11 =	vnsel vm0, $0xF149F2CA, v1  }
0x112: {  	s14 =	simm.s32 $0x10;
	s15 =	simm.s32 $0x0;
	vm2 =	veq.s32 v9, $0x0;
	vm1 =	veq.s32 v9, $0x1;
	vm3 =	veq.s32 v9, $0x5  }
.LBB2_5:
0x113: {  	p1 =	sne.s32 s14, $0x7C0;
	v12 =	vsel vm2, $0xF149F2CA, v12;
	v13 =	vsel vm1, $0xF149F2CA, v8;
	vm4 =	veq.s32 v9, $0x2;
	s13 =	sadd.s32 $0x80, s13;
	s15 =	sadd.s32 $0x1, s15  }
0x114: {  	vm5 =	veq.s32 v9, $0x3;
	s16 =	smov.u32 s14;
	s14 =	sadd.s32 $0x10, s14;
	v12 =	vmax.f32 v12, v13;
	v13 =	vsel vm4, $0xF149F2CA, v6  }
0x115: {  	vm6 =	veq.s32 v9, $0x4;
	v12 =	vmax.f32 v12, v13;
	v13 =	vsel vm5, $0xF149F2CA, v5  }
0x116: {  	v12 =	vmax.f32 v12, v13;
	v13 =	vsel vm6, $0xF149F2CA, v4  }
0x117: {  	vm7 =	vmand vm0, vm7;
	v12 =	vmax.f32 v12, v13;
	v13 =	vsel vm3, $0xF149F2CA, v3  }
0x118: {  	s16 =	sand.u32 $0x70, s16;
	s17 =	sand.u32 $0x3C00, s13;
	v12 =	vmax.f32 v12, v13;
	v13 =	vsel vm7, $0xF149F2CA, v2  }
0x119: {  	s16 =	sor.u32 s16, s17;
	v12 =	vmax.f32 v12, v13  }
0x11a: {  	vm8 =	vne.s32 v9, $0x1;
	v11 =	vmax.f32 v12, v11  }
0x11b: {  	vm9 =	vne.f32 v7, v11;
	vm10 =	veq.f32 v8, v11;
	v7 =	vsub.f32 v11, v10  }
0x11c: {  	vm11 =	veq.f32 v6, v11;
	vm9 =	vmor vm2, vm9;
	vm8 =	vmand vm8, vm10  }
0x11d: {  	vm12 =	veq.f32 v5, v11;
	v6 =	vsel vm8, $0x1, v0;
	v5 =	vmul.f32 $1.442695020e+00, v7  }
0x11e: {  	vm13 =	veq.f32 v4, v11;
	vm10 =	veq.f32 v3, v11;
	v6 =	vnsel vm9, $0x0, v6  }
0x11f: {  	vm9 =	vne.f32 v2, v11;
	vm8 =	veq.s32 v6, $0x8;
	(erf) = vpow2.f32 v5  }
0x120: {  	vm14 =	vne.s32 v9, $0x2;
	vm11 =	vmand vm11, vm8;
	vm8 =	veq.f32 v1, v11  }
0x121: {  	vm11 =	vmand vm14, vm11  }
0x122: {  	v1 =	vsel vm11, $0x2, v6  }
0x123: {  	vm11 =	veq.s32 v1, $0x8  }
0x124: {  	vm11 =	vmand vm12, vm11;
	vm12 =	vne.s32 v9, $0x3  }
0x125: {  	vm11 =	vmand vm12, vm11  }
0x126: {  	v1 =	vsel vm11, $0x3, v1  }
0x127: {  	vm11 =	veq.s32 v1, $0x8  }
0x128: {  	vm12 =	vne.s32 v9, $0x4;
	vm11 =	vmand vm13, vm11;
	v2 =	vpop (erf)  }
0x129: {  	vm11 =	vmand vm12, vm11;
	v3 =	vadd.f32 $1.000000000e+00, v2  }
0x12a: {  	v1 =	vsel vm11, $0x4, v1  }
0x12b: {  	vm11 =	veq.s32 v1, $0x8;
	(erf) = vrcp.f32 v3  }
0x12c: {  	vm10 =	vmand vm10, vm11;
	vm11 =	vne.s32 v9, $0x5  }
0x12d: {  	vm10 =	vmand vm11, vm10  }
0x12e: {  	v1 =	vsel vm10, $0x5, v1  }
0x12f: {  	vm10 =	vne.s32 v1, $0x8  }
0x130: {  	vm9 =	vmor vm9, vm10  }
0x131: {  	vm9 =	vmor vm7, vm9  }
0x132: {  	v1 =	vnsel vm9, $0x6, v1  }
0x133: {  	vm10 =	veq.s32 v1, $0x8  }
0x134: {  	vm8 =	vmand vm8, vm10;
	v3 =	vpop (erf)  }
0x135: {  	vm8 =	vmand vm0, vm8;
	v2 =	vmul.f32 v3, v2  }
0x136: {  	v1 =	vsel vm8, $0x7, v1;
	vm9 =	vmor vm8, vm9  }
0x137: {  	vm10 =	veq.s32 v1, $0x4;
	vm11 =	veq.s32 v1, $0x5;
	v4 =	vsel vm9, $0x0, v2  }
0x138: {  	v5 =	vnsel vm10, $0x0, v2;
	v6 =	vnsel vm11, $0x0, v2;
	v4 =	vsel vm7, v3, v4  }
0x139: {  	vm7 =	veq.s32 v1, $0x3;
	v5 =	vsel vm6, v3, v5;
	v6 =	vsel vm3, v3, v6;
	[tilespmem:s11+$0x4300] =	vst v4  }
0x13a: {  	vm3 =	veq.s32 v1, $0x0;
	vm6 =	veq.s32 v1, $0x1;
	v4 =	vnsel vm7, $0x0, v2;
	[tilespmem:s11+$0x4200] =	vst v5  }
0x13b: {  	v5 =	vnsel vm3, $0x0, v2;
	vm3 =	veq.s32 v1, $0x2;
	v1 =	vsel vm5, v3, v4;
	[tilespmem:s11+$0x4280] =	vst v6  }
0x13c: {  	v4 =	vsel vm2, v3, v5;
	v5 =	vnsel vm6, $0x0, v2;
	v6 =	vnsel vm3, $0x0, v2;
	[tilespmem:s11+$0x4180] =	vst v1  }
0x13d: {  	v2 =	vnsel vm8, $0x0, v2;
	v1 =	vsel vm1, v3, v5;
	[tilespmem:s11+$0x4000] =	vst v4;
	v4 =	vsel vm4, v3, v6  }
0x13e: {  	v2 =	vsel vm0, v2, v3;
	[tilespmem:s11+$0x4100] =	vst v4  }
0x13f: {  	[tilespmem:s11+$0x4080] =	vst v1;
	s11 =	smov.u32 s16  }
0x140: {  	[tilespmem:s12+$0x4000] =	vst v2  }
0x141: {  	v7 =	vld [tilespmem:s11+$0x0]  }
0x142: {  	v8 =	vld [tilespmem:s11+$0x80]  }
0x143: {  	v6 =	vld [tilespmem:s11+$0x100]  }
0x144: {  	s12 =	sand.u32 $0x7, s15;
	v5 =	vld [tilespmem:s11+$0x180]  }
0x145: {  	s12 =	sshll.u32 s12, $0x4;
	v4 =	vld [tilespmem:s11+$0x200]  }
0x146: {  	s12 =	sadd.s32 s12, s13;
	v3 =	vld [tilespmem:s11+$0x280]  }
0x147: {  	s12 =	sor.u32 $0x380, s12;
	v2 =	vld [tilespmem:s11+$0x300];
	v9 =	vmax.f32 v7, v8  }
0x148: {  	v1 =	vld [tilespmem:s12+$0x0];
	v9 =	vmax.f32 v9, v6  }
0x149: {  	v9 =	vmax.f32 v9, v5  }
0x14a: {  	v9 =	vmax.f32 v9, v4  }
0x14b: {  	v9 =	vmax.f32 v9, v3  }
0x14c: {  	v9 =	vmax.f32 v9, v2  }
0x14d: {  	v10 =	vmax.f32 v9, v1  }
0x14e: {  	vm0 =	veq.f32 v8, v10;
	vm1 =	veq.f32 v6, v10;
	vm2 =	veq.f32 v5, v10  }
0x14f: {  	vm3 =	vne.f32 v7, v10;
	v9 =	vsel vm0, $0x1, v0;
	vm0 =	veq.f32 v4, v10  }
0x150: {  	vm4 =	veq.f32 v2, v10;
	v9 =	vnsel vm3, $0x0, v9;
	vm3 =	veq.f32 v3, v10  }
0x151: {  	vm6 =	vne.f32 v1, v10;
	vm5 =	veq.s32 v9, $0x8  }
0x152: {  	vm1 =	vmand vm1, vm5  }
0x153: {  	v9 =	vsel vm1, $0x2, v9  }
0x154: {  	vm1 =	veq.s32 v9, $0x8  }
0x155: {  	vm1 =	vmand vm2, vm1  }
0x156: {  	v9 =	vsel vm1, $0x3, v9  }
0x157: {  	vm1 =	veq.s32 v9, $0x8  }
0x158: {  	vm0 =	vmand vm0, vm1  }
0x159: {  	v9 =	vsel vm0, $0x4, v9  }
0x15a: {  	vm0 =	veq.s32 v9, $0x8  }
0x15b: {  	vm0 =	vmand vm3, vm0  }
0x15c: {  	v9 =	vsel vm0, $0x5, v9  }
0x15d: {  	vm0 =	veq.s32 v9, $0x8  }
0x15e: {  	vm7 =	vmand vm4, vm0  }
.Ltmp4:
0x15f: {  	v9 =	vsel vm7, $0x6, v9;
	(pc) =	sbr.rel @p1 .LBB2_5-.Ltmp4, $4  }
0x160: {  	vm0 =	vne.s32 v9, $0x8  }
0x161: {  	vm0 =	vmor vm6, vm0  }
0x162: {  	v12 =	vmax.f32 v7, $-1.000000020e+30;
	v9 =	vnsel vm0, $0x7, v9;
	v11 =	vnsel vm0, $0xF149F2CA, v1  }
0x163: {  	vm2 =	veq.s32 v9, $0x0;
	vm1 =	veq.s32 v9, $0x1;
	vm3 =	veq.s32 v9, $0x5  }
.Ltmp5:
0x164: {  	_ = 	snop;
	(pc) =	sbr.rel .LBB2_6-.Ltmp5, $1  }
0x165: {  	_ =	sdelay $0x3  }
.LBB2_8:
0x166: {  	_ =	sfence.sel $0x180000  }
0x167: {  	[bflag:$0x0] =	sbarrier.arrive $0xFFFF  }
0x168: {  	p0 =	sne.s32 s1, $0x0;
	_ =	strace $0x90000047  }
0x169: {  	s0 =	sadd.s32 @!p0 $0x100000, s0;
	[bflag:$0x2] =	sbarrier.arrive $0xFFFF  }
0x16a: {  	[sflag:s0] =	ssyncadd.tile.s32 @!p0 $0x1;
	_ =	shalt  }
.Lfunc_end2:
_tile_overlayer_lowered:
.L_overlay_start_2:
0x16b: {  	(tag) =	ssettag $0x2  }
0x16c: {  	s0 =	rddreg [dreg:$0x0];
	s2 =	stileid.u32  }
0x16d: {  	s1 =	rddreg [dreg:$0x1];
	p0 =	sne.s32 s2, $0x0  }
0x16e: {  	s3 =	rddreg [dreg:$0x2];
	[bflag:$0x3] =	sbarrier.arrive $0xFFFF;
	s2 =	simm.s32 @!p0 $0x1C01  }
0x16f: {  	[timem:s3], [sflag:s2] =	dma.local @!p0 [hbm:s0], s1  }
0x170: {  	s0 =	simm.s32 @!p0 $0x1  }
0x171: {  	_ =	swait.ge @!p0 [sflag:s0], s1  }
0x172: {  	s1 =	ssub.s32 @!p0 $0x0, s1;
	[sflag:s0] =	ssyncset.done @!p0 $0x0  }
0x173: {  	[sflag:s0] =	ssyncadd.s32 @!p0 s1  }
0x174: {  	[bflag:$0x3] =	sbarrier.arrive $0xFFFF  }
0x175: {  	_ =	shalt  }

</sc_bundles>
